<compile_context>
chip_gen: v7x
topology: tpu7x:2x2x1
jax: 0.10.2.dev20260603
libtpu: 0.0.44.dev20260713+nightly
codegen_flags: <defaults>
</compile_context>

<pallas_src>
import functools

import jax
import jax.numpy as jnp
from jax import lax
from jax.experimental import pallas as pl
from jax.experimental.pallas import tpu as pltpu
from jax.experimental.pallas import tpu_sc as plsc

D = 1024
H = 4096
E = 8
K = 2
B = 2048
A = B * K
EP = 128
T = 1024
NT = A // T + E
P = NT * T
HC = 512
NH = H // HC

NC, NS = 2, 16
NW = NC * NS
TPW = B // NW

_NEG = -1e30


def _gating_body(x_ref, gw_ref, gb_ref, loss_ref, slots_ref, gates_ref,
                 etile_ref, act_ref, ranks_ref, ea_ref):
    f32 = jnp.float32
    logits = jnp.dot(x_ref[...], gw_ref[...], preferred_element_type=f32)
    logits = logits + gb_ref[...]
    col = lax.broadcasted_iota(jnp.int32, (B, EP), 1)
    valid = col < E
    lm = jnp.where(valid, logits, _NEG)

    m0 = jnp.max(lm, axis=1, keepdims=True)
    i0 = jnp.min(jnp.where(lm == m0, col, EP), axis=1, keepdims=True)
    lx = jnp.where(col == i0, _NEG, lm)
    m1 = jnp.max(lx, axis=1, keepdims=True)
    i1 = jnp.min(jnp.where(lx == m1, col, EP), axis=1, keepdims=True)

    e1 = jnp.exp(m1 - m0)
    g0 = 1.0 / (1.0 + e1)
    g1 = e1 / (1.0 + e1)

    pfull = jnp.exp(lm - m0)
    probs = pfull / jnp.sum(pfull, axis=1, keepdims=True)
    mean_probs = jnp.sum(probs, axis=0, keepdims=True) * (1.0 / B)
    dif = jnp.where(lax.broadcasted_iota(jnp.int32, (1, EP), 1) < E,
                    mean_probs - (1.0 / E), 0.0)
    loss_ref[...] = jnp.sum(dif * dif).reshape(1, 1)

    r128 = lax.broadcasted_iota(jnp.int32, (128, 128), 0)
    c128 = lax.broadcasted_iota(jnp.int32, (128, 128), 1)
    tril = (r128 > c128).astype(f32)
    triu = (r128 < c128).astype(f32)

    ea_ref[pl.ds(0, B), :] = i0
    ea_ref[pl.ds(B, B), :] = i1

    def chunk(c, run):
        base = c * 128
        ea = ea_ref[pl.ds(base, 128), :]
        onehot = (ea == lax.broadcasted_iota(jnp.int32, (128, EP), 1)).astype(f32)
        pre = jnp.dot(tril, onehot, preferred_element_type=f32) + run
        rank = jnp.sum(pre * onehot, axis=1, keepdims=True)
        ranks_ref[pl.ds(c * 128, 128), :] = rank
        return run + jnp.sum(onehot, axis=0, keepdims=True)

    counts = lax.fori_loop(0, A // 128, chunk, jnp.zeros((1, EP), f32))

    ecol = lax.broadcasted_iota(jnp.int32, (1, EP), 1)
    padded = jnp.where(ecol < E,
                       jnp.floor((counts + (T - 1)) * (1.0 / T)) * T, 0.0)
    offs = jnp.dot(padded, triu, preferred_element_type=f32)

    def slot_chunk(c, _):
        base = c * 128
        ea = ea_ref[pl.ds(base, 128), :]
        onehot = (ea == lax.broadcasted_iota(jnp.int32, (128, EP), 1)).astype(f32)
        off_j = jnp.dot(onehot, offs.reshape(EP, 1), preferred_element_type=f32)
        rank = ranks_ref[pl.ds(base, 128), :]
        slots_ref[pl.ds(base, 128), :] = (off_j + rank).astype(jnp.int32)
        return 0

    lax.fori_loop(0, A // 128, slot_chunk, 0)

    gates_ref[pl.ds(0, B), :] = jnp.broadcast_to(g0, (B, 16))
    gates_ref[pl.ds(B, B), :] = jnp.broadcast_to(g1, (B, 16))

    tstart = lax.broadcasted_iota(jnp.int32, (NT, EP), 0).astype(f32) * T
    offb = jnp.broadcast_to(offs, (NT, EP))
    pb = jnp.broadcast_to(padded, (NT, EP))
    emask = ((tstart >= offb) & (tstart < offb + pb) &
             (lax.broadcasted_iota(jnp.int32, (NT, EP), 1) < E))
    emf = emask.astype(f32)
    etile_ref[...] = jnp.sum(
        emf * lax.broadcasted_iota(jnp.int32, (NT, EP), 1).astype(f32),
        axis=1, keepdims=True
    ).astype(jnp.int32)
    act_ref[...] = jnp.sum(emf, axis=1, keepdims=True).astype(jnp.int32)


def _gating(x, gwp, gbp):
    return pl.pallas_call(
        _gating_body,
        out_shape=(
            jax.ShapeDtypeStruct((1, 1), jnp.float32),
            jax.ShapeDtypeStruct((A, 1), jnp.int32),
            jax.ShapeDtypeStruct((A, 16), jnp.float32),
            jax.ShapeDtypeStruct((NT, 1), jnp.int32),
            jax.ShapeDtypeStruct((NT, 1), jnp.int32),
        ),
        scratch_shapes=[pltpu.VMEM((A, 1), jnp.float32),
                        pltpu.VMEM((A, 1), jnp.int32)],
    )(x, gwp, gbp)


def _ffn_body(et_ref, act_ref, xs_ref, w1_ref, b1_ref, w2_ref, b2_ref, out_ref):
    i = pl.program_id(0)
    j = pl.program_id(1)

    @pl.when(act_ref[i] == 1)
    def _():
        xb = xs_ref[...].astype(jnp.bfloat16)
        w1 = w1_ref[0].astype(jnp.bfloat16)
        h = jnp.dot(xb, w1, preferred_element_type=jnp.float32)
        h = jnp.maximum(h + b1_ref[0], 0.0)
        w2 = w2_ref[0].astype(jnp.bfloat16)
        acc = jnp.dot(h.astype(jnp.bfloat16), w2,
                      preferred_element_type=jnp.float32)

        @pl.when(j == 0)
        def _():
            out_ref[...] = acc + b2_ref[0]

        @pl.when(j != 0)
        def _():
            out_ref[...] += acc


def _ffn(e_of_tile, active, xs, W1, b1, W2, b2):
    grid_spec = pltpu.PrefetchScalarGridSpec(
        num_scalar_prefetch=2,
        grid=(NT, NH),
        in_specs=[
            pl.BlockSpec((T, D), lambda i, j, et, at: (i, 0)),
            pl.BlockSpec((1, D, HC), lambda i, j, et, at: (et[i], 0, j)),
            pl.BlockSpec((1, 1, HC), lambda i, j, et, at: (et[i], 0, j)),
            pl.BlockSpec((1, HC, D), lambda i, j, et, at: (et[i], j, 0)),
            pl.BlockSpec((1, 1, D), lambda i, j, et, at: (et[i], 0, 0)),
        ],
        out_specs=pl.BlockSpec((T, D), lambda i, j, et, at: (i, 0)),
    )
    return pl.pallas_call(
        _ffn_body,
        grid_spec=grid_spec,
        out_shape=jax.ShapeDtypeStruct((P, D), jnp.float32),
    )(e_of_tile, active, xs, W1, b1.reshape(E, 1, H), W2, b2.reshape(E, 1, D))


def _dispatch_sc(x, slots):
    mesh = plsc.VectorSubcoreMesh(core_axis_name="c", subcore_axis_name="s")

    @functools.partial(
        pl.kernel,
        mesh=mesh,
        out_type=jax.ShapeDtypeStruct((P, D), jnp.float32),
        scratch_types=[
            pltpu.VMEM((TPW,), jnp.int32),
            pltpu.VMEM((TPW,), jnp.int32),
            pltpu.VMEM((TPW, D), jnp.float32),
            pltpu.SemaphoreType.DMA,
            pltpu.SemaphoreType.DMA,
        ],
    )
    def dispatch(x_hbm, slots_hbm, xs_hbm, idx0_v, idx1_v, rows_v, s0, s1):
        wid = lax.axis_index("s") * NC + lax.axis_index("c")
        base = wid * TPW
        pltpu.sync_copy(slots_hbm.at[pl.ds(base, TPW)], idx0_v)
        pltpu.sync_copy(slots_hbm.at[pl.ds(B + base, TPW)], idx1_v)
        pltpu.sync_copy(x_hbm.at[pl.ds(base, TPW)], rows_v)
        c0 = pltpu.make_async_copy(rows_v, xs_hbm.at[idx0_v], s0)
        c1 = pltpu.make_async_copy(rows_v, xs_hbm.at[idx1_v], s1)
        c0.start()
        c1.start()
        c0.wait()
        c1.wait()

    return dispatch(x, slots)


CH = 16


def _combine_sc(ys, slots, gates):
    mesh = plsc.VectorSubcoreMesh(core_axis_name="c", subcore_axis_name="s")

    @functools.partial(
        pl.kernel,
        mesh=mesh,
        out_type=jax.ShapeDtypeStruct((B, D), jnp.float32),
        scratch_types=[
            pltpu.VMEM((CH,), jnp.int32),
            pltpu.VMEM((CH,), jnp.int32),
            pltpu.VMEM((CH, 16), jnp.float32),
            pltpu.VMEM((CH, 16), jnp.float32),
            pltpu.VMEM((CH, D), jnp.float32),
            pltpu.VMEM((CH, D), jnp.float32),
            pltpu.VMEM((CH, D), jnp.float32),
            pltpu.SemaphoreType.DMA,
            pltpu.SemaphoreType.DMA,
        ],
    )
    def combine(ys_hbm, slots_hbm, gates_hbm, out_hbm,
                idx0_v, idx1_v, g0_v, g1_v, r0_v, r1_v, o_v, s0, s1):
        wid = lax.axis_index("s") * NC + lax.axis_index("c")
        base = wid * TPW

        def chunk(c, _):
            tb = base + c * CH
            pltpu.sync_copy(slots_hbm.at[pl.ds(tb, CH)], idx0_v)
            pltpu.sync_copy(slots_hbm.at[pl.ds(B + tb, CH)], idx1_v)
            pltpu.sync_copy(gates_hbm.at[pl.ds(tb, CH)], g0_v)
            pltpu.sync_copy(gates_hbm.at[pl.ds(B + tb, CH)], g1_v)
            c0 = pltpu.make_async_copy(ys_hbm.at[idx0_v], r0_v, s0)
            c1 = pltpu.make_async_copy(ys_hbm.at[idx1_v], r1_v, s1)
            c0.start()
            c1.start()
            c0.wait()
            c1.wait()

            def token(t, _):
                g0 = g0_v[t, pl.ds(0, 16)]
                g1 = g1_v[t, pl.ds(0, 16)]
                for v in range(D // 16):
                    sl = pl.ds(v * 16, 16)
                    o_v[t, sl] = g0 * r0_v[t, sl] + g1 * r1_v[t, sl]
                return 0

            lax.fori_loop(0, CH, token, 0)
            pltpu.sync_copy(o_v, out_hbm.at[pl.ds(tb, CH)])
            return 0

        lax.fori_loop(0, TPW // CH, chunk, 0)

    return combine(ys, slots, gates)


def kernel(x, gate_W, gate_b, W1, b1, W2, b2):
    gwp = jnp.pad(gate_W, ((0, 0), (0, EP - E)))
    gbp = jnp.pad(gate_b, (0, EP - E)).reshape(1, EP)
    loss, slots2, gates2, etile, act = _gating(x, gwp, gbp)
    slots = slots2.reshape(A)
    xs = _dispatch_sc(x, slots)
    ys = _ffn(etile.reshape(NT), act.reshape(NT), xs, W1, b1, W2, b2)
    out = _combine_sc(ys, slots, gates2)
    return out, loss.reshape(())

# --- scband reference (transcript-rebuilt; emitter-appended) ---
"""Pipeline reference for scband-mixture-of-experts-44392781972003 (READ-ONLY COPY).

The authoritative reference and input builder live on the scoring server;
editing this copy changes nothing except your own understanding.
"""

import jax, jax.numpy as jnp
import numpy as np

INPUT_DIM = 1024
HIDDEN_DIM = 4096
NUM_EXPERTS = 8
TOP_K = 2
N_TOKENS = 2048


def setup_inputs(seed: int = 0) -> dict:
    key = jax.random.key(seed)
    ks = jax.random.split(key, 8)
    x = jax.random.normal(ks[0], (N_TOKENS, INPUT_DIM), dtype=jnp.float32)
    gate_W = jax.random.normal(ks[1], (INPUT_DIM, NUM_EXPERTS), dtype=jnp.float32) * 0.02
    gate_b = jnp.zeros((NUM_EXPERTS,), dtype=jnp.float32)
    W1 = jax.random.normal(ks[2], (NUM_EXPERTS, INPUT_DIM, HIDDEN_DIM), dtype=jnp.float32) * 0.02
    b1 = jnp.zeros((NUM_EXPERTS, HIDDEN_DIM), dtype=jnp.float32)
    W2 = jax.random.normal(ks[3], (NUM_EXPERTS, HIDDEN_DIM, INPUT_DIM), dtype=jnp.float32) * 0.02
    b2 = jnp.zeros((NUM_EXPERTS, INPUT_DIM), dtype=jnp.float32)
    return {"x": x, "gate_W": gate_W, "gate_b": gate_b, "W1": W1, "b1": b1, "W2": W2, "b2": b2}


def reference(x, gate_W, gate_b, W1, b1, W2, b2):
    # Gating network
    gate_logits = x @ gate_W + gate_b  # [B, E]
    top_k_logits, top_k_indices = jax.lax.top_k(gate_logits, TOP_K)  # [B, K]
    top_k_gates = jax.nn.softmax(top_k_logits, axis=1)  # [B, K]
    gate_probs = jax.nn.softmax(gate_logits, axis=1)  # [B, E]

    # Load balancing loss
    mean_probs = jnp.mean(gate_probs, axis=0)
    ideal_prob = 1.0 / NUM_EXPERTS
    load_balancing_loss = jnp.mean((mean_probs - ideal_prob) ** 2) * NUM_EXPERTS

    # Scatter top-k gates into dense [B, E] gate matrix (zero for non-selected experts).
    # top_k indices are distinct per row, so .set is equivalent to the torch positional sum.
    B = x.shape[0]
    gates_full = jnp.zeros((B, NUM_EXPERTS), dtype=x.dtype)
    gates_full = gates_full.at[jnp.arange(B)[:, None], top_k_indices].set(top_k_gates)

    # Expert FFNs (dropout in eval mode = identity). Dense compute across experts,
    # weighted by gates which are exactly zero for non-selected experts -> identical math
    # to the masked per-expert loop in the torch module.
    h = jnp.einsum('bd,edh->ebh', x, W1) + b1[:, None, :]
    h = jnp.maximum(h, 0.0)  # ReLU
    o = jnp.einsum('ebh,ehd->ebd', h, W2) + b2[:, None, :]
    output = jnp.einsum('ebd,eb->bd', o, gates_full.T)
    return (output, load_balancing_loss)

if __name__ == "__main__":
    import jax
    _d = setup_inputs()
    print(jax.jit(kernel)(*tuple(_d.values())))

</pallas_src>

<mosaic_0001>
#map = affine_map<(d0, d1) -> (0, 0)>
#map1 = affine_map<(d0, d1) -> (0)>
module attributes {stable_mosaic.version = 14 : i64} {
  func.func @dispatch(%arg0: i32, %arg1: i32, %arg2: memref<2048x1024xf32, #tpu.memory_space<hbm>>, %arg3: memref<4096xi32, #tpu.memory_space<hbm>>, %arg4: memref<12288x1024xf32, #tpu.memory_space<hbm>>, %arg5: memref<64xi32, #tpu.memory_space<vmem>>, %arg6: memref<64xi32, #tpu.memory_space<vmem>>, %arg7: memref<64x1024xf32, #tpu.memory_space<vmem>>, %arg8: memref<!tpu.dma_semaphore, #tpu.memory_space<semaphore_mem>>, %arg9: memref<!tpu.dma_semaphore, #tpu.memory_space<semaphore_mem>>) attributes {dimension_semantics = [#tpu.dimension_semantics<core_parallel>, #tpu.dimension_semantics<subcore_parallel>], iteration_bounds = array<i64: 2, 16>, scalar_prefetch = 0 : i64, scratch_operands = 5 : i64, tpu.core_type = #tpu.core_type<sc_vector_subcore>, window_params = [{transform_indices = #map}, {transform_indices = #map1}, {transform_indices = #map}]} {
    %mul3A = arith.constant 2 : i32
    %mul3A_0 = arith.muli %arg1, %mul3A : i32
    %add3A = arith.addi %mul3A_0, %arg0 : i32
    %mul3A_1 = arith.constant 64 : i32
    %mul3A_2 = arith.muli %add3A, %mul3A_1 : i32
    "tpu.region"() ({
      %run_scoped3A = tpu.sem_alloc : memref<!tpu.dma_semaphore, #tpu.memory_space<semaphore_mem>>
      %dma_start3A_15 = tpu.memref_slice %arg3[%mul3A_2] : memref<4096xi32, #tpu.memory_space<hbm>> -> memref<64xi32, #tpu.memory_space<hbm>>
      %dma_start3A_16 = tpu.memref_slice %arg3[%mul3A_2] : memref<4096xi32, #tpu.memory_space<hbm>> -> memref<64xi32, #tpu.memory_space<hbm>>
      tpu.enqueue_dma source(%dma_start3A_16 : memref<64xi32, #tpu.memory_space<hbm>>) target(%arg5 : memref<64xi32, #tpu.memory_space<vmem>>) target_semaphore(%run_scoped3A : memref<!tpu.dma_semaphore, #tpu.memory_space<semaphore_mem>>)
      %dma_wait3A_17 = tpu.memref_slice %arg3[%mul3A_2] : memref<4096xi32, #tpu.memory_space<hbm>> -> memref<64xi32, #tpu.memory_space<hbm>>
      %dma_wait3A_18 = tpu.memref_slice %arg3[%mul3A_2] : memref<4096xi32, #tpu.memory_space<hbm>> -> memref<64xi32, #tpu.memory_space<hbm>>
      tpu.wait_dma2 semaphore(%run_scoped3A : memref<!tpu.dma_semaphore, #tpu.memory_space<semaphore_mem>>) src(%dma_wait3A_18 : memref<64xi32, #tpu.memory_space<hbm>>) dst(%arg5 : memref<64xi32, #tpu.memory_space<vmem>>)
      tpu.yield
    }) : () -> ()
    %add3A_3 = arith.constant 2048 : i32
    %add3A_4 = arith.addi %add3A_3, %mul3A_2 : i32
    "tpu.region"() ({
      %run_scoped3A = tpu.sem_alloc : memref<!tpu.dma_semaphore, #tpu.memory_space<semaphore_mem>>
      %dma_start3A_15 = tpu.memref_slice %arg3[%add3A_4] : memref<4096xi32, #tpu.memory_space<hbm>> -> memref<64xi32, #tpu.memory_space<hbm>>
      %dma_start3A_16 = tpu.memref_slice %arg3[%add3A_4] : memref<4096xi32, #tpu.memory_space<hbm>> -> memref<64xi32, #tpu.memory_space<hbm>>
      tpu.enqueue_dma source(%dma_start3A_16 : memref<64xi32, #tpu.memory_space<hbm>>) target(%arg6 : memref<64xi32, #tpu.memory_space<vmem>>) target_semaphore(%run_scoped3A : memref<!tpu.dma_semaphore, #tpu.memory_space<semaphore_mem>>)
      %dma_wait3A_17 = tpu.memref_slice %arg3[%add3A_4] : memref<4096xi32, #tpu.memory_space<hbm>> -> memref<64xi32, #tpu.memory_space<hbm>>
      %dma_wait3A_18 = tpu.memref_slice %arg3[%add3A_4] : memref<4096xi32, #tpu.memory_space<hbm>> -> memref<64xi32, #tpu.memory_space<hbm>>
      tpu.wait_dma2 semaphore(%run_scoped3A : memref<!tpu.dma_semaphore, #tpu.memory_space<semaphore_mem>>) src(%dma_wait3A_18 : memref<64xi32, #tpu.memory_space<hbm>>) dst(%arg6 : memref<64xi32, #tpu.memory_space<vmem>>)
      tpu.yield
    }) : () -> ()
    "tpu.region"() ({
      %run_scoped3A = tpu.sem_alloc : memref<!tpu.dma_semaphore, #tpu.memory_space<semaphore_mem>>
      %dma_start3A_15 = arith.constant 0 : i32
      %dma_start3A_16 = tpu.memref_slice %arg2[%mul3A_2, %dma_start3A_15] : memref<2048x1024xf32, #tpu.memory_space<hbm>> -> memref<64x1024xf32, #tpu.memory_space<hbm>>
      %dma_start3A_17 = arith.constant 0 : i32
      %dma_start3A_18 = tpu.memref_slice %arg2[%mul3A_2, %dma_start3A_17] : memref<2048x1024xf32, #tpu.memory_space<hbm>> -> memref<64x1024xf32, #tpu.memory_space<hbm>>
      tpu.enqueue_dma source(%dma_start3A_18 : memref<64x1024xf32, #tpu.memory_space<hbm>>) target(%arg7 : memref<64x1024xf32, #tpu.memory_space<vmem>>) target_semaphore(%run_scoped3A : memref<!tpu.dma_semaphore, #tpu.memory_space<semaphore_mem>>)
      %dma_wait3A_19 = arith.constant 0 : i32
      %dma_wait3A_20 = tpu.memref_slice %arg2[%mul3A_2, %dma_wait3A_19] : memref<2048x1024xf32, #tpu.memory_space<hbm>> -> memref<64x1024xf32, #tpu.memory_space<hbm>>
      %dma_wait3A_21 = arith.constant 0 : i32
      %dma_wait3A_22 = tpu.memref_slice %arg2[%mul3A_2, %dma_wait3A_21] : memref<2048x1024xf32, #tpu.memory_space<hbm>> -> memref<64x1024xf32, #tpu.memory_space<hbm>>
      tpu.wait_dma2 semaphore(%run_scoped3A : memref<!tpu.dma_semaphore, #tpu.memory_space<semaphore_mem>>) src(%dma_wait3A_22 : memref<64x1024xf32, #tpu.memory_space<hbm>>) dst(%arg7 : memref<64x1024xf32, #tpu.memory_space<vmem>>)
      tpu.yield
    }) : () -> ()
    %dma_start3A = arith.constant 0 : i32
    %dma_start3A_5 = arith.constant 0 : i32
    %dma_start3A_6 = tpu.memref_slice %arg4[%dma_start3A, %dma_start3A_5] : memref<12288x1024xf32, #tpu.memory_space<hbm>> -> memref<12288x1024xf32, #tpu.memory_space<hbm>>
    tpu.enqueue_indirect_dma source(%arg7 : memref<64x1024xf32, #tpu.memory_space<vmem>>) target(%dma_start3A_6 : memref<12288x1024xf32, #tpu.memory_space<hbm>>) offsets(%arg5 : memref<64xi32, #tpu.memory_space<vmem>>) semaphore(%arg8 : memref<!tpu.dma_semaphore, #tpu.memory_space<semaphore_mem>>)
    %dma_start3A_7 = arith.constant 0 : i32
    %dma_start3A_8 = arith.constant 0 : i32
    %dma_start3A_9 = tpu.memref_slice %arg4[%dma_start3A_7, %dma_start3A_8] : memref<12288x1024xf32, #tpu.memory_space<hbm>> -> memref<12288x1024xf32, #tpu.memory_space<hbm>>
    tpu.enqueue_indirect_dma source(%arg7 : memref<64x1024xf32, #tpu.memory_space<vmem>>) target(%dma_start3A_9 : memref<12288x1024xf32, #tpu.memory_space<hbm>>) offsets(%arg6 : memref<64xi32, #tpu.memory_space<vmem>>) semaphore(%arg9 : memref<!tpu.dma_semaphore, #tpu.memory_space<semaphore_mem>>)
    %dma_wait3A = arith.constant 0 : i32
    %dma_wait3A_10 = arith.constant 0 : i32
    %dma_wait3A_11 = tpu.memref_slice %arg4[%dma_wait3A, %dma_wait3A_10] : memref<12288x1024xf32, #tpu.memory_space<hbm>> -> memref<12288x1024xf32, #tpu.memory_space<hbm>>
    tpu.wait_indirect_dma semaphore(%arg8 : memref<!tpu.dma_semaphore, #tpu.memory_space<semaphore_mem>>) src(%arg7 : memref<64x1024xf32, #tpu.memory_space<vmem>>) dst(%dma_wait3A_11 : memref<12288x1024xf32, #tpu.memory_space<hbm>>)
    %dma_wait3A_12 = arith.constant 0 : i32
    %dma_wait3A_13 = arith.constant 0 : i32
    %dma_wait3A_14 = tpu.memref_slice %arg4[%dma_wait3A_12, %dma_wait3A_13] : memref<12288x1024xf32, #tpu.memory_space<hbm>> -> memref<12288x1024xf32, #tpu.memory_space<hbm>>
    tpu.wait_indirect_dma semaphore(%arg9 : memref<!tpu.dma_semaphore, #tpu.memory_space<semaphore_mem>>) src(%arg7 : memref<64x1024xf32, #tpu.memory_space<vmem>>) dst(%dma_wait3A_14 : memref<12288x1024xf32, #tpu.memory_space<hbm>>)
    return
  }
}

#map = affine_map<(d0, d1) -> (0, 0)>
#map1 = affine_map<(d0, d1) -> (0)>
module attributes {stable_mosaic.version = 14 : i64} {
  func.func @combine(%arg0: i32, %arg1: i32, %arg2: memref<12288x1024xf32, #tpu.memory_space<hbm>>, %arg3: memref<4096xi32, #tpu.memory_space<hbm>>, %arg4: memref<4096x16xf32, #tpu.memory_space<hbm>>, %arg5: memref<2048x1024xf32, #tpu.memory_space<hbm>>, %arg6: memref<16xi32, #tpu.memory_space<vmem>>, %arg7: memref<16xi32, #tpu.memory_space<vmem>>, %arg8: memref<16x16xf32, #tpu.memory_space<vmem>>, %arg9: memref<16x16xf32, #tpu.memory_space<vmem>>, %arg10: memref<16x1024xf32, #tpu.memory_space<vmem>>, %arg11: memref<16x1024xf32, #tpu.memory_space<vmem>>, %arg12: memref<16x1024xf32, #tpu.memory_space<vmem>>, %arg13: memref<!tpu.dma_semaphore, #tpu.memory_space<semaphore_mem>>, %arg14: memref<!tpu.dma_semaphore, #tpu.memory_space<semaphore_mem>>) attributes {dimension_semantics = [#tpu.dimension_semantics<core_parallel>, #tpu.dimension_semantics<subcore_parallel>], iteration_bounds = array<i64: 2, 16>, scalar_prefetch = 0 : i64, scratch_operands = 9 : i64, tpu.core_type = #tpu.core_type<sc_vector_subcore>, window_params = [{transform_indices = #map}, {transform_indices = #map1}, {transform_indices = #map}, {transform_indices = #map}]} {
    %mul3A = arith.constant 2 : i32
    %mul3A_0 = arith.muli %arg1, %mul3A : i32
    %add3A = arith.addi %mul3A_0, %arg0 : i32
    %mul3A_1 = arith.constant 64 : i32
    %mul3A_2 = arith.muli %add3A, %mul3A_1 : i32
    %scan3A = arith.constant 0 : i32
    %scan3A_3 = arith.constant 0 : i32
    %scan3A_4 = arith.constant 4 : i32
    %scan3A_5 = arith.addi %scan3A_3, %scan3A_4 : i32
    %scan3A_6 = arith.constant 1 : i32
    %scan3A_7 = scf.for %scan3A_9 = %scan3A_3 to %scan3A_5 step %scan3A_6 iter_args(%scan3A_10 = %scan3A) -> (i32)  : i32 {
      %mul3A_11 = arith.constant 16 : i32
      %mul3A_12 = arith.muli %scan3A_9, %mul3A_11 : i32
      %add3A_13 = arith.addi %mul3A_2, %mul3A_12 : i32
      "tpu.region"() ({
        %run_scoped3A = tpu.sem_alloc : memref<!tpu.dma_semaphore, #tpu.memory_space<semaphore_mem>>
        %dma_start3A_36 = tpu.memref_slice %arg3[%add3A_13] : memref<4096xi32, #tpu.memory_space<hbm>> -> memref<16xi32, #tpu.memory_space<hbm>>
        %dma_start3A_37 = tpu.memref_slice %arg3[%add3A_13] : memref<4096xi32, #tpu.memory_space<hbm>> -> memref<16xi32, #tpu.memory_space<hbm>>
        tpu.enqueue_dma source(%dma_start3A_37 : memref<16xi32, #tpu.memory_space<hbm>>) target(%arg6 : memref<16xi32, #tpu.memory_space<vmem>>) target_semaphore(%run_scoped3A : memref<!tpu.dma_semaphore, #tpu.memory_space<semaphore_mem>>)
        %dma_wait3A_38 = tpu.memref_slice %arg3[%add3A_13] : memref<4096xi32, #tpu.memory_space<hbm>> -> memref<16xi32, #tpu.memory_space<hbm>>
        %dma_wait3A_39 = tpu.memref_slice %arg3[%add3A_13] : memref<4096xi32, #tpu.memory_space<hbm>> -> memref<16xi32, #tpu.memory_space<hbm>>
        tpu.wait_dma2 semaphore(%run_scoped3A : memref<!tpu.dma_semaphore, #tpu.memory_space<semaphore_mem>>) src(%dma_wait3A_39 : memref<16xi32, #tpu.memory_space<hbm>>) dst(%arg6 : memref<16xi32, #tpu.memory_space<vmem>>)
        tpu.yield
      }) : () -> ()
      %add3A_14 = arith.constant 2048 : i32
      %add3A_15 = arith.addi %add3A_14, %add3A_13 : i32
      "tpu.region"() ({
        %run_scoped3A = tpu.sem_alloc : memref<!tpu.dma_semaphore, #tpu.memory_space<semaphore_mem>>
        %dma_start3A_36 = tpu.memref_slice %arg3[%add3A_15] : memref<4096xi32, #tpu.memory_space<hbm>> -> memref<16xi32, #tpu.memory_space<hbm>>
        %dma_start3A_37 = tpu.memref_slice %arg3[%add3A_15] : memref<4096xi32, #tpu.memory_space<hbm>> -> memref<16xi32, #tpu.memory_space<hbm>>
        tpu.enqueue_dma source(%dma_start3A_37 : memref<16xi32, #tpu.memory_space<hbm>>) target(%arg7 : memref<16xi32, #tpu.memory_space<vmem>>) target_semaphore(%run_scoped3A : memref<!tpu.dma_semaphore, #tpu.memory_space<semaphore_mem>>)
        %dma_wait3A_38 = tpu.memref_slice %arg3[%add3A_15] : memref<4096xi32, #tpu.memory_space<hbm>> -> memref<16xi32, #tpu.memory_space<hbm>>
        %dma_wait3A_39 = tpu.memref_slice %arg3[%add3A_15] : memref<4096xi32, #tpu.memory_space<hbm>> -> memref<16xi32, #tpu.memory_space<hbm>>
        tpu.wait_dma2 semaphore(%run_scoped3A : memref<!tpu.dma_semaphore, #tpu.memory_space<semaphore_mem>>) src(%dma_wait3A_39 : memref<16xi32, #tpu.memory_space<hbm>>) dst(%arg7 : memref<16xi32, #tpu.memory_space<vmem>>)
        tpu.yield
      }) : () -> ()
      "tpu.region"() ({
        %run_scoped3A = tpu.sem_alloc : memref<!tpu.dma_semaphore, #tpu.memory_space<semaphore_mem>>
        %dma_start3A_36 = arith.constant 0 : i32
        %dma_start3A_37 = tpu.memref_slice %arg4[%add3A_13, %dma_start3A_36] : memref<4096x16xf32, #tpu.memory_space<hbm>> -> memref<16x16xf32, #tpu.memory_space<hbm>>
        %dma_start3A_38 = arith.constant 0 : i32
        %dma_start3A_39 = tpu.memref_slice %arg4[%add3A_13, %dma_start3A_38] : memref<4096x16xf32, #tpu.memory_space<hbm>> -> memref<16x16xf32, #tpu.memory_space<hbm>>
        tpu.enqueue_dma source(%dma_start3A_39 : memref<16x16xf32, #tpu.memory_space<hbm>>) target(%arg8 : memref<16x16xf32, #tpu.memory_space<vmem>>) target_semaphore(%run_scoped3A : memref<!tpu.dma_semaphore, #tpu.memory_space<semaphore_mem>>)
        %dma_wait3A_40 = arith.constant 0 : i32
        %dma_wait3A_41 = tpu.memref_slice %arg4[%add3A_13, %dma_wait3A_40] : memref<4096x16xf32, #tpu.memory_space<hbm>> -> memref<16x16xf32, #tpu.memory_space<hbm>>
        %dma_wait3A_42 = arith.constant 0 : i32
        %dma_wait3A_43 = tpu.memref_slice %arg4[%add3A_13, %dma_wait3A_42] : memref<4096x16xf32, #tpu.memory_space<hbm>> -> memref<16x16xf32, #tpu.memory_space<hbm>>
        tpu.wait_dma2 semaphore(%run_scoped3A : memref<!tpu.dma_semaphore, #tpu.memory_space<semaphore_mem>>) src(%dma_wait3A_43 : memref<16x16xf32, #tpu.memory_space<hbm>>) dst(%arg8 : memref<16x16xf32, #tpu.memory_space<vmem>>)
        tpu.yield
      }) : () -> ()
      %add3A_16 = arith.constant 2048 : i32
      %add3A_17 = arith.addi %add3A_16, %add3A_13 : i32
      "tpu.region"() ({
        %run_scoped3A = tpu.sem_alloc : memref<!tpu.dma_semaphore, #tpu.memory_space<semaphore_mem>>
        %dma_start3A_36 = arith.constant 0 : i32
        %dma_start3A_37 = tpu.memref_slice %arg4[%add3A_17, %dma_start3A_36] : memref<4096x16xf32, #tpu.memory_space<hbm>> -> memref<16x16xf32, #tpu.memory_space<hbm>>
        %dma_start3A_38 = arith.constant 0 : i32
        %dma_start3A_39 = tpu.memref_slice %arg4[%add3A_17, %dma_start3A_38] : memref<4096x16xf32, #tpu.memory_space<hbm>> -> memref<16x16xf32, #tpu.memory_space<hbm>>
        tpu.enqueue_dma source(%dma_start3A_39 : memref<16x16xf32, #tpu.memory_space<hbm>>) target(%arg9 : memref<16x16xf32, #tpu.memory_space<vmem>>) target_semaphore(%run_scoped3A : memref<!tpu.dma_semaphore, #tpu.memory_space<semaphore_mem>>)
        %dma_wait3A_40 = arith.constant 0 : i32
        %dma_wait3A_41 = tpu.memref_slice %arg4[%add3A_17, %dma_wait3A_40] : memref<4096x16xf32, #tpu.memory_space<hbm>> -> memref<16x16xf32, #tpu.memory_space<hbm>>
        %dma_wait3A_42 = arith.constant 0 : i32
        %dma_wait3A_43 = tpu.memref_slice %arg4[%add3A_17, %dma_wait3A_42] : memref<4096x16xf32, #tpu.memory_space<hbm>> -> memref<16x16xf32, #tpu.memory_space<hbm>>
        tpu.wait_dma2 semaphore(%run_scoped3A : memref<!tpu.dma_semaphore, #tpu.memory_space<semaphore_mem>>) src(%dma_wait3A_43 : memref<16x16xf32, #tpu.memory_space<hbm>>) dst(%arg9 : memref<16x16xf32, #tpu.memory_space<vmem>>)
        tpu.yield
      }) : () -> ()
      %dma_start3A = arith.constant 0 : i32
      %dma_start3A_18 = arith.constant 0 : i32
      %dma_start3A_19 = tpu.memref_slice %arg2[%dma_start3A, %dma_start3A_18] : memref<12288x1024xf32, #tpu.memory_space<hbm>> -> memref<12288x1024xf32, #tpu.memory_space<hbm>>
      tpu.enqueue_indirect_dma source(%dma_start3A_19 : memref<12288x1024xf32, #tpu.memory_space<hbm>>) target(%arg10 : memref<16x1024xf32, #tpu.memory_space<vmem>>) offsets(%arg6 : memref<16xi32, #tpu.memory_space<vmem>>) semaphore(%arg13 : memref<!tpu.dma_semaphore, #tpu.memory_space<semaphore_mem>>)
      %dma_start3A_20 = arith.constant 0 : i32
      %dma_start3A_21 = arith.constant 0 : i32
      %dma_start3A_22 = tpu.memref_slice %arg2[%dma_start3A_20, %dma_start3A_21] : memref<12288x1024xf32, #tpu.memory_space<hbm>> -> memref<12288x1024xf32, #tpu.memory_space<hbm>>
      tpu.enqueue_indirect_dma source(%dma_start3A_22 : memref<12288x1024xf32, #tpu.memory_space<hbm>>) target(%arg11 : memref<16x1024xf32, #tpu.memory_space<vmem>>) offsets(%arg7 : memref<16xi32, #tpu.memory_space<vmem>>) semaphore(%arg14 : memref<!tpu.dma_semaphore, #tpu.memory_space<semaphore_mem>>)
      %dma_wait3A = arith.constant 0 : i32
      %dma_wait3A_23 = arith.constant 0 : i32
      %dma_wait3A_24 = tpu.memref_slice %arg2[%dma_wait3A, %dma_wait3A_23] : memref<12288x1024xf32, #tpu.memory_space<hbm>> -> memref<12288x1024xf32, #tpu.memory_space<hbm>>
      tpu.wait_indirect_dma semaphore(%arg13 : memref<!tpu.dma_semaphore, #tpu.memory_space<semaphore_mem>>) src(%dma_wait3A_24 : memref<12288x1024xf32, #tpu.memory_space<hbm>>) dst(%arg10 : memref<16x1024xf32, #tpu.memory_space<vmem>>)
      %dma_wait3A_25 = arith.constant 0 : i32
      %dma_wait3A_26 = arith.constant 0 : i32
      %dma_wait3A_27 = tpu.memref_slice %arg2[%dma_wait3A_25, %dma_wait3A_26] : memref<12288x1024xf32, #tpu.memory_space<hbm>> -> memref<12288x1024xf32, #tpu.memory_space<hbm>>
      tpu.wait_indirect_dma semaphore(%arg14 : memref<!tpu.dma_semaphore, #tpu.memory_space<semaphore_mem>>) src(%dma_wait3A_27 : memref<12288x1024xf32, #tpu.memory_space<hbm>>) dst(%arg11 : memref<16x1024xf32, #tpu.memory_space<vmem>>)
      %scan3A_28 = arith.constant 0 : i32
      %scan3A_29 = arith.constant 0 : i32
      %scan3A_30 = arith.constant 16 : i32
      %scan3A_31 = arith.addi %scan3A_29, %scan3A_30 : i32
      %scan3A_32 = arith.constant 1 : i32
      %scan3A_33 = scf.for %scan3A_36 = %scan3A_29 to %scan3A_31 step %scan3A_32 iter_args(%scan3A_37 = %scan3A_28) -> (i32)  : i32 {
        %get3A = arith.index_cast %scan3A_36 : i32 to index
        %get3A_38 = arith.constant 0 : index
        %get3A_39 = tpu.vector_load %arg8[%get3A, %get3A_38] {strides = array<i32>} : memref<16x16xf32, #tpu.memory_space<vmem>>, vector<1x16xf32>,
        %get3A_40 = vector.shape_cast %get3A_39 : vector<1x16xf32> to vector<16xf32>
        %get3A_41 = arith.index_cast %scan3A_36 : i32 to index
        %get3A_42 = arith.constant 0 : index
        %get3A_43 = tpu.vector_load %arg9[%get3A_41, %get3A_42] {strides = array<i32>} : memref<16x16xf32, #tpu.memory_space<vmem>>, vector<1x16xf32>,
        %get3A_44 = vector.shape_cast %get3A_43 : vector<1x16xf32> to vector<16xf32>
        %get3A_45 = arith.index_cast %scan3A_36 : i32 to index
        %get3A_46 = arith.constant 0 : index
        %get3A_47 = tpu.vector_load %arg10[%get3A_45, %get3A_46] {strides = array<i32>} : memref<16x1024xf32, #tpu.memory_space<vmem>>, vector<1x16xf32>,
        %get3A_48 = vector.shape_cast %get3A_47 : vector<1x16xf32> to vector<16xf32>
        %mul3A_49 = arith.mulf %get3A_40, %get3A_48 : vector<16xf32>
        %get3A_50 = arith.index_cast %scan3A_36 : i32 to index
        %get3A_51 = arith.constant 0 : index
        %get3A_52 = tpu.vector_load %arg11[%get3A_50, %get3A_51] {strides = array<i32>} : memref<16x1024xf32, #tpu.memory_space<vmem>>, vector<1x16xf32>,
        %get3A_53 = vector.shape_cast %get3A_52 : vector<1x16xf32> to vector<16xf32>
        %mul3A_54 = arith.mulf %get3A_44, %get3A_53 : vector<16xf32>
        %add3A_55 = arith.addf %mul3A_49, %mul3A_54 : vector<16xf32>
        %swap3A = arith.index_cast %scan3A_36 : i32 to index
        %swap3A_56 = arith.constant 0 : index
        %swap3A_57 = tpu.vector_load %arg12[%swap3A, %swap3A_56] {strides = array<i32>} : memref<16x1024xf32, #tpu.memory_space<vmem>>, vector<1x16xf32>,
        %swap3A_58 = vector.shape_cast %swap3A_57 : vector<1x16xf32> to vector<16xf32>
        %swap3A_59 = vector.shape_cast %add3A_55 : vector<16xf32> to vector<1x16xf32>
        tpu.vector_store %arg12[%swap3A, %swap3A_56], %swap3A_59 {strides = array<i32>} : memref<16x1024xf32, #tpu.memory_space<vmem>>, vector<1x16xf32>,
        %get3A_60 = arith.index_cast %scan3A_36 : i32 to index
        %get3A_61 = arith.constant 16 : index
        %get3A_62 = tpu.vector_load %arg10[%get3A_60, %get3A_61] {strides = array<i32>} : memref<16x1024xf32, #tpu.memory_space<vmem>>, vector<1x16xf32>,
        %get3A_63 = vector.shape_cast %get3A_62 : vector<1x16xf32> to vector<16xf32>
        %mul3A_64 = arith.mulf %get3A_40, %get3A_63 : vector<16xf32>
        %get3A_65 = arith.index_cast %scan3A_36 : i32 to index
        %get3A_66 = arith.constant 16 : index
        %get3A_67 = tpu.vector_load %arg11[%get3A_65, %get3A_66] {strides = array<i32>} : memref<16x1024xf32, #tpu.memory_space<vmem>>, vector<1x16xf32>,
        %get3A_68 = vector.shape_cast %get3A_67 : vector<1x16xf32> to vector<16xf32>
        %mul3A_69 = arith.mulf %get3A_44, %get3A_68 : vector<16xf32>
        %add3A_70 = arith.addf %mul3A_64, %mul3A_69 : vector<16xf32>
        %swap3A_71 = arith.index_cast %scan3A_36 : i32 to index
        %swap3A_72 = arith.constant 16 : index
        %swap3A_73 = tpu.vector_load %arg12[%swap3A_71, %swap3A_72] {strides = array<i32>} : memref<16x1024xf32, #tpu.memory_space<vmem>>, vector<1x16xf32>,
        %swap3A_74 = vector.shape_cast %swap3A_73 : vector<1x16xf32> to vector<16xf32>
        %swap3A_75 = vector.shape_cast %add3A_70 : vector<16xf32> to vector<1x16xf32>
        tpu.vector_store %arg12[%swap3A_71, %swap3A_72], %swap3A_75 {strides = array<i32>} : memref<16x1024xf32, #tpu.memory_space<vmem>>, vector<1x16xf32>,
        %get3A_76 = arith.index_cast %scan3A_36 : i32 to index
        %get3A_77 = arith.constant 32 : index
        %get3A_78 = tpu.vector_load %arg10[%get3A_76, %get3A_77] {strides = array<i32>} : memref<16x1024xf32, #tpu.memory_space<vmem>>, vector<1x16xf32>,
        %get3A_79 = vector.shape_cast %get3A_78 : vector<1x16xf32> to vector<16xf32>
        %mul3A_80 = arith.mulf %get3A_40, %get3A_79 : vector<16xf32>
        %get3A_81 = arith.index_cast %scan3A_36 : i32 to index
        %get3A_82 = arith.constant 32 : index
        %get3A_83 = tpu.vector_load %arg11[%get3A_81, %get3A_82] {strides = array<i32>} : memref<16x1024xf32, #tpu.memory_space<vmem>>, vector<1x16xf32>,
        %get3A_84 = vector.shape_cast %get3A_83 : vector<1x16xf32> to vector<16xf32>
        %mul3A_85 = arith.mulf %get3A_44, %get3A_84 : vector<16xf32>
        %add3A_86 = arith.addf %mul3A_80, %mul3A_85 : vector<16xf32>
        %swap3A_87 = arith.index_cast %scan3A_36 : i32 to index
        %swap3A_88 = arith.constant 32 : index
        %swap3A_89 = tpu.vector_load %arg12[%swap3A_87, %swap3A_88] {strides = array<i32>} : memref<16x1024xf32, #tpu.memory_space<vmem>>, vector<1x16xf32>,
        %swap3A_90 = vector.shape_cast %swap3A_89 : vector<1x16xf32> to vector<16xf32>
        %swap3A_91 = vector.shape_cast %add3A_86 : vector<16xf32> to vector<1x16xf32>
        tpu.vector_store %arg12[%swap3A_87, %swap3A_88], %swap3A_91 {strides = array<i32>} : memref<16x1024xf32, #tpu.memory_space<vmem>>, vector<1x16xf32>,
        %get3A_92 = arith.index_cast %scan3A_36 : i32 to index
        %get3A_93 = arith.constant 48 : index
        %get3A_94 = tpu.vector_load %arg10[%get3A_92, %get3A_93] {strides = array<i32>} : memref<16x1024xf32, #tpu.memory_space<vmem>>, vector<1x16xf32>,
        %get3A_95 = vector.shape_cast %get3A_94 : vector<1x16xf32> to vector<16xf32>
        %mul3A_96 = arith.mulf %get3A_40, %get3A_95 : vector<16xf32>
        %get3A_97 = arith.index_cast %scan3A_36 : i32 to index
        %get3A_98 = arith.constant 48 : index
        %get3A_99 = tpu.vector_load %arg11[%get3A_97, %get3A_98] {strides = array<i32>} : memref<16x1024xf32, #tpu.memory_space<vmem>>, vector<1x16xf32>,
        %get3A_100 = vector.shape_cast %get3A_99 : vector<1x16xf32> to vector<16xf32>
        %mul3A_101 = arith.mulf %get3A_44, %get3A_100 : vector<16xf32>
        %add3A_102 = arith.addf %mul3A_96, %mul3A_101 : vector<16xf32>
        %swap3A_103 = arith.index_cast %scan3A_36 : i32 to index
        %swap3A_104 = arith.constant 48 : index
        %swap3A_105 = tpu.vector_load %arg12[%swap3A_103, %swap3A_104] {strides = array<i32>} : memref<16x1024xf32, #tpu.memory_space<vmem>>, vector<1x16xf32>,
        %swap3A_106 = vector.shape_cast %swap3A_105 : vector<1x16xf32> to vector<16xf32>
        %swap3A_107 = vector.shape_cast %add3A_102 : vector<16xf32> to vector<1x16xf32>
        tpu.vector_store %arg12[%swap3A_103, %swap3A_104], %swap3A_107 {strides = array<i32>} : memref<16x1024xf32, #tpu.memory_space<vmem>>, vector<1x16xf32>,
        %get3A_108 = arith.index_cast %scan3A_36 : i32 to index
        %get3A_109 = arith.constant 64 : index
        %get3A_110 = tpu.vector_load %arg10[%get3A_108, %get3A_109] {strides = array<i32>} : memref<16x1024xf32, #tpu.memory_space<vmem>>, vector<1x16xf32>,
        %get3A_111 = vector.shape_cast %get3A_110 : vector<1x16xf32> to vector<16xf32>
        %mul3A_112 = arith.mulf %get3A_40, %get3A_111 : vector<16xf32>
        %get3A_113 = arith.index_cast %scan3A_36 : i32 to index
        %get3A_114 = arith.constant 64 : index
        %get3A_115 = tpu.vector_load %arg11[%get3A_113, %get3A_114] {strides = array<i32>} : memref<16x1024xf32, #tpu.memory_space<vmem>>, vector<1x16xf32>,
        %get3A_116 = vector.shape_cast %get3A_115 : vector<1x16xf32> to vector<16xf32>
        %mul3A_117 = arith.mulf %get3A_44, %get3A_116 : vector<16xf32>
        %add3A_118 = arith.addf %mul3A_112, %mul3A_117 : vector<16xf32>
        %swap3A_119 = arith.index_cast %scan3A_36 : i32 to index
        %swap3A_120 = arith.constant 64 : index
        %swap3A_121 = tpu.vector_load %arg12[%swap3A_119, %swap3A_120] {strides = array<i32>} : memref<16x1024xf32, #tpu.memory_space<vmem>>, vector<1x16xf32>,
        %swap3A_122 = vector.shape_cast %swap3A_121 : vector<1x16xf32> to vector<16xf32>
        %swap3A_123 = vector.shape_cast %add3A_118 : vector<16xf32> to vector<1x16xf32>
        tpu.vector_store %arg12[%swap3A_119, %swap3A_120], %swap3A_123 {strides = array<i32>} : memref<16x1024xf32, #tpu.memory_space<vmem>>, vector<1x16xf32>,
        %get3A_124 = arith.index_cast %scan3A_36 : i32 to index
        %get3A_125 = arith.constant 80 : index
        %get3A_126 = tpu.vector_load %arg10[%get3A_124, %get3A_125] {strides = array<i32>} : memref<16x1024xf32, #tpu.memory_space<vmem>>, vector<1x16xf32>,
        %get3A_127 = vector.shape_cast %get3A_126 : vector<1x16xf32> to vector<16xf32>
        %mul3A_128 = arith.mulf %get3A_40, %get3A_127 : vector<16xf32>
        %get3A_129 = arith.index_cast %scan3A_36 : i32 to index
        %get3A_130 = arith.constant 80 : index
        %get3A_131 = tpu.vector_load %arg11[%get3A_129, %get3A_130] {strides = array<i32>} : memref<16x1024xf32, #tpu.memory_space<vmem>>, vector<1x16xf32>,
        %get3A_132 = vector.shape_cast %get3A_131 : vector<1x16xf32> to vector<16xf32>
        %mul3A_133 = arith.mulf %get3A_44, %get3A_132 : vector<16xf32>
        %add3A_134 = arith.addf %mul3A_128, %mul3A_133 : vector<16xf32>
        %swap3A_135 = arith.index_cast %scan3A_36 : i32 to index
        %swap3A_136 = arith.constant 80 : index
        %swap3A_137 = tpu.vector_load %arg12[%swap3A_135, %swap3A_136] {strides = array<i32>} : memref<16x1024xf32, #tpu.memory_space<vmem>>, vector<1x16xf32>,
        %swap3A_138 = vector.shape_cast %swap3A_137 : vector<1x16xf32> to vector<16xf32>
        %swap3A_139 = vector.shape_cast %add3A_134 : vector<16xf32> to vector<1x16xf32>
        tpu.vector_store %arg12[%swap3A_135, %swap3A_136], %swap3A_139 {strides = array<i32>} : memref<16x1024xf32, #tpu.memory_space<vmem>>, vector<1x16xf32>,
        %get3A_140 = arith.index_cast %scan3A_36 : i32 to index
        %get3A_141 = arith.constant 96 : index
        %get3A_142 = tpu.vector_load %arg10[%get3A_140, %get3A_141] {strides = array<i32>} : memref<16x1024xf32, #tpu.memory_space<vmem>>, vector<1x16xf32>,
        %get3A_143 = vector.shape_cast %get3A_142 : vector<1x16xf32> to vector<16xf32>
        %mul3A_144 = arith.mulf %get3A_40, %get3A_143 : vector<16xf32>
        %get3A_145 = arith.index_cast %scan3A_36 : i32 to index
        %get3A_146 = arith.constant 96 : index
        %get3A_147 = tpu.vector_load %arg11[%get3A_145, %get3A_146] {strides = array<i32>} : memref<16x1024xf32, #tpu.memory_space<vmem>>, vector<1x16xf32>,
        %get3A_148 = vector.shape_cast %get3A_147 : vector<1x16xf32> to vector<16xf32>
        %mul3A_149 = arith.mulf %get3A_44, %get3A_148 : vector<16xf32>
        %add3A_150 = arith.addf %mul3A_144, %mul3A_149 : vector<16xf32>
        %swap3A_151 = arith.index_cast %scan3A_36 : i32 to index
        %swap3A_152 = arith.constant 96 : index
        %swap3A_153 = tpu.vector_load %arg12[%swap3A_151, %swap3A_152] {strides = array<i32>} : memref<16x1024xf32, #tpu.memory_space<vmem>>, vector<1x16xf32>,
        %swap3A_154 = vector.shape_cast %swap3A_153 : vector<1x16xf32> to vector<16xf32>
        %swap3A_155 = vector.shape_cast %add3A_150 : vector<16xf32> to vector<1x16xf32>
        tpu.vector_store %arg12[%swap3A_151, %swap3A_152], %swap3A_155 {strides = array<i32>} : memref<16x1024xf32, #tpu.memory_space<vmem>>, vector<1x16xf32>,
        %get3A_156 = arith.index_cast %scan3A_36 : i32 to index
        %get3A_157 = arith.constant 112 : index
        %get3A_158 = tpu.vector_load %arg10[%get3A_156, %get3A_157] {strides = array<i32>} : memref<16x1024xf32, #tpu.memory_space<vmem>>, vector<1x16xf32>,
        %get3A_159 = vector.shape_cast %get3A_158 : vector<1x16xf32> to vector<16xf32>
        %mul3A_160 = arith.mulf %get3A_40, %get3A_159 : vector<16xf32>
        %get3A_161 = arith.index_cast %scan3A_36 : i32 to index
        %get3A_162 = arith.constant 112 : index
        %get3A_163 = tpu.vector_load %arg11[%get3A_161, %get3A_162] {strides = array<i32>} : memref<16x1024xf32, #tpu.memory_space<vmem>>, vector<1x16xf32>,
        %get3A_164 = vector.shape_cast %get3A_163 : vector<1x16xf32> to vector<16xf32>
        %mul3A_165 = arith.mulf %get3A_44, %get3A_164 : vector<16xf32>
        %add3A_166 = arith.addf %mul3A_160, %mul3A_165 : vector<16xf32>
        %swap3A_167 = arith.index_cast %scan3A_36 : i32 to index
        %swap3A_168 = arith.constant 112 : index
        %swap3A_169 = tpu.vector_load %arg12[%swap3A_167, %swap3A_168] {strides = array<i32>} : memref<16x1024xf32, #tpu.memory_space<vmem>>, vector<1x16xf32>,
        %swap3A_170 = vector.shape_cast %swap3A_169 : vector<1x16xf32> to vector<16xf32>
        %swap3A_171 = vector.shape_cast %add3A_166 : vector<16xf32> to vector<1x16xf32>
        tpu.vector_store %arg12[%swap3A_167, %swap3A_168], %swap3A_171 {strides = array<i32>} : memref<16x1024xf32, #tpu.memory_space<vmem>>, vector<1x16xf32>,
        %get3A_172 = arith.index_cast %scan3A_36 : i32 to index
        %get3A_173 = arith.constant 128 : index
        %get3A_174 = tpu.vector_load %arg10[%get3A_172, %get3A_173] {strides = array<i32>} : memref<16x1024xf32, #tpu.memory_space<vmem>>, vector<1x16xf32>,
        %get3A_175 = vector.shape_cast %get3A_174 : vector<1x16xf32> to vector<16xf32>
        %mul3A_176 = arith.mulf %get3A_40, %get3A_175 : vector<16xf32>
        %get3A_177 = arith.index_cast %scan3A_36 : i32 to index
        %get3A_178 = arith.constant 128 : index
        %get3A_179 = tpu.vector_load %arg11[%get3A_177, %get3A_178] {strides = array<i32>} : memref<16x1024xf32, #tpu.memory_space<vmem>>, vector<1x16xf32>,
        %get3A_180 = vector.shape_cast %get3A_179 : vector<1x16xf32> to vector<16xf32>
        %mul3A_181 = arith.mulf %get3A_44, %get3A_180 : vector<16xf32>
        %add3A_182 = arith.addf %mul3A_176, %mul3A_181 : vector<16xf32>
        %swap3A_183 = arith.index_cast %scan3A_36 : i32 to index
        %swap3A_184 = arith.constant 128 : index
        %swap3A_185 = tpu.vector_load %arg12[%swap3A_183, %swap3A_184] {strides = array<i32>} : memref<16x1024xf32, #tpu.memory_space<vmem>>, vector<1x16xf32>,
        %swap3A_186 = vector.shape_cast %swap3A_185 : vector<1x16xf32> to vector<16xf32>
        %swap3A_187 = vector.shape_cast %add3A_182 : vector<16xf32> to vector<1x16xf32>
        tpu.vector_store %arg12[%swap3A_183, %swap3A_184], %swap3A_187 {strides = array<i32>} : memref<16x1024xf32, #tpu.memory_space<vmem>>, vector<1x16xf32>,
        %get3A_188 = arith.index_cast %scan3A_36 : i32 to index
        %get3A_189 = arith.constant 144 : index
        %get3A_190 = tpu.vector_load %arg10[%get3A_188, %get3A_189] {strides = array<i32>} : memref<16x1024xf32, #tpu.memory_space<vmem>>, vector<1x16xf32>,
        %get3A_191 = vector.shape_cast %get3A_190 : vector<1x16xf32> to vector<16xf32>
        %mul3A_192 = arith.mulf %get3A_40, %get3A_191 : vector<16xf32>
        %get3A_193 = arith.index_cast %scan3A_36 : i32 to index
        %get3A_194 = arith.constant 144 : index
        %get3A_195 = tpu.vector_load %arg11[%get3A_193, %get3A_194] {strides = array<i32>} : memref<16x1024xf32, #tpu.memory_space<vmem>>, vector<1x16xf32>,
        %get3A_196 = vector.shape_cast %get3A_195 : vector<1x16xf32> to vector<16xf32>
        %mul3A_197 = arith.mulf %get3A_44, %get3A_196 : vector<16xf32>
        %add3A_198 = arith.addf %mul3A_192, %mul3A_197 : vector<16xf32>
        %swap3A_199 = arith.index_cast %scan3A_36 : i32 to index
        %swap3A_200 = arith.constant 144 : index
        %swap3A_201 = tpu.vector_load %arg12[%swap3A_199, %swap3A_200] {strides = array<i32>} : memref<16x1024xf32, #tpu.memory_space<vmem>>, vector<1x16xf32>,
        %swap3A_202 = vector.shape_cast %swap3A_201 : vector<1x16xf32> to vector<16xf32>
        %swap3A_203 = vector.shape_cast %add3A_198 : vector<16xf32> to vector<1x16xf32>
        tpu.vector_store %arg12[%swap3A_199, %swap3A_200], %swap3A_203 {strides = array<i32>} : memref<16x1024xf32, #tpu.memory_space<vmem>>, vector<1x16xf32>,
        %get3A_204 = arith.index_cast %scan3A_36 : i32 to index
        %get3A_205 = arith.constant 160 : index
        %get3A_206 = tpu.vector_load %arg10[%get3A_204, %get3A_205] {strides = array<i32>} : memref<16x1024xf32, #tpu.memory_space<vmem>>, vector<1x16xf32>,
        %get3A_207 = vector.shape_cast %get3A_206 : vector<1x16xf32> to vector<16xf32>
        %mul3A_208 = arith.mulf %get3A_40, %get3A_207 : vector<16xf32>
        %get3A_209 = arith.index_cast %scan3A_36 : i32 to index
        %get3A_210 = arith.constant 160 : index
        %get3A_211 = tpu.vector_load %arg11[%get3A_209, %get3A_210] {strides = array<i32>} : memref<16x1024xf32, #tpu.memory_space<vmem>>, vector<1x16xf32>,
        %get3A_212 = vector.shape_cast %get3A_211 : vector<1x16xf32> to vector<16xf32>
        %mul3A_213 = arith.mulf %get3A_44, %get3A_212 : vector<16xf32>
        %add3A_214 = arith.addf %mul3A_208, %mul3A_213 : vector<16xf32>
        %swap3A_215 = arith.index_cast %scan3A_36 : i32 to index
        %swap3A_216 = arith.constant 160 : index
        %swap3A_217 = tpu.vector_load %arg12[%swap3A_215, %swap3A_216] {strides = array<i32>} : memref<16x1024xf32, #tpu.memory_space<vmem>>, vector<1x16xf32>,
        %swap3A_218 = vector.shape_cast %swap3A_217 : vector<1x16xf32> to vector<16xf32>
        %swap3A_219 = vector.shape_cast %add3A_214 : vector<16xf32> to vector<1x16xf32>
        tpu.vector_store %arg12[%swap3A_215, %swap3A_216], %swap3A_219 {strides = array<i32>} : memref<16x1024xf32, #tpu.memory_space<vmem>>, vector<1x16xf32>,
        %get3A_220 = arith.index_cast %scan3A_36 : i32 to index
        %get3A_221 = arith.constant 176 : index
        %get3A_222 = tpu.vector_load %arg10[%get3A_220, %get3A_221] {strides = array<i32>} : memref<16x1024xf32, #tpu.memory_space<vmem>>, vector<1x16xf32>,
        %get3A_223 = vector.shape_cast %get3A_222 : vector<1x16xf32> to vector<16xf32>
        %mul3A_224 = arith.mulf %get3A_40, %get3A_223 : vector<16xf32>
        %get3A_225 = arith.index_cast %scan3A_36 : i32 to index
        %get3A_226 = arith.constant 176 : index
        %get3A_227 = tpu.vector_load %arg11[%get3A_225, %get3A_226] {strides = array<i32>} : memref<16x1024xf32, #tpu.memory_space<vmem>>, vector<1x16xf32>,
        %get3A_228 = vector.shape_cast %get3A_227 : vector<1x16xf32> to vector<16xf32>
        %mul3A_229 = arith.mulf %get3A_44, %get3A_228 : vector<16xf32>
        %add3A_230 = arith.addf %mul3A_224, %mul3A_229 : vector<16xf32>
        %swap3A_231 = arith.index_cast %scan3A_36 : i32 to index
        %swap3A_232 = arith.constant 176 : index
        %swap3A_233 = tpu.vector_load %arg12[%swap3A_231, %swap3A_232] {strides = array<i32>} : memref<16x1024xf32, #tpu.memory_space<vmem>>, vector<1x16xf32>,
        %swap3A_234 = vector.shape_cast %swap3A_233 : vector<1x16xf32> to vector<16xf32>
        %swap3A_235 = vector.shape_cast %add3A_230 : vector<16xf32> to vector<1x16xf32>
        tpu.vector_store %arg12[%swap3A_231, %swap3A_232], %swap3A_235 {strides = array<i32>} : memref<16x1024xf32, #tpu.memory_space<vmem>>, vector<1x16xf32>,
        %get3A_236 = arith.index_cast %scan3A_36 : i32 to index
        %get3A_237 = arith.constant 192 : index
        %get3A_238 = tpu.vector_load %arg10[%get3A_236, %get3A_237] {strides = array<i32>} : memref<16x1024xf32, #tpu.memory_space<vmem>>, vector<1x16xf32>,
        %get3A_239 = vector.shape_cast %get3A_238 : vector<1x16xf32> to vector<16xf32>
        %mul3A_240 = arith.mulf %get3A_40, %get3A_239 : vector<16xf32>
        %get3A_241 = arith.index_cast %scan3A_36 : i32 to index
        %get3A_242 = arith.constant 192 : index
        %get3A_243 = tpu.vector_load %arg11[%get3A_241, %get3A_242] {strides = array<i32>} : memref<16x1024xf32, #tpu.memory_space<vmem>>, vector<1x16xf32>,
        %get3A_244 = vector.shape_cast %get3A_243 : vector<1x16xf32> to vector<16xf32>
        %mul3A_245 = arith.mulf %get3A_44, %get3A_244 : vector<16xf32>
        %add3A_246 = arith.addf %mul3A_240, %mul3A_245 : vector<16xf32>
        %swap3A_247 = arith.index_cast %scan3A_36 : i32 to index
        %swap3A_248 = arith.constant 192 : index
        %swap3A_249 = tpu.vector_load %arg12[%swap3A_247, %swap3A_248] {strides = array<i32>} : memref<16x1024xf32, #tpu.memory_space<vmem>>, vector<1x16xf32>,
        %swap3A_250 = vector.shape_cast %swap3A_249 : vector<1x16xf32> to vector<16xf32>
        %swap3A_251 = vector.shape_cast %add3A_246 : vector<16xf32> to vector<1x16xf32>
        tpu.vector_store %arg12[%swap3A_247, %swap3A_248], %swap3A_251 {strides = array<i32>} : memref<16x1024xf32, #tpu.memory_space<vmem>>, vector<1x16xf32>,
        %get3A_252 = arith.index_cast %scan3A_36 : i32 to index
        %get3A_253 = arith.constant 208 : index
        %get3A_254 = tpu.vector_load %arg10[%get3A_252, %get3A_253] {strides = array<i32>} : memref<16x1024xf32, #tpu.memory_space<vmem>>, vector<1x16xf32>,
        %get3A_255 = vector.shape_cast %get3A_254 : vector<1x16xf32> to vector<16xf32>
        %mul3A_256 = arith.mulf %get3A_40, %get3A_255 : vector<16xf32>
        %get3A_257 = arith.index_cast %scan3A_36 : i32 to index
        %get3A_258 = arith.constant 208 : index
        %get3A_259 = tpu.vector_load %arg11[%get3A_257, %get3A_258] {strides = array<i32>} : memref<16x1024xf32, #tpu.memory_space<vmem>>, vector<1x16xf32>,
        %get3A_260 = vector.shape_cast %get3A_259 : vector<1x16xf32> to vector<16xf32>
        %mul3A_261 = arith.mulf %get3A_44, %get3A_260 : vector<16xf32>
        %add3A_262 = arith.addf %mul3A_256, %mul3A_261 : vector<16xf32>
        %swap3A_263 = arith.index_cast %scan3A_36 : i32 to index
        %swap3A_264 = arith.constant 208 : index
        %swap3A_265 = tpu.vector_load %arg12[%swap3A_263, %swap3A_264] {strides = array<i32>} : memref<16x1024xf32, #tpu.memory_space<vmem>>, vector<1x16xf32>,
        %swap3A_266 = vector.shape_cast %swap3A_265 : vector<1x16xf32> to vector<16xf32>
        %swap3A_267 = vector.shape_cast %add3A_262 : vector<16xf32> to vector<1x16xf32>
        tpu.vector_store %arg12[%swap3A_263, %swap3A_264], %swap3A_267 {strides = array<i32>} : memref<16x1024xf32, #tpu.memory_space<vmem>>, vector<1x16xf32>,
        %get3A_268 = arith.index_cast %scan3A_36 : i32 to index
        %get3A_269 = arith.constant 224 : index
        %get3A_270 = tpu.vector_load %arg10[%get3A_268, %get3A_269] {strides = array<i32>} : memref<16x1024xf32, #tpu.memory_space<vmem>>, vector<1x16xf32>,
        %get3A_271 = vector.shape_cast %get3A_270 : vector<1x16xf32> to vector<16xf32>
        %mul3A_272 = arith.mulf %get3A_40, %get3A_271 : vector<16xf32>
        %get3A_273 = arith.index_cast %scan3A_36 : i32 to index
        %get3A_274 = arith.constant 224 : index
        %get3A_275 = tpu.vector_load %arg11[%get3A_273, %get3A_274] {strides = array<i32>} : memref<16x1024xf32, #tpu.memory_space<vmem>>, vector<1x16xf32>,
        %get3A_276 = vector.shape_cast %get3A_275 : vector<1x16xf32> to vector<16xf32>
        %mul3A_277 = arith.mulf %get3A_44, %get3A_276 : vector<16xf32>
        %add3A_278 = arith.addf %mul3A_272, %mul3A_277 : vector<16xf32>
        %swap3A_279 = arith.index_cast %scan3A_36 : i32 to index
        %swap3A_280 = arith.constant 224 : index
        %swap3A_281 = tpu.vector_load %arg12[%swap3A_279, %swap3A_280] {strides = array<i32>} : memref<16x1024xf32, #tpu.memory_space<vmem>>, vector<1x16xf32>,
        %swap3A_282 = vector.shape_cast %swap3A_281 : vector<1x16xf32> to vector<16xf32>
        %swap3A_283 = vector.shape_cast %add3A_278 : vector<16xf32> to vector<1x16xf32>
        tpu.vector_store %arg12[%swap3A_279, %swap3A_280], %swap3A_283 {strides = array<i32>} : memref<16x1024xf32, #tpu.memory_space<vmem>>, vector<1x16xf32>,
        %get3A_284 = arith.index_cast %scan3A_36 : i32 to index
        %get3A_285 = arith.constant 240 : index
        %get3A_286 = tpu.vector_load %arg10[%get3A_284, %get3A_285] {strides = array<i32>} : memref<16x1024xf32, #tpu.memory_space<vmem>>, vector<1x16xf32>,
        %get3A_287 = vector.shape_cast %get3A_286 : vector<1x16xf32> to vector<16xf32>
        %mul3A_288 = arith.mulf %get3A_40, %get3A_287 : vector<16xf32>
        %get3A_289 = arith.index_cast %scan3A_36 : i32 to index
        %get3A_290 = arith.constant 240 : index
        %get3A_291 = tpu.vector_load %arg11[%get3A_289, %get3A_290] {strides = array<i32>} : memref<16x1024xf32, #tpu.memory_space<vmem>>, vector<1x16xf32>,
        %get3A_292 = vector.shape_cast %get3A_291 : vector<1x16xf32> to vector<16xf32>
        %mul3A_293 = arith.mulf %get3A_44, %get3A_292 : vector<16xf32>
        %add3A_294 = arith.addf %mul3A_288, %mul3A_293 : vector<16xf32>
        %swap3A_295 = arith.index_cast %scan3A_36 : i32 to index
        %swap3A_296 = arith.constant 240 : index
        %swap3A_297 = tpu.vector_load %arg12[%swap3A_295, %swap3A_296] {strides = array<i32>} : memref<16x1024xf32, #tpu.memory_space<vmem>>, vector<1x16xf32>,
        %swap3A_298 = vector.shape_cast %swap3A_297 : vector<1x16xf32> to vector<16xf32>
        %swap3A_299 = vector.shape_cast %add3A_294 : vector<16xf32> to vector<1x16xf32>
        tpu.vector_store %arg12[%swap3A_295, %swap3A_296], %swap3A_299 {strides = array<i32>} : memref<16x1024xf32, #tpu.memory_space<vmem>>, vector<1x16xf32>,
        %get3A_300 = arith.index_cast %scan3A_36 : i32 to index
        %get3A_301 = arith.constant 256 : index
        %get3A_302 = tpu.vector_load %arg10[%get3A_300, %get3A_301] {strides = array<i32>} : memref<16x1024xf32, #tpu.memory_space<vmem>>, vector<1x16xf32>,
        %get3A_303 = vector.shape_cast %get3A_302 : vector<1x16xf32> to vector<16xf32>
        %mul3A_304 = arith.mulf %get3A_40, %get3A_303 : vector<16xf32>
        %get3A_305 = arith.index_cast %scan3A_36 : i32 to index
        %get3A_306 = arith.constant 256 : index
        %get3A_307 = tpu.vector_load %arg11[%get3A_305, %get3A_306] {strides = array<i32>} : memref<16x1024xf32, #tpu.memory_space<vmem>>, vector<1x16xf32>,
        %get3A_308 = vector.shape_cast %get3A_307 : vector<1x16xf32> to vector<16xf32>
        %mul3A_309 = arith.mulf %get3A_44, %get3A_308 : vector<16xf32>
        %add3A_310 = arith.addf %mul3A_304, %mul3A_309 : vector<16xf32>
        %swap3A_311 = arith.index_cast %scan3A_36 : i32 to index
        %swap3A_312 = arith.constant 256 : index
        %swap3A_313 = tpu.vector_load %arg12[%swap3A_311, %swap3A_312] {strides = array<i32>} : memref<16x1024xf32, #tpu.memory_space<vmem>>, vector<1x16xf32>,
        %swap3A_314 = vector.shape_cast %swap3A_313 : vector<1x16xf32> to vector<16xf32>
        %swap3A_315 = vector.shape_cast %add3A_310 : vector<16xf32> to vector<1x16xf32>
        tpu.vector_store %arg12[%swap3A_311, %swap3A_312], %swap3A_315 {strides = array<i32>} : memref<16x1024xf32, #tpu.memory_space<vmem>>, vector<1x16xf32>,
        %get3A_316 = arith.index_cast %scan3A_36 : i32 to index
        %get3A_317 = arith.constant 272 : index
        %get3A_318 = tpu.vector_load %arg10[%get3A_316, %get3A_317] {strides = array<i32>} : memref<16x1024xf32, #tpu.memory_space<vmem>>, vector<1x16xf32>,
        %get3A_319 = vector.shape_cast %get3A_318 : vector<1x16xf32> to vector<16xf32>
        %mul3A_320 = arith.mulf %get3A_40, %get3A_319 : vector<16xf32>
        %get3A_321 = arith.index_cast %scan3A_36 : i32 to index
        %get3A_322 = arith.constant 272 : index
        %get3A_323 = tpu.vector_load %arg11[%get3A_321, %get3A_322] {strides = array<i32>} : memref<16x1024xf32, #tpu.memory_space<vmem>>, vector<1x16xf32>,
        %get3A_324 = vector.shape_cast %get3A_323 : vector<1x16xf32> to vector<16xf32>
        %mul3A_325 = arith.mulf %get3A_44, %get3A_324 : vector<16xf32>
        %add3A_326 = arith.addf %mul3A_320, %mul3A_325 : vector<16xf32>
        %swap3A_327 = arith.index_cast %scan3A_36 : i32 to index
        %swap3A_328 = arith.constant 272 : index
        %swap3A_329 = tpu.vector_load %arg12[%swap3A_327, %swap3A_328] {strides = array<i32>} : memref<16x1024xf32, #tpu.memory_space<vmem>>, vector<1x16xf32>,
        %swap3A_330 = vector.shape_cast %swap3A_329 : vector<1x16xf32> to vector<16xf32>
        %swap3A_331 = vector.shape_cast %add3A_326 : vector<16xf32> to vector<1x16xf32>
        tpu.vector_store %arg12[%swap3A_327, %swap3A_328], %swap3A_331 {strides = array<i32>} : memref<16x1024xf32, #tpu.memory_space<vmem>>, vector<1x16xf32>,
        %get3A_332 = arith.index_cast %scan3A_36 : i32 to index
        %get3A_333 = arith.constant 288 : index
        %get3A_334 = tpu.vector_load %arg10[%get3A_332, %get3A_333] {strides = array<i32>} : memref<16x1024xf32, #tpu.memory_space<vmem>>, vector<1x16xf32>,
        %get3A_335 = vector.shape_cast %get3A_334 : vector<1x16xf32> to vector<16xf32>
        %mul3A_336 = arith.mulf %get3A_40, %get3A_335 : vector<16xf32>
        %get3A_337 = arith.index_cast %scan3A_36 : i32 to index
        %get3A_338 = arith.constant 288 : index
        %get3A_339 = tpu.vector_load %arg11[%get3A_337, %get3A_338] {strides = array<i32>} : memref<16x1024xf32, #tpu.memory_space<vmem>>, vector<1x16xf32>,
        %get3A_340 = vector.shape_cast %get3A_339 : vector<1x16xf32> to vector<16xf32>
        %mul3A_341 = arith.mulf %get3A_44, %get3A_340 : vector<16xf32>
        %add3A_342 = arith.addf %mul3A_336, %mul3A_341 : vector<16xf32>
        %swap3A_343 = arith.index_cast %scan3A_36 : i32 to index
        %swap3A_344 = arith.constant 288 : index
        %swap3A_345 = tpu.vector_load %arg12[%swap3A_343, %swap3A_344] {strides = array<i32>} : memref<16x1024xf32, #tpu.memory_space<vmem>>, vector<1x16xf32>,
        %swap3A_346 = vector.shape_cast %swap3A_345 : vector<1x16xf32> to vector<16xf32>
        %swap3A_347 = vector.shape_cast %add3A_342 : vector<16xf32> to vector<1x16xf32>
        tpu.vector_store %arg12[%swap3A_343, %swap3A_344], %swap3A_347 {strides = array<i32>} : memref<16x1024xf32, #tpu.memory_space<vmem>>, vector<1x16xf32>,
        %get3A_348 = arith.index_cast %scan3A_36 : i32 to index
        %get3A_349 = arith.constant 304 : index
        %get3A_350 = tpu.vector_load %arg10[%get3A_348, %get3A_349] {strides = array<i32>} : memref<16x1024xf32, #tpu.memory_space<vmem>>, vector<1x16xf32>,
        %get3A_351 = vector.shape_cast %get3A_350 : vector<1x16xf32> to vector<16xf32>
        %mul3A_352 = arith.mulf %get3A_40, %get3A_351 : vector<16xf32>
        %get3A_353 = arith.index_cast %scan3A_36 : i32 to index
        %get3A_354 = arith.constant 304 : index
        %get3A_355 = tpu.vector_load %arg11[%get3A_353, %get3A_354] {strides = array<i32>} : memref<16x1024xf32, #tpu.memory_space<vmem>>, vector<1x16xf32>,
        %get3A_356 = vector.shape_cast %get3A_355 : vector<1x16xf32> to vector<16xf32>
        %mul3A_357 = arith.mulf %get3A_44, %get3A_356 : vector<16xf32>
        %add3A_358 = arith.addf %mul3A_352, %mul3A_357 : vector<16xf32>
        %swap3A_359 = arith.index_cast %scan3A_36 : i32 to index
        %swap3A_360 = arith.constant 304 : index
        %swap3A_361 = tpu.vector_load %arg12[%swap3A_359, %swap3A_360] {strides = array<i32>} : memref<16x1024xf32, #tpu.memory_space<vmem>>, vector<1x16xf32>,
        %swap3A_362 = vector.shape_cast %swap3A_361 : vector<1x16xf32> to vector<16xf32>
        %swap3A_363 = vector.shape_cast %add3A_358 : vector<16xf32> to vector<1x16xf32>
        tpu.vector_store %arg12[%swap3A_359, %swap3A_360], %swap3A_363 {strides = array<i32>} : memref<16x1024xf32, #tpu.memory_space<vmem>>, vector<1x16xf32>,
        %get3A_364 = arith.index_cast %scan3A_36 : i32 to index
        %get3A_365 = arith.constant 320 : index
        %get3A_366 = tpu.vector_load %arg10[%get3A_364, %get3A_365] {strides = array<i32>} : memref<16x1024xf32, #tpu.memory_space<vmem>>, vector<1x16xf32>,
        %get3A_367 = vector.shape_cast %get3A_366 : vector<1x16xf32> to vector<16xf32>
        %mul3A_368 = arith.mulf %get3A_40, %get3A_367 : vector<16xf32>
        %get3A_369 = arith.index_cast %scan3A_36 : i32 to index
        %get3A_370 = arith.constant 320 : index
        %get3A_371 = tpu.vector_load %arg11[%get3A_369, %get3A_370] {strides = array<i32>} : memref<16x1024xf32, #tpu.memory_space<vmem>>, vector<1x16xf32>,
        %get3A_372 = vector.shape_cast %get3A_371 : vector<1x16xf32> to vector<16xf32>
        %mul3A_373 = arith.mulf %get3A_44, %get3A_372 : vector<16xf32>
        %add3A_374 = arith.addf %mul3A_368, %mul3A_373 : vector<16xf32>
        %swap3A_375 = arith.index_cast %scan3A_36 : i32 to index
        %swap3A_376 = arith.constant 320 : index
        %swap3A_377 = tpu.vector_load %arg12[%swap3A_375, %swap3A_376] {strides = array<i32>} : memref<16x1024xf32, #tpu.memory_space<vmem>>, vector<1x16xf32>,
        %swap3A_378 = vector.shape_cast %swap3A_377 : vector<1x16xf32> to vector<16xf32>
        %swap3A_379 = vector.shape_cast %add3A_374 : vector<16xf32> to vector<1x16xf32>
        tpu.vector_store %arg12[%swap3A_375, %swap3A_376], %swap3A_379 {strides = array<i32>} : memref<16x1024xf32, #tpu.memory_space<vmem>>, vector<1x16xf32>,
        %get3A_380 = arith.index_cast %scan3A_36 : i32 to index
        %get3A_381 = arith.constant 336 : index
        %get3A_382 = tpu.vector_load %arg10[%get3A_380, %get3A_381] {strides = array<i32>} : memref<16x1024xf32, #tpu.memory_space<vmem>>, vector<1x16xf32>,
        %get3A_383 = vector.shape_cast %get3A_382 : vector<1x16xf32> to vector<16xf32>
        %mul3A_384 = arith.mulf %get3A_40, %get3A_383 : vector<16xf32>
        %get3A_385 = arith.index_cast %scan3A_36 : i32 to index
        %get3A_386 = arith.constant 336 : index
        %get3A_387 = tpu.vector_load %arg11[%get3A_385, %get3A_386] {strides = array<i32>} : memref<16x1024xf32, #tpu.memory_space<vmem>>, vector<1x16xf32>,
        %get3A_388 = vector.shape_cast %get3A_387 : vector<1x16xf32> to vector<16xf32>
        %mul3A_389 = arith.mulf %get3A_44, %get3A_388 : vector<16xf32>
        %add3A_390 = arith.addf %mul3A_384, %mul3A_389 : vector<16xf32>
        %swap3A_391 = arith.index_cast %scan3A_36 : i32 to index
        %swap3A_392 = arith.constant 336 : index
        %swap3A_393 = tpu.vector_load %arg12[%swap3A_391, %swap3A_392] {strides = array<i32>} : memref<16x1024xf32, #tpu.memory_space<vmem>>, vector<1x16xf32>,
        %swap3A_394 = vector.shape_cast %swap3A_393 : vector<1x16xf32> to vector<16xf32>
        %swap3A_395 = vector.shape_cast %add3A_390 : vector<16xf32> to vector<1x16xf32>
        tpu.vector_store %arg12[%swap3A_391, %swap3A_392], %swap3A_395 {strides = array<i32>} : memref<16x1024xf32, #tpu.memory_space<vmem>>, vector<1x16xf32>,
        %get3A_396 = arith.index_cast %scan3A_36 : i32 to index
        %get3A_397 = arith.constant 352 : index
        %get3A_398 = tpu.vector_load %arg10[%get3A_396, %get3A_397] {strides = array<i32>} : memref<16x1024xf32, #tpu.memory_space<vmem>>, vector<1x16xf32>,
        %get3A_399 = vector.shape_cast %get3A_398 : vector<1x16xf32> to vector<16xf32>
        %mul3A_400 = arith.mulf %get3A_40, %get3A_399 : vector<16xf32>
        %get3A_401 = arith.index_cast %scan3A_36 : i32 to index
        %get3A_402 = arith.constant 352 : index
        %get3A_403 = tpu.vector_load %arg11[%get3A_401, %get3A_402] {strides = array<i32>} : memref<16x1024xf32, #tpu.memory_space<vmem>>, vector<1x16xf32>,
        %get3A_404 = vector.shape_cast %get3A_403 : vector<1x16xf32> to vector<16xf32>
        %mul3A_405 = arith.mulf %get3A_44, %get3A_404 : vector<16xf32>
        %add3A_406 = arith.addf %mul3A_400, %mul3A_405 : vector<16xf32>
        %swap3A_407 = arith.index_cast %scan3A_36 : i32 to index
        %swap3A_408 = arith.constant 352 : index
        %swap3A_409 = tpu.vector_load %arg12[%swap3A_407, %swap3A_408] {strides = array<i32>} : memref<16x1024xf32, #tpu.memory_space<vmem>>, vector<1x16xf32>,
        %swap3A_410 = vector.shape_cast %swap3A_409 : vector<1x16xf32> to vector<16xf32>
        %swap3A_411 = vector.shape_cast %add3A_406 : vector<16xf32> to vector<1x16xf32>
        tpu.vector_store %arg12[%swap3A_407, %swap3A_408], %swap3A_411 {strides = array<i32>} : memref<16x1024xf32, #tpu.memory_space<vmem>>, vector<1x16xf32>,
        %get3A_412 = arith.index_cast %scan3A_36 : i32 to index
        %get3A_413 = arith.constant 368 : index
        %get3A_414 = tpu.vector_load %arg10[%get3A_412, %get3A_413] {strides = array<i32>} : memref<16x1024xf32, #tpu.memory_space<vmem>>, vector<1x16xf32>,
        %get3A_415 = vector.shape_cast %get3A_414 : vector<1x16xf32> to vector<16xf32>
        %mul3A_416 = arith.mulf %get3A_40, %get3A_415 : vector<16xf32>
        %get3A_417 = arith.index_cast %scan3A_36 : i32 to index
        %get3A_418 = arith.constant 368 : index
        %get3A_419 = tpu.vector_load %arg11[%get3A_417, %get3A_418] {strides = array<i32>} : memref<16x1024xf32, #tpu.memory_space<vmem>>, vector<1x16xf32>,
        %get3A_420 = vector.shape_cast %get3A_419 : vector<1x16xf32> to vector<16xf32>
        %mul3A_421 = arith.mulf %get3A_44, %get3A_420 : vector<16xf32>
        %add3A_422 = arith.addf %mul3A_416, %mul3A_421 : vector<16xf32>
        %swap3A_423 = arith.index_cast %scan3A_36 : i32 to index
        %swap3A_424 = arith.constant 368 : index
        %swap3A_425 = tpu.vector_load %arg12[%swap3A_423, %swap3A_424] {strides = array<i32>} : memref<16x1024xf32, #tpu.memory_space<vmem>>, vector<1x16xf32>,
        %swap3A_426 = vector.shape_cast %swap3A_425 : vector<1x16xf32> to vector<16xf32>
        %swap3A_427 = vector.shape_cast %add3A_422 : vector<16xf32> to vector<1x16xf32>
        tpu.vector_store %arg12[%swap3A_423, %swap3A_424], %swap3A_427 {strides = array<i32>} : memref<16x1024xf32, #tpu.memory_space<vmem>>, vector<1x16xf32>,
        %get3A_428 = arith.index_cast %scan3A_36 : i32 to index
        %get3A_429 = arith.constant 384 : index
        %get3A_430 = tpu.vector_load %arg10[%get3A_428, %get3A_429] {strides = array<i32>} : memref<16x1024xf32, #tpu.memory_space<vmem>>, vector<1x16xf32>,
        %get3A_431 = vector.shape_cast %get3A_430 : vector<1x16xf32> to vector<16xf32>
        %mul3A_432 = arith.mulf %get3A_40, %get3A_431 : vector<16xf32>
        %get3A_433 = arith.index_cast %scan3A_36 : i32 to index
        %get3A_434 = arith.constant 384 : index
        %get3A_435 = tpu.vector_load %arg11[%get3A_433, %get3A_434] {strides = array<i32>} : memref<16x1024xf32, #tpu.memory_space<vmem>>, vector<1x16xf32>,
        %get3A_436 = vector.shape_cast %get3A_435 : vector<1x16xf32> to vector<16xf32>
        %mul3A_437 = arith.mulf %get3A_44, %get3A_436 : vector<16xf32>
        %add3A_438 = arith.addf %mul3A_432, %mul3A_437 : vector<16xf32>
        %swap3A_439 = arith.index_cast %scan3A_36 : i32 to index
        %swap3A_440 = arith.constant 384 : index
        %swap3A_441 = tpu.vector_load %arg12[%swap3A_439, %swap3A_440] {strides = array<i32>} : memref<16x1024xf32, #tpu.memory_space<vmem>>, vector<1x16xf32>,
        %swap3A_442 = vector.shape_cast %swap3A_441 : vector<1x16xf32> to vector<16xf32>
        %swap3A_443 = vector.shape_cast %add3A_438 : vector<16xf32> to vector<1x16xf32>
        tpu.vector_store %arg12[%swap3A_439, %swap3A_440], %swap3A_443 {strides = array<i32>} : memref<16x1024xf32, #tpu.memory_space<vmem>>, vector<1x16xf32>,
        %get3A_444 = arith.index_cast %scan3A_36 : i32 to index
        %get3A_445 = arith.constant 400 : index
        %get3A_446 = tpu.vector_load %arg10[%get3A_444, %get3A_445] {strides = array<i32>} : memref<16x1024xf32, #tpu.memory_space<vmem>>, vector<1x16xf32>,
        %get3A_447 = vector.shape_cast %get3A_446 : vector<1x16xf32> to vector<16xf32>
        %mul3A_448 = arith.mulf %get3A_40, %get3A_447 : vector<16xf32>
        %get3A_449 = arith.index_cast %scan3A_36 : i32 to index
        %get3A_450 = arith.constant 400 : index
        %get3A_451 = tpu.vector_load %arg11[%get3A_449, %get3A_450] {strides = array<i32>} : memref<16x1024xf32, #tpu.memory_space<vmem>>, vector<1x16xf32>,
        %get3A_452 = vector.shape_cast %get3A_451 : vector<1x16xf32> to vector<16xf32>
        %mul3A_453 = arith.mulf %get3A_44, %get3A_452 : vector<16xf32>
        %add3A_454 = arith.addf %mul3A_448, %mul3A_453 : vector<16xf32>
        %swap3A_455 = arith.index_cast %scan3A_36 : i32 to index
        %swap3A_456 = arith.constant 400 : index
        %swap3A_457 = tpu.vector_load %arg12[%swap3A_455, %swap3A_456] {strides = array<i32>} : memref<16x1024xf32, #tpu.memory_space<vmem>>, vector<1x16xf32>,
        %swap3A_458 = vector.shape_cast %swap3A_457 : vector<1x16xf32> to vector<16xf32>
        %swap3A_459 = vector.shape_cast %add3A_454 : vector<16xf32> to vector<1x16xf32>
        tpu.vector_store %arg12[%swap3A_455, %swap3A_456], %swap3A_459 {strides = array<i32>} : memref<16x1024xf32, #tpu.memory_space<vmem>>, vector<1x16xf32>,
        %get3A_460 = arith.index_cast %scan3A_36 : i32 to index
        %get3A_461 = arith.constant 416 : index
        %get3A_462 = tpu.vector_load %arg10[%get3A_460, %get3A_461] {strides = array<i32>} : memref<16x1024xf32, #tpu.memory_space<vmem>>, vector<1x16xf32>,
        %get3A_463 = vector.shape_cast %get3A_462 : vector<1x16xf32> to vector<16xf32>
        %mul3A_464 = arith.mulf %get3A_40, %get3A_463 : vector<16xf32>
        %get3A_465 = arith.index_cast %scan3A_36 : i32 to index
        %get3A_466 = arith.constant 416 : index
        %get3A_467 = tpu.vector_load %arg11[%get3A_465, %get3A_466] {strides = array<i32>} : memref<16x1024xf32, #tpu.memory_space<vmem>>, vector<1x16xf32>,
        %get3A_468 = vector.shape_cast %get3A_467 : vector<1x16xf32> to vector<16xf32>
        %mul3A_469 = arith.mulf %get3A_44, %get3A_468 : vector<16xf32>
        %add3A_470 = arith.addf %mul3A_464, %mul3A_469 : vector<16xf32>
        %swap3A_471 = arith.index_cast %scan3A_36 : i32 to index
        %swap3A_472 = arith.constant 416 : index
        %swap3A_473 = tpu.vector_load %arg12[%swap3A_471, %swap3A_472] {strides = array<i32>} : memref<16x1024xf32, #tpu.memory_space<vmem>>, vector<1x16xf32>,
        %swap3A_474 = vector.shape_cast %swap3A_473 : vector<1x16xf32> to vector<16xf32>
        %swap3A_475 = vector.shape_cast %add3A_470 : vector<16xf32> to vector<1x16xf32>
        tpu.vector_store %arg12[%swap3A_471, %swap3A_472], %swap3A_475 {strides = array<i32>} : memref<16x1024xf32, #tpu.memory_space<vmem>>, vector<1x16xf32>,
        %get3A_476 = arith.index_cast %scan3A_36 : i32 to index
        %get3A_477 = arith.constant 432 : index
        %get3A_478 = tpu.vector_load %arg10[%get3A_476, %get3A_477] {strides = array<i32>} : memref<16x1024xf32, #tpu.memory_space<vmem>>, vector<1x16xf32>,
        %get3A_479 = vector.shape_cast %get3A_478 : vector<1x16xf32> to vector<16xf32>
        %mul3A_480 = arith.mulf %get3A_40, %get3A_479 : vector<16xf32>
        %get3A_481 = arith.index_cast %scan3A_36 : i32 to index
        %get3A_482 = arith.constant 432 : index
        %get3A_483 = tpu.vector_load %arg11[%get3A_481, %get3A_482] {strides = array<i32>} : memref<16x1024xf32, #tpu.memory_space<vmem>>, vector<1x16xf32>,
        %get3A_484 = vector.shape_cast %get3A_483 : vector<1x16xf32> to vector<16xf32>
        %mul3A_485 = arith.mulf %get3A_44, %get3A_484 : vector<16xf32>
        %add3A_486 = arith.addf %mul3A_480, %mul3A_485 : vector<16xf32>
        %swap3A_487 = arith.index_cast %scan3A_36 : i32 to index
        %swap3A_488 = arith.constant 432 : index
        %swap3A_489 = tpu.vector_load %arg12[%swap3A_487, %swap3A_488] {strides = array<i32>} : memref<16x1024xf32, #tpu.memory_space<vmem>>, vector<1x16xf32>,
        %swap3A_490 = vector.shape_cast %swap3A_489 : vector<1x16xf32> to vector<16xf32>
        %swap3A_491 = vector.shape_cast %add3A_486 : vector<16xf32> to vector<1x16xf32>
        tpu.vector_store %arg12[%swap3A_487, %swap3A_488], %swap3A_491 {strides = array<i32>} : memref<16x1024xf32, #tpu.memory_space<vmem>>, vector<1x16xf32>,
        %get3A_492 = arith.index_cast %scan3A_36 : i32 to index
        %get3A_493 = arith.constant 448 : index
        %get3A_494 = tpu.vector_load %arg10[%get3A_492, %get3A_493] {strides = array<i32>} : memref<16x1024xf32, #tpu.memory_space<vmem>>, vector<1x16xf32>,
        %get3A_495 = vector.shape_cast %get3A_494 : vector<1x16xf32> to vector<16xf32>
        %mul3A_496 = arith.mulf %get3A_40, %get3A_495 : vector<16xf32>
        %get3A_497 = arith.index_cast %scan3A_36 : i32 to index
        %get3A_498 = arith.constant 448 : index
        %get3A_499 = tpu.vector_load %arg11[%get3A_497, %get3A_498] {strides = array<i32>} : memref<16x1024xf32, #tpu.memory_space<vmem>>, vector<1x16xf32>,
        %get3A_500 = vector.shape_cast %get3A_499 : vector<1x16xf32> to vector<16xf32>
        %mul3A_501 = arith.mulf %get3A_44, %get3A_500 : vector<16xf32>
        %add3A_502 = arith.addf %mul3A_496, %mul3A_501 : vector<16xf32>
        %swap3A_503 = arith.index_cast %scan3A_36 : i32 to index
        %swap3A_504 = arith.constant 448 : index
        %swap3A_505 = tpu.vector_load %arg12[%swap3A_503, %swap3A_504] {strides = array<i32>} : memref<16x1024xf32, #tpu.memory_space<vmem>>, vector<1x16xf32>,
        %swap3A_506 = vector.shape_cast %swap3A_505 : vector<1x16xf32> to vector<16xf32>
        %swap3A_507 = vector.shape_cast %add3A_502 : vector<16xf32> to vector<1x16xf32>
        tpu.vector_store %arg12[%swap3A_503, %swap3A_504], %swap3A_507 {strides = array<i32>} : memref<16x1024xf32, #tpu.memory_space<vmem>>, vector<1x16xf32>,
        %get3A_508 = arith.index_cast %scan3A_36 : i32 to index
        %get3A_509 = arith.constant 464 : index
        %get3A_510 = tpu.vector_load %arg10[%get3A_508, %get3A_509] {strides = array<i32>} : memref<16x1024xf32, #tpu.memory_space<vmem>>, vector<1x16xf32>,
        %get3A_511 = vector.shape_cast %get3A_510 : vector<1x16xf32> to vector<16xf32>
        %mul3A_512 = arith.mulf %get3A_40, %get3A_511 : vector<16xf32>
        %get3A_513 = arith.index_cast %scan3A_36 : i32 to index
        %get3A_514 = arith.constant 464 : index
        %get3A_515 = tpu.vector_load %arg11[%get3A_513, %get3A_514] {strides = array<i32>} : memref<16x1024xf32, #tpu.memory_space<vmem>>, vector<1x16xf32>,
        %get3A_516 = vector.shape_cast %get3A_515 : vector<1x16xf32> to vector<16xf32>
        %mul3A_517 = arith.mulf %get3A_44, %get3A_516 : vector<16xf32>
        %add3A_518 = arith.addf %mul3A_512, %mul3A_517 : vector<16xf32>
        %swap3A_519 = arith.index_cast %scan3A_36 : i32 to index
        %swap3A_520 = arith.constant 464 : index
        %swap3A_521 = tpu.vector_load %arg12[%swap3A_519, %swap3A_520] {strides = array<i32>} : memref<16x1024xf32, #tpu.memory_space<vmem>>, vector<1x16xf32>,
        %swap3A_522 = vector.shape_cast %swap3A_521 : vector<1x16xf32> to vector<16xf32>
        %swap3A_523 = vector.shape_cast %add3A_518 : vector<16xf32> to vector<1x16xf32>
        tpu.vector_store %arg12[%swap3A_519, %swap3A_520], %swap3A_523 {strides = array<i32>} : memref<16x1024xf32, #tpu.memory_space<vmem>>, vector<1x16xf32>,
        %get3A_524 = arith.index_cast %scan3A_36 : i32 to index
        %get3A_525 = arith.constant 480 : index
        %get3A_526 = tpu.vector_load %arg10[%get3A_524, %get3A_525] {strides = array<i32>} : memref<16x1024xf32, #tpu.memory_space<vmem>>, vector<1x16xf32>,
        %get3A_527 = vector.shape_cast %get3A_526 : vector<1x16xf32> to vector<16xf32>
        %mul3A_528 = arith.mulf %get3A_40, %get3A_527 : vector<16xf32>
        %get3A_529 = arith.index_cast %scan3A_36 : i32 to index
        %get3A_530 = arith.constant 480 : index
        %get3A_531 = tpu.vector_load %arg11[%get3A_529, %get3A_530] {strides = array<i32>} : memref<16x1024xf32, #tpu.memory_space<vmem>>, vector<1x16xf32>,
        %get3A_532 = vector.shape_cast %get3A_531 : vector<1x16xf32> to vector<16xf32>
        %mul3A_533 = arith.mulf %get3A_44, %get3A_532 : vector<16xf32>
        %add3A_534 = arith.addf %mul3A_528, %mul3A_533 : vector<16xf32>
        %swap3A_535 = arith.index_cast %scan3A_36 : i32 to index
        %swap3A_536 = arith.constant 480 : index
        %swap3A_537 = tpu.vector_load %arg12[%swap3A_535, %swap3A_536] {strides = array<i32>} : memref<16x1024xf32, #tpu.memory_space<vmem>>, vector<1x16xf32>,
        %swap3A_538 = vector.shape_cast %swap3A_537 : vector<1x16xf32> to vector<16xf32>
        %swap3A_539 = vector.shape_cast %add3A_534 : vector<16xf32> to vector<1x16xf32>
        tpu.vector_store %arg12[%swap3A_535, %swap3A_536], %swap3A_539 {strides = array<i32>} : memref<16x1024xf32, #tpu.memory_space<vmem>>, vector<1x16xf32>,
        %get3A_540 = arith.index_cast %scan3A_36 : i32 to index
        %get3A_541 = arith.constant 496 : index
        %get3A_542 = tpu.vector_load %arg10[%get3A_540, %get3A_541] {strides = array<i32>} : memref<16x1024xf32, #tpu.memory_space<vmem>>, vector<1x16xf32>,
        %get3A_543 = vector.shape_cast %get3A_542 : vector<1x16xf32> to vector<16xf32>
        %mul3A_544 = arith.mulf %get3A_40, %get3A_543 : vector<16xf32>
        %get3A_545 = arith.index_cast %scan3A_36 : i32 to index
        %get3A_546 = arith.constant 496 : index
        %get3A_547 = tpu.vector_load %arg11[%get3A_545, %get3A_546] {strides = array<i32>} : memref<16x1024xf32, #tpu.memory_space<vmem>>, vector<1x16xf32>,
        %get3A_548 = vector.shape_cast %get3A_547 : vector<1x16xf32> to vector<16xf32>
        %mul3A_549 = arith.mulf %get3A_44, %get3A_548 : vector<16xf32>
        %add3A_550 = arith.addf %mul3A_544, %mul3A_549 : vector<16xf32>
        %swap3A_551 = arith.index_cast %scan3A_36 : i32 to index
        %swap3A_552 = arith.constant 496 : index
        %swap3A_553 = tpu.vector_load %arg12[%swap3A_551, %swap3A_552] {strides = array<i32>} : memref<16x1024xf32, #tpu.memory_space<vmem>>, vector<1x16xf32>,
        %swap3A_554 = vector.shape_cast %swap3A_553 : vector<1x16xf32> to vector<16xf32>
        %swap3A_555 = vector.shape_cast %add3A_550 : vector<16xf32> to vector<1x16xf32>
        tpu.vector_store %arg12[%swap3A_551, %swap3A_552], %swap3A_555 {strides = array<i32>} : memref<16x1024xf32, #tpu.memory_space<vmem>>, vector<1x16xf32>,
        %get3A_556 = arith.index_cast %scan3A_36 : i32 to index
        %get3A_557 = arith.constant 512 : index
        %get3A_558 = tpu.vector_load %arg10[%get3A_556, %get3A_557] {strides = array<i32>} : memref<16x1024xf32, #tpu.memory_space<vmem>>, vector<1x16xf32>,
        %get3A_559 = vector.shape_cast %get3A_558 : vector<1x16xf32> to vector<16xf32>
        %mul3A_560 = arith.mulf %get3A_40, %get3A_559 : vector<16xf32>
        %get3A_561 = arith.index_cast %scan3A_36 : i32 to index
        %get3A_562 = arith.constant 512 : index
        %get3A_563 = tpu.vector_load %arg11[%get3A_561, %get3A_562] {strides = array<i32>} : memref<16x1024xf32, #tpu.memory_space<vmem>>, vector<1x16xf32>,
        %get3A_564 = vector.shape_cast %get3A_563 : vector<1x16xf32> to vector<16xf32>
        %mul3A_565 = arith.mulf %get3A_44, %get3A_564 : vector<16xf32>
        %add3A_566 = arith.addf %mul3A_560, %mul3A_565 : vector<16xf32>
        %swap3A_567 = arith.index_cast %scan3A_36 : i32 to index
        %swap3A_568 = arith.constant 512 : index
        %swap3A_569 = tpu.vector_load %arg12[%swap3A_567, %swap3A_568] {strides = array<i32>} : memref<16x1024xf32, #tpu.memory_space<vmem>>, vector<1x16xf32>,
        %swap3A_570 = vector.shape_cast %swap3A_569 : vector<1x16xf32> to vector<16xf32>
        %swap3A_571 = vector.shape_cast %add3A_566 : vector<16xf32> to vector<1x16xf32>
        tpu.vector_store %arg12[%swap3A_567, %swap3A_568], %swap3A_571 {strides = array<i32>} : memref<16x1024xf32, #tpu.memory_space<vmem>>, vector<1x16xf32>,
        %get3A_572 = arith.index_cast %scan3A_36 : i32 to index
        %get3A_573 = arith.constant 528 : index
        %get3A_574 = tpu.vector_load %arg10[%get3A_572, %get3A_573] {strides = array<i32>} : memref<16x1024xf32, #tpu.memory_space<vmem>>, vector<1x16xf32>,
        %get3A_575 = vector.shape_cast %get3A_574 : vector<1x16xf32> to vector<16xf32>
        %mul3A_576 = arith.mulf %get3A_40, %get3A_575 : vector<16xf32>
        %get3A_577 = arith.index_cast %scan3A_36 : i32 to index
        %get3A_578 = arith.constant 528 : index
        %get3A_579 = tpu.vector_load %arg11[%get3A_577, %get3A_578] {strides = array<i32>} : memref<16x1024xf32, #tpu.memory_space<vmem>>, vector<1x16xf32>,
        %get3A_580 = vector.shape_cast %get3A_579 : vector<1x16xf32> to vector<16xf32>
        %mul3A_581 = arith.mulf %get3A_44, %get3A_580 : vector<16xf32>
        %add3A_582 = arith.addf %mul3A_576, %mul3A_581 : vector<16xf32>
        %swap3A_583 = arith.index_cast %scan3A_36 : i32 to index
        %swap3A_584 = arith.constant 528 : index
        %swap3A_585 = tpu.vector_load %arg12[%swap3A_583, %swap3A_584] {strides = array<i32>} : memref<16x1024xf32, #tpu.memory_space<vmem>>, vector<1x16xf32>,
        %swap3A_586 = vector.shape_cast %swap3A_585 : vector<1x16xf32> to vector<16xf32>
        %swap3A_587 = vector.shape_cast %add3A_582 : vector<16xf32> to vector<1x16xf32>
        tpu.vector_store %arg12[%swap3A_583, %swap3A_584], %swap3A_587 {strides = array<i32>} : memref<16x1024xf32, #tpu.memory_space<vmem>>, vector<1x16xf32>,
        %get3A_588 = arith.index_cast %scan3A_36 : i32 to index
        %get3A_589 = arith.constant 544 : index
        %get3A_590 = tpu.vector_load %arg10[%get3A_588, %get3A_589] {strides = array<i32>} : memref<16x1024xf32, #tpu.memory_space<vmem>>, vector<1x16xf32>,
        %get3A_591 = vector.shape_cast %get3A_590 : vector<1x16xf32> to vector<16xf32>
        %mul3A_592 = arith.mulf %get3A_40, %get3A_591 : vector<16xf32>
        %get3A_593 = arith.index_cast %scan3A_36 : i32 to index
        %get3A_594 = arith.constant 544 : index
        %get3A_595 = tpu.vector_load %arg11[%get3A_593, %get3A_594] {strides = array<i32>} : memref<16x1024xf32, #tpu.memory_space<vmem>>, vector<1x16xf32>,
        %get3A_596 = vector.shape_cast %get3A_595 : vector<1x16xf32> to vector<16xf32>
        %mul3A_597 = arith.mulf %get3A_44, %get3A_596 : vector<16xf32>
        %add3A_598 = arith.addf %mul3A_592, %mul3A_597 : vector<16xf32>
        %swap3A_599 = arith.index_cast %scan3A_36 : i32 to index
        %swap3A_600 = arith.constant 544 : index
        %swap3A_601 = tpu.vector_load %arg12[%swap3A_599, %swap3A_600] {strides = array<i32>} : memref<16x1024xf32, #tpu.memory_space<vmem>>, vector<1x16xf32>,
        %swap3A_602 = vector.shape_cast %swap3A_601 : vector<1x16xf32> to vector<16xf32>
        %swap3A_603 = vector.shape_cast %add3A_598 : vector<16xf32> to vector<1x16xf32>
        tpu.vector_store %arg12[%swap3A_599, %swap3A_600], %swap3A_603 {strides = array<i32>} : memref<16x1024xf32, #tpu.memory_space<vmem>>, vector<1x16xf32>,
        %get3A_604 = arith.index_cast %scan3A_36 : i32 to index
        %get3A_605 = arith.constant 560 : index
        %get3A_606 = tpu.vector_load %arg10[%get3A_604, %get3A_605] {strides = array<i32>} : memref<16x1024xf32, #tpu.memory_space<vmem>>, vector<1x16xf32>,
        %get3A_607 = vector.shape_cast %get3A_606 : vector<1x16xf32> to vector<16xf32>
        %mul3A_608 = arith.mulf %get3A_40, %get3A_607 : vector<16xf32>
        %get3A_609 = arith.index_cast %scan3A_36 : i32 to index
        %get3A_610 = arith.constant 560 : index
        %get3A_611 = tpu.vector_load %arg11[%get3A_609, %get3A_610] {strides = array<i32>} : memref<16x1024xf32, #tpu.memory_space<vmem>>, vector<1x16xf32>,
        %get3A_612 = vector.shape_cast %get3A_611 : vector<1x16xf32> to vector<16xf32>
        %mul3A_613 = arith.mulf %get3A_44, %get3A_612 : vector<16xf32>
        %add3A_614 = arith.addf %mul3A_608, %mul3A_613 : vector<16xf32>
        %swap3A_615 = arith.index_cast %scan3A_36 : i32 to index
        %swap3A_616 = arith.constant 560 : index
        %swap3A_617 = tpu.vector_load %arg12[%swap3A_615, %swap3A_616] {strides = array<i32>} : memref<16x1024xf32, #tpu.memory_space<vmem>>, vector<1x16xf32>,
        %swap3A_618 = vector.shape_cast %swap3A_617 : vector<1x16xf32> to vector<16xf32>
        %swap3A_619 = vector.shape_cast %add3A_614 : vector<16xf32> to vector<1x16xf32>
        tpu.vector_store %arg12[%swap3A_615, %swap3A_616], %swap3A_619 {strides = array<i32>} : memref<16x1024xf32, #tpu.memory_space<vmem>>, vector<1x16xf32>,
        %get3A_620 = arith.index_cast %scan3A_36 : i32 to index
        %get3A_621 = arith.constant 576 : index
        %get3A_622 = tpu.vector_load %arg10[%get3A_620, %get3A_621] {strides = array<i32>} : memref<16x1024xf32, #tpu.memory_space<vmem>>, vector<1x16xf32>,
        %get3A_623 = vector.shape_cast %get3A_622 : vector<1x16xf32> to vector<16xf32>
        %mul3A_624 = arith.mulf %get3A_40, %get3A_623 : vector<16xf32>
        %get3A_625 = arith.index_cast %scan3A_36 : i32 to index
        %get3A_626 = arith.constant 576 : index
        %get3A_627 = tpu.vector_load %arg11[%get3A_625, %get3A_626] {strides = array<i32>} : memref<16x1024xf32, #tpu.memory_space<vmem>>, vector<1x16xf32>,
        %get3A_628 = vector.shape_cast %get3A_627 : vector<1x16xf32> to vector<16xf32>
        %mul3A_629 = arith.mulf %get3A_44, %get3A_628 : vector<16xf32>
        %add3A_630 = arith.addf %mul3A_624, %mul3A_629 : vector<16xf32>
        %swap3A_631 = arith.index_cast %scan3A_36 : i32 to index
        %swap3A_632 = arith.constant 576 : index
        %swap3A_633 = tpu.vector_load %arg12[%swap3A_631, %swap3A_632] {strides = array<i32>} : memref<16x1024xf32, #tpu.memory_space<vmem>>, vector<1x16xf32>,
        %swap3A_634 = vector.shape_cast %swap3A_633 : vector<1x16xf32> to vector<16xf32>
        %swap3A_635 = vector.shape_cast %add3A_630 : vector<16xf32> to vector<1x16xf32>
        tpu.vector_store %arg12[%swap3A_631, %swap3A_632], %swap3A_635 {strides = array<i32>} : memref<16x1024xf32, #tpu.memory_space<vmem>>, vector<1x16xf32>,
        %get3A_636 = arith.index_cast %scan3A_36 : i32 to index
        %get3A_637 = arith.constant 592 : index
        %get3A_638 = tpu.vector_load %arg10[%get3A_636, %get3A_637] {strides = array<i32>} : memref<16x1024xf32, #tpu.memory_space<vmem>>, vector<1x16xf32>,
        %get3A_639 = vector.shape_cast %get3A_638 : vector<1x16xf32> to vector<16xf32>
        %mul3A_640 = arith.mulf %get3A_40, %get3A_639 : vector<16xf32>
        %get3A_641 = arith.index_cast %scan3A_36 : i32 to index
        %get3A_642 = arith.constant 592 : index
        %get3A_643 = tpu.vector_load %arg11[%get3A_641, %get3A_642] {strides = array<i32>} : memref<16x1024xf32, #tpu.memory_space<vmem>>, vector<1x16xf32>,
        %get3A_644 = vector.shape_cast %get3A_643 : vector<1x16xf32> to vector<16xf32>
        %mul3A_645 = arith.mulf %get3A_44, %get3A_644 : vector<16xf32>
        %add3A_646 = arith.addf %mul3A_640, %mul3A_645 : vector<16xf32>
        %swap3A_647 = arith.index_cast %scan3A_36 : i32 to index
        %swap3A_648 = arith.constant 592 : index
        %swap3A_649 = tpu.vector_load %arg12[%swap3A_647, %swap3A_648] {strides = array<i32>} : memref<16x1024xf32, #tpu.memory_space<vmem>>, vector<1x16xf32>,
        %swap3A_650 = vector.shape_cast %swap3A_649 : vector<1x16xf32> to vector<16xf32>
        %swap3A_651 = vector.shape_cast %add3A_646 : vector<16xf32> to vector<1x16xf32>
        tpu.vector_store %arg12[%swap3A_647, %swap3A_648], %swap3A_651 {strides = array<i32>} : memref<16x1024xf32, #tpu.memory_space<vmem>>, vector<1x16xf32>,
        %get3A_652 = arith.index_cast %scan3A_36 : i32 to index
        %get3A_653 = arith.constant 608 : index
        %get3A_654 = tpu.vector_load %arg10[%get3A_652, %get3A_653] {strides = array<i32>} : memref<16x1024xf32, #tpu.memory_space<vmem>>, vector<1x16xf32>,
        %get3A_655 = vector.shape_cast %get3A_654 : vector<1x16xf32> to vector<16xf32>
        %mul3A_656 = arith.mulf %get3A_40, %get3A_655 : vector<16xf32>
        %get3A_657 = arith.index_cast %scan3A_36 : i32 to index
        %get3A_658 = arith.constant 608 : index
        %get3A_659 = tpu.vector_load %arg11[%get3A_657, %get3A_658] {strides = array<i32>} : memref<16x1024xf32, #tpu.memory_space<vmem>>, vector<1x16xf32>,
        %get3A_660 = vector.shape_cast %get3A_659 : vector<1x16xf32> to vector<16xf32>
        %mul3A_661 = arith.mulf %get3A_44, %get3A_660 : vector<16xf32>
        %add3A_662 = arith.addf %mul3A_656, %mul3A_661 : vector<16xf32>
        %swap3A_663 = arith.index_cast %scan3A_36 : i32 to index
        %swap3A_664 = arith.constant 608 : index
        %swap3A_665 = tpu.vector_load %arg12[%swap3A_663, %swap3A_664] {strides = array<i32>} : memref<16x1024xf32, #tpu.memory_space<vmem>>, vector<1x16xf32>,
        %swap3A_666 = vector.shape_cast %swap3A_665 : vector<1x16xf32> to vector<16xf32>
        %swap3A_667 = vector.shape_cast %add3A_662 : vector<16xf32> to vector<1x16xf32>
        tpu.vector_store %arg12[%swap3A_663, %swap3A_664], %swap3A_667 {strides = array<i32>} : memref<16x1024xf32, #tpu.memory_space<vmem>>, vector<1x16xf32>,
        %get3A_668 = arith.index_cast %scan3A_36 : i32 to index
        %get3A_669 = arith.constant 624 : index
        %get3A_670 = tpu.vector_load %arg10[%get3A_668, %get3A_669] {strides = array<i32>} : memref<16x1024xf32, #tpu.memory_space<vmem>>, vector<1x16xf32>,
        %get3A_671 = vector.shape_cast %get3A_670 : vector<1x16xf32> to vector<16xf32>
        %mul3A_672 = arith.mulf %get3A_40, %get3A_671 : vector<16xf32>
        %get3A_673 = arith.index_cast %scan3A_36 : i32 to index
        %get3A_674 = arith.constant 624 : index
        %get3A_675 = tpu.vector_load %arg11[%get3A_673, %get3A_674] {strides = array<i32>} : memref<16x1024xf32, #tpu.memory_space<vmem>>, vector<1x16xf32>,
        %get3A_676 = vector.shape_cast %get3A_675 : vector<1x16xf32> to vector<16xf32>
        %mul3A_677 = arith.mulf %get3A_44, %get3A_676 : vector<16xf32>
        %add3A_678 = arith.addf %mul3A_672, %mul3A_677 : vector<16xf32>
        %swap3A_679 = arith.index_cast %scan3A_36 : i32 to index
        %swap3A_680 = arith.constant 624 : index
        %swap3A_681 = tpu.vector_load %arg12[%swap3A_679, %swap3A_680] {strides = array<i32>} : memref<16x1024xf32, #tpu.memory_space<vmem>>, vector<1x16xf32>,
        %swap3A_682 = vector.shape_cast %swap3A_681 : vector<1x16xf32> to vector<16xf32>
        %swap3A_683 = vector.shape_cast %add3A_678 : vector<16xf32> to vector<1x16xf32>
        tpu.vector_store %arg12[%swap3A_679, %swap3A_680], %swap3A_683 {strides = array<i32>} : memref<16x1024xf32, #tpu.memory_space<vmem>>, vector<1x16xf32>,
        %get3A_684 = arith.index_cast %scan3A_36 : i32 to index
        %get3A_685 = arith.constant 640 : index
        %get3A_686 = tpu.vector_load %arg10[%get3A_684, %get3A_685] {strides = array<i32>} : memref<16x1024xf32, #tpu.memory_space<vmem>>, vector<1x16xf32>,
        %get3A_687 = vector.shape_cast %get3A_686 : vector<1x16xf32> to vector<16xf32>
        %mul3A_688 = arith.mulf %get3A_40, %get3A_687 : vector<16xf32>
        %get3A_689 = arith.index_cast %scan3A_36 : i32 to index
        %get3A_690 = arith.constant 640 : index
        %get3A_691 = tpu.vector_load %arg11[%get3A_689, %get3A_690] {strides = array<i32>} : memref<16x1024xf32, #tpu.memory_space<vmem>>, vector<1x16xf32>,
        %get3A_692 = vector.shape_cast %get3A_691 : vector<1x16xf32> to vector<16xf32>
        %mul3A_693 = arith.mulf %get3A_44, %get3A_692 : vector<16xf32>
        %add3A_694 = arith.addf %mul3A_688, %mul3A_693 : vector<16xf32>
        %swap3A_695 = arith.index_cast %scan3A_36 : i32 to index
        %swap3A_696 = arith.constant 640 : index
        %swap3A_697 = tpu.vector_load %arg12[%swap3A_695, %swap3A_696] {strides = array<i32>} : memref<16x1024xf32, #tpu.memory_space<vmem>>, vector<1x16xf32>,
        %swap3A_698 = vector.shape_cast %swap3A_697 : vector<1x16xf32> to vector<16xf32>
        %swap3A_699 = vector.shape_cast %add3A_694 : vector<16xf32> to vector<1x16xf32>
        tpu.vector_store %arg12[%swap3A_695, %swap3A_696], %swap3A_699 {strides = array<i32>} : memref<16x1024xf32, #tpu.memory_space<vmem>>, vector<1x16xf32>,
        %get3A_700 = arith.index_cast %scan3A_36 : i32 to index
        %get3A_701 = arith.constant 656 : index
        %get3A_702 = tpu.vector_load %arg10[%get3A_700, %get3A_701] {strides = array<i32>} : memref<16x1024xf32, #tpu.memory_space<vmem>>, vector<1x16xf32>,
        %get3A_703 = vector.shape_cast %get3A_702 : vector<1x16xf32> to vector<16xf32>
        %mul3A_704 = arith.mulf %get3A_40, %get3A_703 : vector<16xf32>
        %get3A_705 = arith.index_cast %scan3A_36 : i32 to index
        %get3A_706 = arith.constant 656 : index
        %get3A_707 = tpu.vector_load %arg11[%get3A_705, %get3A_706] {strides = array<i32>} : memref<16x1024xf32, #tpu.memory_space<vmem>>, vector<1x16xf32>,
        %get3A_708 = vector.shape_cast %get3A_707 : vector<1x16xf32> to vector<16xf32>
        %mul3A_709 = arith.mulf %get3A_44, %get3A_708 : vector<16xf32>
        %add3A_710 = arith.addf %mul3A_704, %mul3A_709 : vector<16xf32>
        %swap3A_711 = arith.index_cast %scan3A_36 : i32 to index
        %swap3A_712 = arith.constant 656 : index
        %swap3A_713 = tpu.vector_load %arg12[%swap3A_711, %swap3A_712] {strides = array<i32>} : memref<16x1024xf32, #tpu.memory_space<vmem>>, vector<1x16xf32>,
        %swap3A_714 = vector.shape_cast %swap3A_713 : vector<1x16xf32> to vector<16xf32>
        %swap3A_715 = vector.shape_cast %add3A_710 : vector<16xf32> to vector<1x16xf32>
        tpu.vector_store %arg12[%swap3A_711, %swap3A_712], %swap3A_715 {strides = array<i32>} : memref<16x1024xf32, #tpu.memory_space<vmem>>, vector<1x16xf32>,
        %get3A_716 = arith.index_cast %scan3A_36 : i32 to index
        %get3A_717 = arith.constant 672 : index
        %get3A_718 = tpu.vector_load %arg10[%get3A_716, %get3A_717] {strides = array<i32>} : memref<16x1024xf32, #tpu.memory_space<vmem>>, vector<1x16xf32>,
        %get3A_719 = vector.shape_cast %get3A_718 : vector<1x16xf32> to vector<16xf32>
        %mul3A_720 = arith.mulf %get3A_40, %get3A_719 : vector<16xf32>
        %get3A_721 = arith.index_cast %scan3A_36 : i32 to index
        %get3A_722 = arith.constant 672 : index
        %get3A_723 = tpu.vector_load %arg11[%get3A_721, %get3A_722] {strides = array<i32>} : memref<16x1024xf32, #tpu.memory_space<vmem>>, vector<1x16xf32>,
        %get3A_724 = vector.shape_cast %get3A_723 : vector<1x16xf32> to vector<16xf32>
        %mul3A_725 = arith.mulf %get3A_44, %get3A_724 : vector<16xf32>
        %add3A_726 = arith.addf %mul3A_720, %mul3A_725 : vector<16xf32>
        %swap3A_727 = arith.index_cast %scan3A_36 : i32 to index
        %swap3A_728 = arith.constant 672 : index
        %swap3A_729 = tpu.vector_load %arg12[%swap3A_727, %swap3A_728] {strides = array<i32>} : memref<16x1024xf32, #tpu.memory_space<vmem>>, vector<1x16xf32>,
        %swap3A_730 = vector.shape_cast %swap3A_729 : vector<1x16xf32> to vector<16xf32>
        %swap3A_731 = vector.shape_cast %add3A_726 : vector<16xf32> to vector<1x16xf32>
        tpu.vector_store %arg12[%swap3A_727, %swap3A_728], %swap3A_731 {strides = array<i32>} : memref<16x1024xf32, #tpu.memory_space<vmem>>, vector<1x16xf32>,
        %get3A_732 = arith.index_cast %scan3A_36 : i32 to index
        %get3A_733 = arith.constant 688 : index
        %get3A_734 = tpu.vector_load %arg10[%get3A_732, %get3A_733] {strides = array<i32>} : memref<16x1024xf32, #tpu.memory_space<vmem>>, vector<1x16xf32>,
        %get3A_735 = vector.shape_cast %get3A_734 : vector<1x16xf32> to vector<16xf32>
        %mul3A_736 = arith.mulf %get3A_40, %get3A_735 : vector<16xf32>
        %get3A_737 = arith.index_cast %scan3A_36 : i32 to index
        %get3A_738 = arith.constant 688 : index
        %get3A_739 = tpu.vector_load %arg11[%get3A_737, %get3A_738] {strides = array<i32>} : memref<16x1024xf32, #tpu.memory_space<vmem>>, vector<1x16xf32>,
        %get3A_740 = vector.shape_cast %get3A_739 : vector<1x16xf32> to vector<16xf32>
        %mul3A_741 = arith.mulf %get3A_44, %get3A_740 : vector<16xf32>
        %add3A_742 = arith.addf %mul3A_736, %mul3A_741 : vector<16xf32>
        %swap3A_743 = arith.index_cast %scan3A_36 : i32 to index
        %swap3A_744 = arith.constant 688 : index
        %swap3A_745 = tpu.vector_load %arg12[%swap3A_743, %swap3A_744] {strides = array<i32>} : memref<16x1024xf32, #tpu.memory_space<vmem>>, vector<1x16xf32>,
        %swap3A_746 = vector.shape_cast %swap3A_745 : vector<1x16xf32> to vector<16xf32>
        %swap3A_747 = vector.shape_cast %add3A_742 : vector<16xf32> to vector<1x16xf32>
        tpu.vector_store %arg12[%swap3A_743, %swap3A_744], %swap3A_747 {strides = array<i32>} : memref<16x1024xf32, #tpu.memory_space<vmem>>, vector<1x16xf32>,
        %get3A_748 = arith.index_cast %scan3A_36 : i32 to index
        %get3A_749 = arith.constant 704 : index
        %get3A_750 = tpu.vector_load %arg10[%get3A_748, %get3A_749] {strides = array<i32>} : memref<16x1024xf32, #tpu.memory_space<vmem>>, vector<1x16xf32>,
        %get3A_751 = vector.shape_cast %get3A_750 : vector<1x16xf32> to vector<16xf32>
        %mul3A_752 = arith.mulf %get3A_40, %get3A_751 : vector<16xf32>
        %get3A_753 = arith.index_cast %scan3A_36 : i32 to index
        %get3A_754 = arith.constant 704 : index
        %get3A_755 = tpu.vector_load %arg11[%get3A_753, %get3A_754] {strides = array<i32>} : memref<16x1024xf32, #tpu.memory_space<vmem>>, vector<1x16xf32>,
        %get3A_756 = vector.shape_cast %get3A_755 : vector<1x16xf32> to vector<16xf32>
        %mul3A_757 = arith.mulf %get3A_44, %get3A_756 : vector<16xf32>
        %add3A_758 = arith.addf %mul3A_752, %mul3A_757 : vector<16xf32>
        %swap3A_759 = arith.index_cast %scan3A_36 : i32 to index
        %swap3A_760 = arith.constant 704 : index
        %swap3A_761 = tpu.vector_load %arg12[%swap3A_759, %swap3A_760] {strides = array<i32>} : memref<16x1024xf32, #tpu.memory_space<vmem>>, vector<1x16xf32>,
        %swap3A_762 = vector.shape_cast %swap3A_761 : vector<1x16xf32> to vector<16xf32>
        %swap3A_763 = vector.shape_cast %add3A_758 : vector<16xf32> to vector<1x16xf32>
        tpu.vector_store %arg12[%swap3A_759, %swap3A_760], %swap3A_763 {strides = array<i32>} : memref<16x1024xf32, #tpu.memory_space<vmem>>, vector<1x16xf32>,
        %get3A_764 = arith.index_cast %scan3A_36 : i32 to index
        %get3A_765 = arith.constant 720 : index
        %get3A_766 = tpu.vector_load %arg10[%get3A_764, %get3A_765] {strides = array<i32>} : memref<16x1024xf32, #tpu.memory_space<vmem>>, vector<1x16xf32>,
        %get3A_767 = vector.shape_cast %get3A_766 : vector<1x16xf32> to vector<16xf32>
        %mul3A_768 = arith.mulf %get3A_40, %get3A_767 : vector<16xf32>
        %get3A_769 = arith.index_cast %scan3A_36 : i32 to index
        %get3A_770 = arith.constant 720 : index
        %get3A_771 = tpu.vector_load %arg11[%get3A_769, %get3A_770] {strides = array<i32>} : memref<16x1024xf32, #tpu.memory_space<vmem>>, vector<1x16xf32>,
        %get3A_772 = vector.shape_cast %get3A_771 : vector<1x16xf32> to vector<16xf32>
        %mul3A_773 = arith.mulf %get3A_44, %get3A_772 : vector<16xf32>
        %add3A_774 = arith.addf %mul3A_768, %mul3A_773 : vector<16xf32>
        %swap3A_775 = arith.index_cast %scan3A_36 : i32 to index
        %swap3A_776 = arith.constant 720 : index
        %swap3A_777 = tpu.vector_load %arg12[%swap3A_775, %swap3A_776] {strides = array<i32>} : memref<16x1024xf32, #tpu.memory_space<vmem>>, vector<1x16xf32>,
        %swap3A_778 = vector.shape_cast %swap3A_777 : vector<1x16xf32> to vector<16xf32>
        %swap3A_779 = vector.shape_cast %add3A_774 : vector<16xf32> to vector<1x16xf32>
        tpu.vector_store %arg12[%swap3A_775, %swap3A_776], %swap3A_779 {strides = array<i32>} : memref<16x1024xf32, #tpu.memory_space<vmem>>, vector<1x16xf32>,
        %get3A_780 = arith.index_cast %scan3A_36 : i32 to index
        %get3A_781 = arith.constant 736 : index
        %get3A_782 = tpu.vector_load %arg10[%get3A_780, %get3A_781] {strides = array<i32>} : memref<16x1024xf32, #tpu.memory_space<vmem>>, vector<1x16xf32>,
        %get3A_783 = vector.shape_cast %get3A_782 : vector<1x16xf32> to vector<16xf32>
        %mul3A_784 = arith.mulf %get3A_40, %get3A_783 : vector<16xf32>
        %get3A_785 = arith.index_cast %scan3A_36 : i32 to index
        %get3A_786 = arith.constant 736 : index
        %get3A_787 = tpu.vector_load %arg11[%get3A_785, %get3A_786] {strides = array<i32>} : memref<16x1024xf32, #tpu.memory_space<vmem>>, vector<1x16xf32>,
        %get3A_788 = vector.shape_cast %get3A_787 : vector<1x16xf32> to vector<16xf32>
        %mul3A_789 = arith.mulf %get3A_44, %get3A_788 : vector<16xf32>
        %add3A_790 = arith.addf %mul3A_784, %mul3A_789 : vector<16xf32>
        %swap3A_791 = arith.index_cast %scan3A_36 : i32 to index
        %swap3A_792 = arith.constant 736 : index
        %swap3A_793 = tpu.vector_load %arg12[%swap3A_791, %swap3A_792] {strides = array<i32>} : memref<16x1024xf32, #tpu.memory_space<vmem>>, vector<1x16xf32>,
        %swap3A_794 = vector.shape_cast %swap3A_793 : vector<1x16xf32> to vector<16xf32>
        %swap3A_795 = vector.shape_cast %add3A_790 : vector<16xf32> to vector<1x16xf32>
        tpu.vector_store %arg12[%swap3A_791, %swap3A_792], %swap3A_795 {strides = array<i32>} : memref<16x1024xf32, #tpu.memory_space<vmem>>, vector<1x16xf32>,
        %get3A_796 = arith.index_cast %scan3A_36 : i32 to index
        %get3A_797 = arith.constant 752 : index
        %get3A_798 = tpu.vector_load %arg10[%get3A_796, %get3A_797] {strides = array<i32>} : memref<16x1024xf32, #tpu.memory_space<vmem>>, vector<1x16xf32>,
        %get3A_799 = vector.shape_cast %get3A_798 : vector<1x16xf32> to vector<16xf32>
        %mul3A_800 = arith.mulf %get3A_40, %get3A_799 : vector<16xf32>
        %get3A_801 = arith.index_cast %scan3A_36 : i32 to index
        %get3A_802 = arith.constant 752 : index
        %get3A_803 = tpu.vector_load %arg11[%get3A_801, %get3A_802] {strides = array<i32>} : memref<16x1024xf32, #tpu.memory_space<vmem>>, vector<1x16xf32>,
        %get3A_804 = vector.shape_cast %get3A_803 : vector<1x16xf32> to vector<16xf32>
        %mul3A_805 = arith.mulf %get3A_44, %get3A_804 : vector<16xf32>
        %add3A_806 = arith.addf %mul3A_800, %mul3A_805 : vector<16xf32>
        %swap3A_807 = arith.index_cast %scan3A_36 : i32 to index
        %swap3A_808 = arith.constant 752 : index
        %swap3A_809 = tpu.vector_load %arg12[%swap3A_807, %swap3A_808] {strides = array<i32>} : memref<16x1024xf32, #tpu.memory_space<vmem>>, vector<1x16xf32>,
        %swap3A_810 = vector.shape_cast %swap3A_809 : vector<1x16xf32> to vector<16xf32>
        %swap3A_811 = vector.shape_cast %add3A_806 : vector<16xf32> to vector<1x16xf32>
        tpu.vector_store %arg12[%swap3A_807, %swap3A_808], %swap3A_811 {strides = array<i32>} : memref<16x1024xf32, #tpu.memory_space<vmem>>, vector<1x16xf32>,
        %get3A_812 = arith.index_cast %scan3A_36 : i32 to index
        %get3A_813 = arith.constant 768 : index
        %get3A_814 = tpu.vector_load %arg10[%get3A_812, %get3A_813] {strides = array<i32>} : memref<16x1024xf32, #tpu.memory_space<vmem>>, vector<1x16xf32>,
        %get3A_815 = vector.shape_cast %get3A_814 : vector<1x16xf32> to vector<16xf32>
        %mul3A_816 = arith.mulf %get3A_40, %get3A_815 : vector<16xf32>
        %get3A_817 = arith.index_cast %scan3A_36 : i32 to index
        %get3A_818 = arith.constant 768 : index
        %get3A_819 = tpu.vector_load %arg11[%get3A_817, %get3A_818] {strides = array<i32>} : memref<16x1024xf32, #tpu.memory_space<vmem>>, vector<1x16xf32>,
        %get3A_820 = vector.shape_cast %get3A_819 : vector<1x16xf32> to vector<16xf32>
        %mul3A_821 = arith.mulf %get3A_44, %get3A_820 : vector<16xf32>
        %add3A_822 = arith.addf %mul3A_816, %mul3A_821 : vector<16xf32>
        %swap3A_823 = arith.index_cast %scan3A_36 : i32 to index
        %swap3A_824 = arith.constant 768 : index
        %swap3A_825 = tpu.vector_load %arg12[%swap3A_823, %swap3A_824] {strides = array<i32>} : memref<16x1024xf32, #tpu.memory_space<vmem>>, vector<1x16xf32>,
        %swap3A_826 = vector.shape_cast %swap3A_825 : vector<1x16xf32> to vector<16xf32>
        %swap3A_827 = vector.shape_cast %add3A_822 : vector<16xf32> to vector<1x16xf32>
        tpu.vector_store %arg12[%swap3A_823, %swap3A_824], %swap3A_827 {strides = array<i32>} : memref<16x1024xf32, #tpu.memory_space<vmem>>, vector<1x16xf32>,
        %get3A_828 = arith.index_cast %scan3A_36 : i32 to index
        %get3A_829 = arith.constant 784 : index
        %get3A_830 = tpu.vector_load %arg10[%get3A_828, %get3A_829] {strides = array<i32>} : memref<16x1024xf32, #tpu.memory_space<vmem>>, vector<1x16xf32>,
        %get3A_831 = vector.shape_cast %get3A_830 : vector<1x16xf32> to vector<16xf32>
        %mul3A_832 = arith.mulf %get3A_40, %get3A_831 : vector<16xf32>
        %get3A_833 = arith.index_cast %scan3A_36 : i32 to index
        %get3A_834 = arith.constant 784 : index
        %get3A_835 = tpu.vector_load %arg11[%get3A_833, %get3A_834] {strides = array<i32>} : memref<16x1024xf32, #tpu.memory_space<vmem>>, vector<1x16xf32>,
        %get3A_836 = vector.shape_cast %get3A_835 : vector<1x16xf32> to vector<16xf32>
        %mul3A_837 = arith.mulf %get3A_44, %get3A_836 : vector<16xf32>
        %add3A_838 = arith.addf %mul3A_832, %mul3A_837 : vector<16xf32>
        %swap3A_839 = arith.index_cast %scan3A_36 : i32 to index
        %swap3A_840 = arith.constant 784 : index
        %swap3A_841 = tpu.vector_load %arg12[%swap3A_839, %swap3A_840] {strides = array<i32>} : memref<16x1024xf32, #tpu.memory_space<vmem>>, vector<1x16xf32>,
        %swap3A_842 = vector.shape_cast %swap3A_841 : vector<1x16xf32> to vector<16xf32>
        %swap3A_843 = vector.shape_cast %add3A_838 : vector<16xf32> to vector<1x16xf32>
        tpu.vector_store %arg12[%swap3A_839, %swap3A_840], %swap3A_843 {strides = array<i32>} : memref<16x1024xf32, #tpu.memory_space<vmem>>, vector<1x16xf32>,
        %get3A_844 = arith.index_cast %scan3A_36 : i32 to index
        %get3A_845 = arith.constant 800 : index
        %get3A_846 = tpu.vector_load %arg10[%get3A_844, %get3A_845] {strides = array<i32>} : memref<16x1024xf32, #tpu.memory_space<vmem>>, vector<1x16xf32>,
        %get3A_847 = vector.shape_cast %get3A_846 : vector<1x16xf32> to vector<16xf32>
        %mul3A_848 = arith.mulf %get3A_40, %get3A_847 : vector<16xf32>
        %get3A_849 = arith.index_cast %scan3A_36 : i32 to index
        %get3A_850 = arith.constant 800 : index
        %get3A_851 = tpu.vector_load %arg11[%get3A_849, %get3A_850] {strides = array<i32>} : memref<16x1024xf32, #tpu.memory_space<vmem>>, vector<1x16xf32>,
        %get3A_852 = vector.shape_cast %get3A_851 : vector<1x16xf32> to vector<16xf32>
        %mul3A_853 = arith.mulf %get3A_44, %get3A_852 : vector<16xf32>
        %add3A_854 = arith.addf %mul3A_848, %mul3A_853 : vector<16xf32>
        %swap3A_855 = arith.index_cast %scan3A_36 : i32 to index
        %swap3A_856 = arith.constant 800 : index
        %swap3A_857 = tpu.vector_load %arg12[%swap3A_855, %swap3A_856] {strides = array<i32>} : memref<16x1024xf32, #tpu.memory_space<vmem>>, vector<1x16xf32>,
        %swap3A_858 = vector.shape_cast %swap3A_857 : vector<1x16xf32> to vector<16xf32>
        %swap3A_859 = vector.shape_cast %add3A_854 : vector<16xf32> to vector<1x16xf32>
        tpu.vector_store %arg12[%swap3A_855, %swap3A_856], %swap3A_859 {strides = array<i32>} : memref<16x1024xf32, #tpu.memory_space<vmem>>, vector<1x16xf32>,
        %get3A_860 = arith.index_cast %scan3A_36 : i32 to index
        %get3A_861 = arith.constant 816 : index
        %get3A_862 = tpu.vector_load %arg10[%get3A_860, %get3A_861] {strides = array<i32>} : memref<16x1024xf32, #tpu.memory_space<vmem>>, vector<1x16xf32>,
        %get3A_863 = vector.shape_cast %get3A_862 : vector<1x16xf32> to vector<16xf32>
        %mul3A_864 = arith.mulf %get3A_40, %get3A_863 : vector<16xf32>
        %get3A_865 = arith.index_cast %scan3A_36 : i32 to index
        %get3A_866 = arith.constant 816 : index
        %get3A_867 = tpu.vector_load %arg11[%get3A_865, %get3A_866] {strides = array<i32>} : memref<16x1024xf32, #tpu.memory_space<vmem>>, vector<1x16xf32>,
        %get3A_868 = vector.shape_cast %get3A_867 : vector<1x16xf32> to vector<16xf32>
        %mul3A_869 = arith.mulf %get3A_44, %get3A_868 : vector<16xf32>
        %add3A_870 = arith.addf %mul3A_864, %mul3A_869 : vector<16xf32>
        %swap3A_871 = arith.index_cast %scan3A_36 : i32 to index
        %swap3A_872 = arith.constant 816 : index
        %swap3A_873 = tpu.vector_load %arg12[%swap3A_871, %swap3A_872] {strides = array<i32>} : memref<16x1024xf32, #tpu.memory_space<vmem>>, vector<1x16xf32>,
        %swap3A_874 = vector.shape_cast %swap3A_873 : vector<1x16xf32> to vector<16xf32>
        %swap3A_875 = vector.shape_cast %add3A_870 : vector<16xf32> to vector<1x16xf32>
        tpu.vector_store %arg12[%swap3A_871, %swap3A_872], %swap3A_875 {strides = array<i32>} : memref<16x1024xf32, #tpu.memory_space<vmem>>, vector<1x16xf32>,
        %get3A_876 = arith.index_cast %scan3A_36 : i32 to index
        %get3A_877 = arith.constant 832 : index
        %get3A_878 = tpu.vector_load %arg10[%get3A_876, %get3A_877] {strides = array<i32>} : memref<16x1024xf32, #tpu.memory_space<vmem>>, vector<1x16xf32>,
        %get3A_879 = vector.shape_cast %get3A_878 : vector<1x16xf32> to vector<16xf32>
        %mul3A_880 = arith.mulf %get3A_40, %get3A_879 : vector<16xf32>
        %get3A_881 = arith.index_cast %scan3A_36 : i32 to index
        %get3A_882 = arith.constant 832 : index
        %get3A_883 = tpu.vector_load %arg11[%get3A_881, %get3A_882] {strides = array<i32>} : memref<16x1024xf32, #tpu.memory_space<vmem>>, vector<1x16xf32>,
        %get3A_884 = vector.shape_cast %get3A_883 : vector<1x16xf32> to vector<16xf32>
        %mul3A_885 = arith.mulf %get3A_44, %get3A_884 : vector<16xf32>
        %add3A_886 = arith.addf %mul3A_880, %mul3A_885 : vector<16xf32>
        %swap3A_887 = arith.index_cast %scan3A_36 : i32 to index
        %swap3A_888 = arith.constant 832 : index
        %swap3A_889 = tpu.vector_load %arg12[%swap3A_887, %swap3A_888] {strides = array<i32>} : memref<16x1024xf32, #tpu.memory_space<vmem>>, vector<1x16xf32>,
        %swap3A_890 = vector.shape_cast %swap3A_889 : vector<1x16xf32> to vector<16xf32>
        %swap3A_891 = vector.shape_cast %add3A_886 : vector<16xf32> to vector<1x16xf32>
        tpu.vector_store %arg12[%swap3A_887, %swap3A_888], %swap3A_891 {strides = array<i32>} : memref<16x1024xf32, #tpu.memory_space<vmem>>, vector<1x16xf32>,
        %get3A_892 = arith.index_cast %scan3A_36 : i32 to index
        %get3A_893 = arith.constant 848 : index
        %get3A_894 = tpu.vector_load %arg10[%get3A_892, %get3A_893] {strides = array<i32>} : memref<16x1024xf32, #tpu.memory_space<vmem>>, vector<1x16xf32>,
        %get3A_895 = vector.shape_cast %get3A_894 : vector<1x16xf32> to vector<16xf32>
        %mul3A_896 = arith.mulf %get3A_40, %get3A_895 : vector<16xf32>
        %get3A_897 = arith.index_cast %scan3A_36 : i32 to index
        %get3A_898 = arith.constant 848 : index
        %get3A_899 = tpu.vector_load %arg11[%get3A_897, %get3A_898] {strides = array<i32>} : memref<16x1024xf32, #tpu.memory_space<vmem>>, vector<1x16xf32>,
        %get3A_900 = vector.shape_cast %get3A_899 : vector<1x16xf32> to vector<16xf32>
        %mul3A_901 = arith.mulf %get3A_44, %get3A_900 : vector<16xf32>
        %add3A_902 = arith.addf %mul3A_896, %mul3A_901 : vector<16xf32>
        %swap3A_903 = arith.index_cast %scan3A_36 : i32 to index
        %swap3A_904 = arith.constant 848 : index
        %swap3A_905 = tpu.vector_load %arg12[%swap3A_903, %swap3A_904] {strides = array<i32>} : memref<16x1024xf32, #tpu.memory_space<vmem>>, vector<1x16xf32>,
        %swap3A_906 = vector.shape_cast %swap3A_905 : vector<1x16xf32> to vector<16xf32>
        %swap3A_907 = vector.shape_cast %add3A_902 : vector<16xf32> to vector<1x16xf32>
        tpu.vector_store %arg12[%swap3A_903, %swap3A_904], %swap3A_907 {strides = array<i32>} : memref<16x1024xf32, #tpu.memory_space<vmem>>, vector<1x16xf32>,
        %get3A_908 = arith.index_cast %scan3A_36 : i32 to index
        %get3A_909 = arith.constant 864 : index
        %get3A_910 = tpu.vector_load %arg10[%get3A_908, %get3A_909] {strides = array<i32>} : memref<16x1024xf32, #tpu.memory_space<vmem>>, vector<1x16xf32>,
        %get3A_911 = vector.shape_cast %get3A_910 : vector<1x16xf32> to vector<16xf32>
        %mul3A_912 = arith.mulf %get3A_40, %get3A_911 : vector<16xf32>
        %get3A_913 = arith.index_cast %scan3A_36 : i32 to index
        %get3A_914 = arith.constant 864 : index
        %get3A_915 = tpu.vector_load %arg11[%get3A_913, %get3A_914] {strides = array<i32>} : memref<16x1024xf32, #tpu.memory_space<vmem>>, vector<1x16xf32>,
        %get3A_916 = vector.shape_cast %get3A_915 : vector<1x16xf32> to vector<16xf32>
        %mul3A_917 = arith.mulf %get3A_44, %get3A_916 : vector<16xf32>
        %add3A_918 = arith.addf %mul3A_912, %mul3A_917 : vector<16xf32>
        %swap3A_919 = arith.index_cast %scan3A_36 : i32 to index
        %swap3A_920 = arith.constant 864 : index
        %swap3A_921 = tpu.vector_load %arg12[%swap3A_919, %swap3A_920] {strides = array<i32>} : memref<16x1024xf32, #tpu.memory_space<vmem>>, vector<1x16xf32>,
        %swap3A_922 = vector.shape_cast %swap3A_921 : vector<1x16xf32> to vector<16xf32>
        %swap3A_923 = vector.shape_cast %add3A_918 : vector<16xf32> to vector<1x16xf32>
        tpu.vector_store %arg12[%swap3A_919, %swap3A_920], %swap3A_923 {strides = array<i32>} : memref<16x1024xf32, #tpu.memory_space<vmem>>, vector<1x16xf32>,
        %get3A_924 = arith.index_cast %scan3A_36 : i32 to index
        %get3A_925 = arith.constant 880 : index
        %get3A_926 = tpu.vector_load %arg10[%get3A_924, %get3A_925] {strides = array<i32>} : memref<16x1024xf32, #tpu.memory_space<vmem>>, vector<1x16xf32>,
        %get3A_927 = vector.shape_cast %get3A_926 : vector<1x16xf32> to vector<16xf32>
        %mul3A_928 = arith.mulf %get3A_40, %get3A_927 : vector<16xf32>
        %get3A_929 = arith.index_cast %scan3A_36 : i32 to index
        %get3A_930 = arith.constant 880 : index
        %get3A_931 = tpu.vector_load %arg11[%get3A_929, %get3A_930] {strides = array<i32>} : memref<16x1024xf32, #tpu.memory_space<vmem>>, vector<1x16xf32>,
        %get3A_932 = vector.shape_cast %get3A_931 : vector<1x16xf32> to vector<16xf32>
        %mul3A_933 = arith.mulf %get3A_44, %get3A_932 : vector<16xf32>
        %add3A_934 = arith.addf %mul3A_928, %mul3A_933 : vector<16xf32>
        %swap3A_935 = arith.index_cast %scan3A_36 : i32 to index
        %swap3A_936 = arith.constant 880 : index
        %swap3A_937 = tpu.vector_load %arg12[%swap3A_935, %swap3A_936] {strides = array<i32>} : memref<16x1024xf32, #tpu.memory_space<vmem>>, vector<1x16xf32>,
        %swap3A_938 = vector.shape_cast %swap3A_937 : vector<1x16xf32> to vector<16xf32>
        %swap3A_939 = vector.shape_cast %add3A_934 : vector<16xf32> to vector<1x16xf32>
        tpu.vector_store %arg12[%swap3A_935, %swap3A_936], %swap3A_939 {strides = array<i32>} : memref<16x1024xf32, #tpu.memory_space<vmem>>, vector<1x16xf32>,
        %get3A_940 = arith.index_cast %scan3A_36 : i32 to index
        %get3A_941 = arith.constant 896 : index
        %get3A_942 = tpu.vector_load %arg10[%get3A_940, %get3A_941] {strides = array<i32>} : memref<16x1024xf32, #tpu.memory_space<vmem>>, vector<1x16xf32>,
        %get3A_943 = vector.shape_cast %get3A_942 : vector<1x16xf32> to vector<16xf32>
        %mul3A_944 = arith.mulf %get3A_40, %get3A_943 : vector<16xf32>
        %get3A_945 = arith.index_cast %scan3A_36 : i32 to index
        %get3A_946 = arith.constant 896 : index
        %get3A_947 = tpu.vector_load %arg11[%get3A_945, %get3A_946] {strides = array<i32>} : memref<16x1024xf32, #tpu.memory_space<vmem>>, vector<1x16xf32>,
        %get3A_948 = vector.shape_cast %get3A_947 : vector<1x16xf32> to vector<16xf32>
        %mul3A_949 = arith.mulf %get3A_44, %get3A_948 : vector<16xf32>
        %add3A_950 = arith.addf %mul3A_944, %mul3A_949 : vector<16xf32>
        %swap3A_951 = arith.index_cast %scan3A_36 : i32 to index
        %swap3A_952 = arith.constant 896 : index
        %swap3A_953 = tpu.vector_load %arg12[%swap3A_951, %swap3A_952] {strides = array<i32>} : memref<16x1024xf32, #tpu.memory_space<vmem>>, vector<1x16xf32>,
        %swap3A_954 = vector.shape_cast %swap3A_953 : vector<1x16xf32> to vector<16xf32>
        %swap3A_955 = vector.shape_cast %add3A_950 : vector<16xf32> to vector<1x16xf32>
        tpu.vector_store %arg12[%swap3A_951, %swap3A_952], %swap3A_955 {strides = array<i32>} : memref<16x1024xf32, #tpu.memory_space<vmem>>, vector<1x16xf32>,
        %get3A_956 = arith.index_cast %scan3A_36 : i32 to index
        %get3A_957 = arith.constant 912 : index
        %get3A_958 = tpu.vector_load %arg10[%get3A_956, %get3A_957] {strides = array<i32>} : memref<16x1024xf32, #tpu.memory_space<vmem>>, vector<1x16xf32>,
        %get3A_959 = vector.shape_cast %get3A_958 : vector<1x16xf32> to vector<16xf32>
        %mul3A_960 = arith.mulf %get3A_40, %get3A_959 : vector<16xf32>
        %get3A_961 = arith.index_cast %scan3A_36 : i32 to index
        %get3A_962 = arith.constant 912 : index
        %get3A_963 = tpu.vector_load %arg11[%get3A_961, %get3A_962] {strides = array<i32>} : memref<16x1024xf32, #tpu.memory_space<vmem>>, vector<1x16xf32>,
        %get3A_964 = vector.shape_cast %get3A_963 : vector<1x16xf32> to vector<16xf32>
        %mul3A_965 = arith.mulf %get3A_44, %get3A_964 : vector<16xf32>
        %add3A_966 = arith.addf %mul3A_960, %mul3A_965 : vector<16xf32>
        %swap3A_967 = arith.index_cast %scan3A_36 : i32 to index
        %swap3A_968 = arith.constant 912 : index
        %swap3A_969 = tpu.vector_load %arg12[%swap3A_967, %swap3A_968] {strides = array<i32>} : memref<16x1024xf32, #tpu.memory_space<vmem>>, vector<1x16xf32>,
        %swap3A_970 = vector.shape_cast %swap3A_969 : vector<1x16xf32> to vector<16xf32>
        %swap3A_971 = vector.shape_cast %add3A_966 : vector<16xf32> to vector<1x16xf32>
        tpu.vector_store %arg12[%swap3A_967, %swap3A_968], %swap3A_971 {strides = array<i32>} : memref<16x1024xf32, #tpu.memory_space<vmem>>, vector<1x16xf32>,
        %get3A_972 = arith.index_cast %scan3A_36 : i32 to index
        %get3A_973 = arith.constant 928 : index
        %get3A_974 = tpu.vector_load %arg10[%get3A_972, %get3A_973] {strides = array<i32>} : memref<16x1024xf32, #tpu.memory_space<vmem>>, vector<1x16xf32>,
        %get3A_975 = vector.shape_cast %get3A_974 : vector<1x16xf32> to vector<16xf32>
        %mul3A_976 = arith.mulf %get3A_40, %get3A_975 : vector<16xf32>
        %get3A_977 = arith.index_cast %scan3A_36 : i32 to index
        %get3A_978 = arith.constant 928 : index
        %get3A_979 = tpu.vector_load %arg11[%get3A_977, %get3A_978] {strides = array<i32>} : memref<16x1024xf32, #tpu.memory_space<vmem>>, vector<1x16xf32>,
        %get3A_980 = vector.shape_cast %get3A_979 : vector<1x16xf32> to vector<16xf32>
        %mul3A_981 = arith.mulf %get3A_44, %get3A_980 : vector<16xf32>
        %add3A_982 = arith.addf %mul3A_976, %mul3A_981 : vector<16xf32>
        %swap3A_983 = arith.index_cast %scan3A_36 : i32 to index
        %swap3A_984 = arith.constant 928 : index
        %swap3A_985 = tpu.vector_load %arg12[%swap3A_983, %swap3A_984] {strides = array<i32>} : memref<16x1024xf32, #tpu.memory_space<vmem>>, vector<1x16xf32>,
        %swap3A_986 = vector.shape_cast %swap3A_985 : vector<1x16xf32> to vector<16xf32>
        %swap3A_987 = vector.shape_cast %add3A_982 : vector<16xf32> to vector<1x16xf32>
        tpu.vector_store %arg12[%swap3A_983, %swap3A_984], %swap3A_987 {strides = array<i32>} : memref<16x1024xf32, #tpu.memory_space<vmem>>, vector<1x16xf32>,
        %get3A_988 = arith.index_cast %scan3A_36 : i32 to index
        %get3A_989 = arith.constant 944 : index
        %get3A_990 = tpu.vector_load %arg10[%get3A_988, %get3A_989] {strides = array<i32>} : memref<16x1024xf32, #tpu.memory_space<vmem>>, vector<1x16xf32>,
        %get3A_991 = vector.shape_cast %get3A_990 : vector<1x16xf32> to vector<16xf32>
        %mul3A_992 = arith.mulf %get3A_40, %get3A_991 : vector<16xf32>
        %get3A_993 = arith.index_cast %scan3A_36 : i32 to index
        %get3A_994 = arith.constant 944 : index
        %get3A_995 = tpu.vector_load %arg11[%get3A_993, %get3A_994] {strides = array<i32>} : memref<16x1024xf32, #tpu.memory_space<vmem>>, vector<1x16xf32>,
        %get3A_996 = vector.shape_cast %get3A_995 : vector<1x16xf32> to vector<16xf32>
        %mul3A_997 = arith.mulf %get3A_44, %get3A_996 : vector<16xf32>
        %add3A_998 = arith.addf %mul3A_992, %mul3A_997 : vector<16xf32>
        %swap3A_999 = arith.index_cast %scan3A_36 : i32 to index
        %swap3A_1000 = arith.constant 944 : index
        %swap3A_1001 = tpu.vector_load %arg12[%swap3A_999, %swap3A_1000] {strides = array<i32>} : memref<16x1024xf32, #tpu.memory_space<vmem>>, vector<1x16xf32>,
        %swap3A_1002 = vector.shape_cast %swap3A_1001 : vector<1x16xf32> to vector<16xf32>
        %swap3A_1003 = vector.shape_cast %add3A_998 : vector<16xf32> to vector<1x16xf32>
        tpu.vector_store %arg12[%swap3A_999, %swap3A_1000], %swap3A_1003 {strides = array<i32>} : memref<16x1024xf32, #tpu.memory_space<vmem>>, vector<1x16xf32>,
        %get3A_1004 = arith.index_cast %scan3A_36 : i32 to index
        %get3A_1005 = arith.constant 960 : index
        %get3A_1006 = tpu.vector_load %arg10[%get3A_1004, %get3A_1005] {strides = array<i32>} : memref<16x1024xf32, #tpu.memory_space<vmem>>, vector<1x16xf32>,
        %get3A_1007 = vector.shape_cast %get3A_1006 : vector<1x16xf32> to vector<16xf32>
        %mul3A_1008 = arith.mulf %get3A_40, %get3A_1007 : vector<16xf32>
        %get3A_1009 = arith.index_cast %scan3A_36 : i32 to index
        %get3A_1010 = arith.constant 960 : index
        %get3A_1011 = tpu.vector_load %arg11[%get3A_1009, %get3A_1010] {strides = array<i32>} : memref<16x1024xf32, #tpu.memory_space<vmem>>, vector<1x16xf32>,
        %get3A_1012 = vector.shape_cast %get3A_1011 : vector<1x16xf32> to vector<16xf32>
        %mul3A_1013 = arith.mulf %get3A_44, %get3A_1012 : vector<16xf32>
        %add3A_1014 = arith.addf %mul3A_1008, %mul3A_1013 : vector<16xf32>
        %swap3A_1015 = arith.index_cast %scan3A_36 : i32 to index
        %swap3A_1016 = arith.constant 960 : index
        %swap3A_1017 = tpu.vector_load %arg12[%swap3A_1015, %swap3A_1016] {strides = array<i32>} : memref<16x1024xf32, #tpu.memory_space<vmem>>, vector<1x16xf32>,
        %swap3A_1018 = vector.shape_cast %swap3A_1017 : vector<1x16xf32> to vector<16xf32>
        %swap3A_1019 = vector.shape_cast %add3A_1014 : vector<16xf32> to vector<1x16xf32>
        tpu.vector_store %arg12[%swap3A_1015, %swap3A_1016], %swap3A_1019 {strides = array<i32>} : memref<16x1024xf32, #tpu.memory_space<vmem>>, vector<1x16xf32>,
        %get3A_1020 = arith.index_cast %scan3A_36 : i32 to index
        %get3A_1021 = arith.constant 976 : index
        %get3A_1022 = tpu.vector_load %arg10[%get3A_1020, %get3A_1021] {strides = array<i32>} : memref<16x1024xf32, #tpu.memory_space<vmem>>, vector<1x16xf32>,
        %get3A_1023 = vector.shape_cast %get3A_1022 : vector<1x16xf32> to vector<16xf32>
        %mul3A_1024 = arith.mulf %get3A_40, %get3A_1023 : vector<16xf32>
        %get3A_1025 = arith.index_cast %scan3A_36 : i32 to index
        %get3A_1026 = arith.constant 976 : index
        %get3A_1027 = tpu.vector_load %arg11[%get3A_1025, %get3A_1026] {strides = array<i32>} : memref<16x1024xf32, #tpu.memory_space<vmem>>, vector<1x16xf32>,
        %get3A_1028 = vector.shape_cast %get3A_1027 : vector<1x16xf32> to vector<16xf32>
        %mul3A_1029 = arith.mulf %get3A_44, %get3A_1028 : vector<16xf32>
        %add3A_1030 = arith.addf %mul3A_1024, %mul3A_1029 : vector<16xf32>
        %swap3A_1031 = arith.index_cast %scan3A_36 : i32 to index
        %swap3A_1032 = arith.constant 976 : index
        %swap3A_1033 = tpu.vector_load %arg12[%swap3A_1031, %swap3A_1032] {strides = array<i32>} : memref<16x1024xf32, #tpu.memory_space<vmem>>, vector<1x16xf32>,
        %swap3A_1034 = vector.shape_cast %swap3A_1033 : vector<1x16xf32> to vector<16xf32>
        %swap3A_1035 = vector.shape_cast %add3A_1030 : vector<16xf32> to vector<1x16xf32>
        tpu.vector_store %arg12[%swap3A_1031, %swap3A_1032], %swap3A_1035 {strides = array<i32>} : memref<16x1024xf32, #tpu.memory_space<vmem>>, vector<1x16xf32>,
        %get3A_1036 = arith.index_cast %scan3A_36 : i32 to index
        %get3A_1037 = arith.constant 992 : index
        %get3A_1038 = tpu.vector_load %arg10[%get3A_1036, %get3A_1037] {strides = array<i32>} : memref<16x1024xf32, #tpu.memory_space<vmem>>, vector<1x16xf32>,
        %get3A_1039 = vector.shape_cast %get3A_1038 : vector<1x16xf32> to vector<16xf32>
        %mul3A_1040 = arith.mulf %get3A_40, %get3A_1039 : vector<16xf32>
        %get3A_1041 = arith.index_cast %scan3A_36 : i32 to index
        %get3A_1042 = arith.constant 992 : index
        %get3A_1043 = tpu.vector_load %arg11[%get3A_1041, %get3A_1042] {strides = array<i32>} : memref<16x1024xf32, #tpu.memory_space<vmem>>, vector<1x16xf32>,
        %get3A_1044 = vector.shape_cast %get3A_1043 : vector<1x16xf32> to vector<16xf32>
        %mul3A_1045 = arith.mulf %get3A_44, %get3A_1044 : vector<16xf32>
        %add3A_1046 = arith.addf %mul3A_1040, %mul3A_1045 : vector<16xf32>
        %swap3A_1047 = arith.index_cast %scan3A_36 : i32 to index
        %swap3A_1048 = arith.constant 992 : index
        %swap3A_1049 = tpu.vector_load %arg12[%swap3A_1047, %swap3A_1048] {strides = array<i32>} : memref<16x1024xf32, #tpu.memory_space<vmem>>, vector<1x16xf32>,
        %swap3A_1050 = vector.shape_cast %swap3A_1049 : vector<1x16xf32> to vector<16xf32>
        %swap3A_1051 = vector.shape_cast %add3A_1046 : vector<16xf32> to vector<1x16xf32>
        tpu.vector_store %arg12[%swap3A_1047, %swap3A_1048], %swap3A_1051 {strides = array<i32>} : memref<16x1024xf32, #tpu.memory_space<vmem>>, vector<1x16xf32>,
        %get3A_1052 = arith.index_cast %scan3A_36 : i32 to index
        %get3A_1053 = arith.constant 1008 : index
        %get3A_1054 = tpu.vector_load %arg10[%get3A_1052, %get3A_1053] {strides = array<i32>} : memref<16x1024xf32, #tpu.memory_space<vmem>>, vector<1x16xf32>,
        %get3A_1055 = vector.shape_cast %get3A_1054 : vector<1x16xf32> to vector<16xf32>
        %mul3A_1056 = arith.mulf %get3A_40, %get3A_1055 : vector<16xf32>
        %get3A_1057 = arith.index_cast %scan3A_36 : i32 to index
        %get3A_1058 = arith.constant 1008 : index
        %get3A_1059 = tpu.vector_load %arg11[%get3A_1057, %get3A_1058] {strides = array<i32>} : memref<16x1024xf32, #tpu.memory_space<vmem>>, vector<1x16xf32>,
        %get3A_1060 = vector.shape_cast %get3A_1059 : vector<1x16xf32> to vector<16xf32>
        %mul3A_1061 = arith.mulf %get3A_44, %get3A_1060 : vector<16xf32>
        %add3A_1062 = arith.addf %mul3A_1056, %mul3A_1061 : vector<16xf32>
        %swap3A_1063 = arith.index_cast %scan3A_36 : i32 to index
        %swap3A_1064 = arith.constant 1008 : index
        %swap3A_1065 = tpu.vector_load %arg12[%swap3A_1063, %swap3A_1064] {strides = array<i32>} : memref<16x1024xf32, #tpu.memory_space<vmem>>, vector<1x16xf32>,
        %swap3A_1066 = vector.shape_cast %swap3A_1065 : vector<1x16xf32> to vector<16xf32>
        %swap3A_1067 = vector.shape_cast %add3A_1062 : vector<16xf32> to vector<1x16xf32>
        tpu.vector_store %arg12[%swap3A_1063, %swap3A_1064], %swap3A_1067 {strides = array<i32>} : memref<16x1024xf32, #tpu.memory_space<vmem>>, vector<1x16xf32>,
        %scan3A_1068 = arith.constant 0 : i32
        scf.yield %scan3A_1068 : i32
      }
      %scan3A_34 = arith.constant 16 : i32
      "tpu.region"() ({
        %run_scoped3A = tpu.sem_alloc : memref<!tpu.dma_semaphore, #tpu.memory_space<semaphore_mem>>
        %dma_start3A_36 = arith.constant 0 : i32
        %dma_start3A_37 = tpu.memref_slice %arg5[%add3A_13, %dma_start3A_36] : memref<2048x1024xf32, #tpu.memory_space<hbm>> -> memref<16x1024xf32, #tpu.memory_space<hbm>>
        %dma_start3A_38 = arith.constant 0 : i32
        %dma_start3A_39 = tpu.memref_slice %arg5[%add3A_13, %dma_start3A_38] : memref<2048x1024xf32, #tpu.memory_space<hbm>> -> memref<16x1024xf32, #tpu.memory_space<hbm>>
        tpu.enqueue_dma source(%arg12 : memref<16x1024xf32, #tpu.memory_space<vmem>>) target(%dma_start3A_39 : memref<16x1024xf32, #tpu.memory_space<hbm>>) target_semaphore(%run_scoped3A : memref<!tpu.dma_semaphore, #tpu.memory_space<semaphore_mem>>)
        %dma_wait3A_40 = arith.constant 0 : i32
        %dma_wait3A_41 = tpu.memref_slice %arg5[%add3A_13, %dma_wait3A_40] : memref<2048x1024xf32, #tpu.memory_space<hbm>> -> memref<16x1024xf32, #tpu.memory_space<hbm>>
        %dma_wait3A_42 = arith.constant 0 : i32
        %dma_wait3A_43 = tpu.memref_slice %arg5[%add3A_13, %dma_wait3A_42] : memref<2048x1024xf32, #tpu.memory_space<hbm>> -> memref<16x1024xf32, #tpu.memory_space<hbm>>
        tpu.wait_dma2 semaphore(%run_scoped3A : memref<!tpu.dma_semaphore, #tpu.memory_space<semaphore_mem>>) src(%arg12 : memref<16x1024xf32, #tpu.memory_space<vmem>>) dst(%dma_wait3A_43 : memref<16x1024xf32, #tpu.memory_space<hbm>>)
        tpu.yield
      }) : () -> ()
      %scan3A_35 = arith.constant 0 : i32
      scf.yield %scan3A_35 : i32
    }
    %scan3A_8 = arith.constant 4 : i32
    return
  }
}

module attributes {stable_mosaic.version = 14 : i64} {
  func.func @_gating_body(%arg0: memref<2048x1024xf32, #tpu.memory_space<vmem>>, %arg1: memref<1024x128xf32, #tpu.memory_space<vmem>>, %arg2: memref<1x128xf32, #tpu.memory_space<vmem>>, %arg3: memref<1x1xf32, #tpu.memory_space<vmem>>, %arg4: memref<4096x1xi32, #tpu.memory_space<vmem>>, %arg5: memref<4096x16xf32, #tpu.memory_space<vmem>>, %arg6: memref<12x1xi32, #tpu.memory_space<vmem>>, %arg7: memref<12x1xi32, #tpu.memory_space<vmem>>, %arg8: memref<4096x1xf32, #tpu.memory_space<vmem>>, %arg9: memref<4096x1xi32, #tpu.memory_space<vmem>>) attributes {dimension_semantics = [], scalar_prefetch = 0 : i64, scratch_operands = 2 : i64, tpu.core_type = #tpu.core_type<tc>} {
    %get3A = arith.constant 0 : index
    %get3A_0 = arith.constant 0 : index
    %get3A_1 = vector.load %arg0[%get3A, %get3A_0] : memref<2048x1024xf32, #tpu.memory_space<vmem>>, vector<2048x1024xf32>
    %get3A_2 = arith.constant 0 : index
    %get3A_3 = arith.constant 0 : index
    %get3A_4 = vector.load %arg1[%get3A_2, %get3A_3] : memref<1024x128xf32, #tpu.memory_space<vmem>>, vector<1024x128xf32>
    %dot_general3A = arith.constant dense<0.000000e+00> : vector<2048x128xf32>
    %dot_general3A_5 = tpu.matmul %get3A_1, %get3A_4, %dot_general3A {dimension_numbers = #tpu.dot_dimension_numbers<[1], [0], [0], [1], [0, 0, 1, 1], [], []>, transpose_lhs_hint = false} : vector<2048x1024xf32>, vector<1024x128xf32>, vector<2048x128xf32> -> vector<2048x128xf32>
    %get3A_6 = arith.constant 0 : index
    %get3A_7 = arith.constant 0 : index
    %get3A_8 = vector.load %arg2[%get3A_6, %get3A_7] : memref<1x128xf32, #tpu.memory_space<vmem>>, vector<1x128xf32>
    %add3A = vector.broadcast %get3A_8 : vector<1x128xf32> to vector<2048x128xf32>
    %add3A_9 = arith.addf %dot_general3A_5, %add3A : vector<2048x128xf32>
    %iota3A = tpu.iota {dimensions = array<i32: 1>} : vector<2048x128xi32>
    %lt3A = arith.constant 8 : i32
    %lt3A_10 = vector.broadcast %lt3A : i32 to vector<2048x128xi32>
    %lt3A_11 = arith.cmpi slt, %iota3A, %lt3A_10 : vector<2048x128xi32>
    %jit3A = arith.constant -1.000000e+30 : f32
    %broadcast_in_dim3A = vector.broadcast %jit3A : f32 to vector<2048x128xf32>
    %select_n3A = arith.select %lt3A_11, %add3A_9, %broadcast_in_dim3A : vector<2048x128xi1>, vector<2048x128xf32>
    %reduce_max3A = arith.constant dense<0xFF800000> : vector<2048xf32>
    %reduce_max3A_12 = vector.multi_reduction <maximumf>, %select_n3A, %reduce_max3A [1] : vector<2048x128xf32> to vector<2048xf32>
    %broadcast_in_dim3A_13 = vector.shape_cast %reduce_max3A_12 : vector<2048xf32> to vector<2048x1xf32>
    %eq3A = vector.broadcast %broadcast_in_dim3A_13 : vector<2048x1xf32> to vector<2048x128xf32>
    %eq3A_14 = arith.cmpf oeq, %select_n3A, %eq3A : vector<2048x128xf32>
    %jit3A_15 = arith.constant 128 : i32
    %broadcast_in_dim3A_16 = vector.broadcast %jit3A_15 : i32 to vector<2048x128xi32>
    %select_n3A_17 = arith.select %eq3A_14, %iota3A, %broadcast_in_dim3A_16 : vector<2048x128xi1>, vector<2048x128xi32>
    %reduce_min3A = arith.constant dense<2147483647> : vector<2048xi32>
    %reduce_min3A_18 = vector.multi_reduction <minsi>, %select_n3A_17, %reduce_min3A [1] : vector<2048x128xi32> to vector<2048xi32>
    %broadcast_in_dim3A_19 = vector.shape_cast %reduce_min3A_18 : vector<2048xi32> to vector<2048x1xi32>
    %eq3A_20 = vector.broadcast %broadcast_in_dim3A_19 : vector<2048x1xi32> to vector<2048x128xi32>
    %eq3A_21 = arith.cmpi eq, %iota3A, %eq3A_20 : vector<2048x128xi32>
    %jit3A_22 = arith.constant -1.000000e+30 : f32
    %broadcast_in_dim3A_23 = vector.broadcast %jit3A_22 : f32 to vector<2048x128xf32>
    %select_n3A_24 = arith.select %eq3A_21, %broadcast_in_dim3A_23, %select_n3A : vector<2048x128xi1>, vector<2048x128xf32>
    %reduce_max3A_25 = arith.constant dense<0xFF800000> : vector<2048xf32>
    %reduce_max3A_26 = vector.multi_reduction <maximumf>, %select_n3A_24, %reduce_max3A_25 [1] : vector<2048x128xf32> to vector<2048xf32>
    %broadcast_in_dim3A_27 = vector.shape_cast %reduce_max3A_26 : vector<2048xf32> to vector<2048x1xf32>
    %eq3A_28 = vector.broadcast %broadcast_in_dim3A_27 : vector<2048x1xf32> to vector<2048x128xf32>
    %eq3A_29 = arith.cmpf oeq, %select_n3A_24, %eq3A_28 : vector<2048x128xf32>
    %jit3A_30 = arith.constant 128 : i32
    %broadcast_in_dim3A_31 = vector.broadcast %jit3A_30 : i32 to vector<2048x128xi32>
    %select_n3A_32 = arith.select %eq3A_29, %iota3A, %broadcast_in_dim3A_31 : vector<2048x128xi1>, vector<2048x128xi32>
    %reduce_min3A_33 = arith.constant dense<2147483647> : vector<2048xi32>
    %reduce_min3A_34 = vector.multi_reduction <minsi>, %select_n3A_32, %reduce_min3A_33 [1] : vector<2048x128xi32> to vector<2048xi32>
    %broadcast_in_dim3A_35 = vector.shape_cast %reduce_min3A_34 : vector<2048xi32> to vector<2048x1xi32>
    %sub3A = arith.subf %broadcast_in_dim3A_27, %broadcast_in_dim3A_13 : vector<2048x1xf32>
    %exp3A = math.exp %sub3A : vector<2048x1xf32>
    %add3A_36 = arith.constant 1.000000e+00 : f32
    %add3A_37 = vector.broadcast %add3A_36 : f32 to vector<2048x1xf32>
    %add3A_38 = arith.addf %add3A_37, %exp3A : vector<2048x1xf32>
    %div3A = arith.constant 1.000000e+00 : f32
    %div3A_39 = vector.broadcast %div3A : f32 to vector<2048x1xf32>
    %div3A_40 = arith.divf %div3A_39, %add3A_38 : vector<2048x1xf32>
    %add3A_41 = arith.constant 1.000000e+00 : f32
    %add3A_42 = vector.broadcast %add3A_41 : f32 to vector<2048x1xf32>
    %add3A_43 = arith.addf %add3A_42, %exp3A : vector<2048x1xf32>
    %div3A_44 = arith.divf %exp3A, %add3A_43 : vector<2048x1xf32>
    %sub3A_45 = vector.broadcast %broadcast_in_dim3A_13 : vector<2048x1xf32> to vector<2048x128xf32>
    %sub3A_46 = arith.subf %select_n3A, %sub3A_45 : vector<2048x128xf32>
    %exp3A_47 = math.exp %sub3A_46 : vector<2048x128xf32>
    %reduce_sum3A = arith.constant dense<0.000000e+00> : vector<2048xf32>
    %reduce_sum3A_48 = vector.multi_reduction <add>, %exp3A_47, %reduce_sum3A [1] : vector<2048x128xf32> to vector<2048xf32>
    %broadcast_in_dim3A_49 = vector.shape_cast %reduce_sum3A_48 : vector<2048xf32> to vector<2048x1xf32>
    %div3A_50 = vector.broadcast %broadcast_in_dim3A_49 : vector<2048x1xf32> to vector<2048x128xf32>
    %div3A_51 = arith.divf %exp3A_47, %div3A_50 : vector<2048x128xf32>
    %reduce_sum3A_52 = arith.constant dense<0.000000e+00> : vector<128xf32>
    %reduce_sum3A_53 = vector.multi_reduction <add>, %div3A_51, %reduce_sum3A_52 [0] : vector<2048x128xf32> to vector<128xf32>
    %broadcast_in_dim3A_54 = vector.shape_cast %reduce_sum3A_53 : vector<128xf32> to vector<1x128xf32>
    %mul3A = arith.constant 4.8828125E-4 : f32
    %mul3A_55 = vector.broadcast %mul3A : f32 to vector<1x128xf32>
    %mul3A_56 = arith.mulf %broadcast_in_dim3A_54, %mul3A_55 : vector<1x128xf32>
    %iota3A_57 = tpu.iota {dimensions = array<i32: 1>} : vector<1x128xi32>
    %lt3A_58 = arith.constant 8 : i32
    %lt3A_59 = vector.broadcast %lt3A_58 : i32 to vector<1x128xi32>
    %lt3A_60 = arith.cmpi slt, %iota3A_57, %lt3A_59 : vector<1x128xi32>
    %sub3A_61 = arith.constant 1.250000e-01 : f32
    %sub3A_62 = vector.broadcast %sub3A_61 : f32 to vector<1x128xf32>
    %sub3A_63 = arith.subf %mul3A_56, %sub3A_62 : vector<1x128xf32>
    %jit3A_64 = arith.constant 0.000000e+00 : f32
    %broadcast_in_dim3A_65 = vector.broadcast %jit3A_64 : f32 to vector<1x128xf32>
    %select_n3A_66 = arith.select %lt3A_60, %sub3A_63, %broadcast_in_dim3A_65 : vector<1x128xi1>, vector<1x128xf32>
    %mul3A_67 = arith.mulf %select_n3A_66, %select_n3A_66 : vector<1x128xf32>
    %reduce_sum3A_68 = vector.shape_cast %mul3A_67 : vector<1x128xf32> to vector<1x1x128xf32>
    %reduce_sum3A_69 = arith.constant dense<0.000000e+00> : vector<1xf32>
    %reduce_sum3A_70 = vector.multi_reduction <add>, %reduce_sum3A_68, %reduce_sum3A_69 [1, 2] : vector<1x1x128xf32> to vector<1xf32>
    %reduce_sum3A_71 = vector.shape_cast %reduce_sum3A_70 : vector<1xf32> to vector<1x1x1xf32>
    %reduce_sum3A_72 = vector.extract %reduce_sum3A_71[0, 0, 0] : f32 from vector<1x1x1xf32>
    %reshape3A = vector.broadcast %reduce_sum3A_72 : f32 to vector<1x1xf32>
    %swap3A = arith.constant 0 : index
    %swap3A_73 = arith.constant 0 : index
    %swap3A_74 = vector.load %arg3[%swap3A, %swap3A_73] : memref<1x1xf32, #tpu.memory_space<vmem>>, vector<1x1xf32>
    tpu.vector_store %arg3[%swap3A, %swap3A_73], %reshape3A {strides = array<i32>} : memref<1x1xf32, #tpu.memory_space<vmem>>, vector<1x1xf32>,
    %iota3A_75 = tpu.iota {dimensions = array<i32: 0>} : vector<128x128xi32>
    %iota3A_76 = tpu.iota {dimensions = array<i32: 1>} : vector<128x128xi32>
    %gt3A = arith.cmpi sgt, %iota3A_75, %iota3A_76 : vector<128x128xi32>
    %convert_element_type3A = arith.extui %gt3A : vector<128x128xi1> to vector<128x128xi32>
    %convert_element_type3A_77 = arith.sitofp %convert_element_type3A : vector<128x128xi32> to vector<128x128xf32>
    %lt3A_78 = arith.cmpi slt, %iota3A_75, %iota3A_76 : vector<128x128xi32>
    %convert_element_type3A_79 = arith.extui %lt3A_78 : vector<128x128xi1> to vector<128x128xi32>
    %convert_element_type3A_80 = arith.sitofp %convert_element_type3A_79 : vector<128x128xi32> to vector<128x128xf32>
    %swap3A_81 = arith.constant 0 : index
    %swap3A_82 = arith.constant 0 : index
    %swap3A_83 = vector.load %arg9[%swap3A_81, %swap3A_82] : memref<4096x1xi32, #tpu.memory_space<vmem>>, vector<2048x1xi32>
    tpu.vector_store %arg9[%swap3A_81, %swap3A_82], %broadcast_in_dim3A_19 {strides = array<i32>} : memref<4096x1xi32, #tpu.memory_space<vmem>>, vector<2048x1xi32>,
    %swap3A_84 = arith.constant 2048 : index
    %swap3A_85 = arith.constant 0 : index
    %swap3A_86 = vector.load %arg9[%swap3A_84, %swap3A_85] : memref<4096x1xi32, #tpu.memory_space<vmem>>, vector<2048x1xi32>
    tpu.vector_store %arg9[%swap3A_84, %swap3A_85], %broadcast_in_dim3A_35 {strides = array<i32>} : memref<4096x1xi32, #tpu.memory_space<vmem>>, vector<2048x1xi32>,
    %broadcast_in_dim3A_87 = arith.constant 0.000000e+00 : f32
    %broadcast_in_dim3A_88 = vector.broadcast %broadcast_in_dim3A_87 : f32 to vector<1x128xf32>
    %scan3A = arith.constant 0 : i32
    %scan3A_89 = arith.constant 32 : i32
    %scan3A_90 = arith.addi %scan3A, %scan3A_89 : i32
    %scan3A_91 = arith.constant 1 : i32
    %scan3A_92 = scf.for %scan3A_162 = %scan3A to %scan3A_90 step %scan3A_91 iter_args(%scan3A_163 = %broadcast_in_dim3A_88) -> (vector<1x128xf32>)  : i32 {
      %mul3A_164 = arith.constant 128 : i32
      %mul3A_165 = arith.muli %scan3A_162, %mul3A_164 : i32
      %get3A_166 = arith.index_cast %mul3A_165 : i32 to index
      %get3A_167 = arith.constant 0 : index
      %get3A_168 = vector.load %arg9[%get3A_166, %get3A_167] : memref<4096x1xi32, #tpu.memory_space<vmem>>, vector<128x1xi32>
      %iota3A_169 = tpu.iota {dimensions = array<i32: 1>} : vector<128x128xi32>
      %eq3A_170 = vector.broadcast %get3A_168 : vector<128x1xi32> to vector<128x128xi32>
      %eq3A_171 = arith.cmpi eq, %eq3A_170, %iota3A_169 : vector<128x128xi32>
      %convert_element_type3A_172 = arith.extui %eq3A_171 : vector<128x128xi1> to vector<128x128xi32>
      %convert_element_type3A_173 = arith.sitofp %convert_element_type3A_172 : vector<128x128xi32> to vector<128x128xf32>
      %dot_general3A_174 = arith.constant dense<0.000000e+00> : vector<128x128xf32>
      %dot_general3A_175 = tpu.matmul %convert_element_type3A_77, %convert_element_type3A_173, %dot_general3A_174 {dimension_numbers = #tpu.dot_dimension_numbers<[1], [0], [0], [1], [0, 0, 1, 1], [], []>, transpose_lhs_hint = false} : vector<128x128xf32>, vector<128x128xf32>, vector<128x128xf32> -> vector<128x128xf32>
      %add3A_176 = vector.broadcast %scan3A_163 : vector<1x128xf32> to vector<128x128xf32>
      %add3A_177 = arith.addf %dot_general3A_175, %add3A_176 : vector<128x128xf32>
      %mul3A_178 = arith.mulf %add3A_177, %convert_element_type3A_173 : vector<128x128xf32>
      %reduce_sum3A_179 = arith.constant dense<0.000000e+00> : vector<128xf32>
      %reduce_sum3A_180 = vector.multi_reduction <add>, %mul3A_178, %reduce_sum3A_179 [1] : vector<128x128xf32> to vector<128xf32>
      %broadcast_in_dim3A_181 = vector.shape_cast %reduce_sum3A_180 : vector<128xf32> to vector<128x1xf32>
      %mul3A_182 = arith.constant 128 : i32
      %mul3A_183 = arith.muli %scan3A_162, %mul3A_182 : i32
      %swap3A_184 = arith.index_cast %mul3A_183 : i32 to index
      %swap3A_185 = arith.constant 0 : index
      %swap3A_186 = vector.load %arg8[%swap3A_184, %swap3A_185] : memref<4096x1xf32, #tpu.memory_space<vmem>>, vector<128x1xf32>
      tpu.vector_store %arg8[%swap3A_184, %swap3A_185], %broadcast_in_dim3A_181 {strides = array<i32>} : memref<4096x1xf32, #tpu.memory_space<vmem>>, vector<128x1xf32>,
      %reduce_sum3A_187 = arith.constant dense<0.000000e+00> : vector<128xf32>
      %reduce_sum3A_188 = vector.multi_reduction <add>, %convert_element_type3A_173, %reduce_sum3A_187 [0] : vector<128x128xf32> to vector<128xf32>
      %broadcast_in_dim3A_189 = vector.shape_cast %reduce_sum3A_188 : vector<128xf32> to vector<1x128xf32>
      %add3A_190 = arith.addf %scan3A_163, %broadcast_in_dim3A_189 : vector<1x128xf32>
      scf.yield %add3A_190 : vector<1x128xf32>
    }
    %scan3A_93 = arith.constant 32 : i32
    %iota3A_94 = tpu.iota {dimensions = array<i32: 1>} : vector<1x128xi32>
    %lt3A_95 = arith.constant 8 : i32
    %lt3A_96 = vector.broadcast %lt3A_95 : i32 to vector<1x128xi32>
    %lt3A_97 = arith.cmpi slt, %iota3A_94, %lt3A_96 : vector<1x128xi32>
    %add3A_98 = arith.constant 1.023000e+03 : f32
    %add3A_99 = vector.broadcast %add3A_98 : f32 to vector<1x128xf32>
    %add3A_100 = arith.addf %scan3A_92, %add3A_99 : vector<1x128xf32>
    %mul3A_101 = arith.constant 9.765625E-4 : f32
    %mul3A_102 = vector.broadcast %mul3A_101 : f32 to vector<1x128xf32>
    %mul3A_103 = arith.mulf %add3A_100, %mul3A_102 : vector<1x128xf32>
    %floor3A = math.floor %mul3A_103 : vector<1x128xf32>
    %mul3A_104 = arith.constant 1.024000e+03 : f32
    %mul3A_105 = vector.broadcast %mul3A_104 : f32 to vector<1x128xf32>
    %mul3A_106 = arith.mulf %floor3A, %mul3A_105 : vector<1x128xf32>
    %jit3A_107 = arith.constant 0.000000e+00 : f32
    %broadcast_in_dim3A_108 = vector.broadcast %jit3A_107 : f32 to vector<1x128xf32>
    %select_n3A_109 = arith.select %lt3A_97, %mul3A_106, %broadcast_in_dim3A_108 : vector<1x128xi1>, vector<1x128xf32>
    %dot_general3A_110 = arith.constant dense<0.000000e+00> : vector<1x128xf32>
    %dot_general3A_111 = tpu.matmul %select_n3A_109, %convert_element_type3A_80, %dot_general3A_110 {dimension_numbers = #tpu.dot_dimension_numbers<[1], [0], [0], [1], [0, 0, 1, 1], [], []>, transpose_lhs_hint = false} : vector<1x128xf32>, vector<128x128xf32>, vector<1x128xf32> -> vector<1x128xf32>
    %scan3A_112 = arith.constant 0 : i32
    %scan3A_113 = arith.constant 32 : i32
    %scan3A_114 = arith.addi %scan3A_112, %scan3A_113 : i32
    %scan3A_115 = arith.constant 1 : i32
    scf.for %scan3A_162 = %scan3A_112 to %scan3A_114 step %scan3A_115  : i32 {
      %mul3A_163 = arith.constant 128 : i32
      %mul3A_164 = arith.muli %scan3A_162, %mul3A_163 : i32
      %get3A_165 = arith.index_cast %mul3A_164 : i32 to index
      %get3A_166 = arith.constant 0 : index
      %get3A_167 = vector.load %arg9[%get3A_165, %get3A_166] : memref<4096x1xi32, #tpu.memory_space<vmem>>, vector<128x1xi32>
      %iota3A_168 = tpu.iota {dimensions = array<i32: 1>} : vector<128x128xi32>
      %eq3A_169 = vector.broadcast %get3A_167 : vector<128x1xi32> to vector<128x128xi32>
      %eq3A_170 = arith.cmpi eq, %eq3A_169, %iota3A_168 : vector<128x128xi32>
      %convert_element_type3A_171 = arith.extui %eq3A_170 : vector<128x128xi1> to vector<128x128xi32>
      %convert_element_type3A_172 = arith.sitofp %convert_element_type3A_171 : vector<128x128xi32> to vector<128x128xf32>
      %reshape3A_173 = vector.shape_cast %dot_general3A_111 : vector<1x128xf32> to vector<128x1xf32>
      %dot_general3A_174 = arith.constant dense<0.000000e+00> : vector<128x1xf32>
      %dot_general3A_175 = tpu.matmul %convert_element_type3A_172, %reshape3A_173, %dot_general3A_174 {dimension_numbers = #tpu.dot_dimension_numbers<[1], [0], [0], [1], [0, 0, 1, 1], [], []>, transpose_lhs_hint = false} : vector<128x128xf32>, vector<128x1xf32>, vector<128x1xf32> -> vector<128x1xf32>
      %get3A_176 = arith.index_cast %mul3A_164 : i32 to index
      %get3A_177 = arith.constant 0 : index
      %get3A_178 = vector.load %arg8[%get3A_176, %get3A_177] : memref<4096x1xf32, #tpu.memory_space<vmem>>, vector<128x1xf32>
      %add3A_179 = arith.addf %dot_general3A_175, %get3A_178 : vector<128x1xf32>
      %convert_element_type3A_180 = arith.fptosi %add3A_179 : vector<128x1xf32> to vector<128x1xi32>
      %swap3A_181 = arith.index_cast %mul3A_164 : i32 to index
      %swap3A_182 = arith.constant 0 : index
      %swap3A_183 = vector.load %arg4[%swap3A_181, %swap3A_182] : memref<4096x1xi32, #tpu.memory_space<vmem>>, vector<128x1xi32>
      tpu.vector_store %arg4[%swap3A_181, %swap3A_182], %convert_element_type3A_180 {strides = array<i32>} : memref<4096x1xi32, #tpu.memory_space<vmem>>, vector<128x1xi32>,
    }
    %scan3A_116 = arith.constant 32 : i32
    %broadcast_in_dim3A_117 = vector.shape_cast %div3A_40 : vector<2048x1xf32> to vector<2048x1xf32>
    %broadcast_in_dim3A_118 = vector.broadcast %broadcast_in_dim3A_117 : vector<2048x1xf32> to vector<2048x16xf32>
    %swap3A_119 = arith.constant 0 : index
    %swap3A_120 = arith.constant 0 : index
    %swap3A_121 = vector.load %arg5[%swap3A_119, %swap3A_120] : memref<4096x16xf32, #tpu.memory_space<vmem>>, vector<2048x16xf32>
    tpu.vector_store %arg5[%swap3A_119, %swap3A_120], %broadcast_in_dim3A_118 {strides = array<i32>} : memref<4096x16xf32, #tpu.memory_space<vmem>>, vector<2048x16xf32>,
    %broadcast_in_dim3A_122 = vector.shape_cast %div3A_44 : vector<2048x1xf32> to vector<2048x1xf32>
    %broadcast_in_dim3A_123 = vector.broadcast %broadcast_in_dim3A_122 : vector<2048x1xf32> to vector<2048x16xf32>
    %swap3A_124 = arith.constant 2048 : index
    %swap3A_125 = arith.constant 0 : index
    %swap3A_126 = vector.load %arg5[%swap3A_124, %swap3A_125] : memref<4096x16xf32, #tpu.memory_space<vmem>>, vector<2048x16xf32>
    tpu.vector_store %arg5[%swap3A_124, %swap3A_125], %broadcast_in_dim3A_123 {strides = array<i32>} : memref<4096x16xf32, #tpu.memory_space<vmem>>, vector<2048x16xf32>,
    %iota3A_127 = tpu.iota {dimensions = array<i32: 0>} : vector<12x128xi32>
    %convert_element_type3A_128 = arith.sitofp %iota3A_127 : vector<12x128xi32> to vector<12x128xf32>
    %mul3A_129 = arith.constant 1.024000e+03 : f32
    %mul3A_130 = vector.broadcast %mul3A_129 : f32 to vector<12x128xf32>
    %mul3A_131 = arith.mulf %convert_element_type3A_128, %mul3A_130 : vector<12x128xf32>
    %broadcast_in_dim3A_132 = vector.shape_cast %dot_general3A_111 : vector<1x128xf32> to vector<1x128xf32>
    %broadcast_in_dim3A_133 = vector.broadcast %broadcast_in_dim3A_132 : vector<1x128xf32> to vector<12x128xf32>
    %broadcast_in_dim3A_134 = vector.shape_cast %select_n3A_109 : vector<1x128xf32> to vector<1x128xf32>
    %broadcast_in_dim3A_135 = vector.broadcast %broadcast_in_dim3A_134 : vector<1x128xf32> to vector<12x128xf32>
    %ge3A = arith.cmpf oge, %mul3A_131, %broadcast_in_dim3A_133 : vector<12x128xf32>
    %add3A_136 = arith.addf %broadcast_in_dim3A_133, %broadcast_in_dim3A_135 : vector<12x128xf32>
    %lt3A_137 = arith.cmpf olt, %mul3A_131, %add3A_136 : vector<12x128xf32>
    %and3A = arith.andi %ge3A, %lt3A_137 : vector<12x128xi1>
    %iota3A_138 = tpu.iota {dimensions = array<i32: 1>} : vector<12x128xi32>
    %lt3A_139 = arith.constant 8 : i32
    %lt3A_140 = vector.broadcast %lt3A_139 : i32 to vector<12x128xi32>
    %lt3A_141 = arith.cmpi slt, %iota3A_138, %lt3A_140 : vector<12x128xi32>
    %and3A_142 = arith.andi %and3A, %lt3A_141 : vector<12x128xi1>
    %convert_element_type3A_143 = arith.extui %and3A_142 : vector<12x128xi1> to vector<12x128xi32>
    %convert_element_type3A_144 = arith.sitofp %convert_element_type3A_143 : vector<12x128xi32> to vector<12x128xf32>
    %iota3A_145 = tpu.iota {dimensions = array<i32: 1>} : vector<12x128xi32>
    %convert_element_type3A_146 = arith.sitofp %iota3A_145 : vector<12x128xi32> to vector<12x128xf32>
    %mul3A_147 = arith.mulf %convert_element_type3A_144, %convert_element_type3A_146 : vector<12x128xf32>
    %reduce_sum3A_148 = arith.constant dense<0.000000e+00> : vector<12xf32>
    %reduce_sum3A_149 = vector.multi_reduction <add>, %mul3A_147, %reduce_sum3A_148 [1] : vector<12x128xf32> to vector<12xf32>
    %broadcast_in_dim3A_150 = vector.shape_cast %reduce_sum3A_149 : vector<12xf32> to vector<12x1xf32>
    %convert_element_type3A_151 = arith.fptosi %broadcast_in_dim3A_150 : vector<12x1xf32> to vector<12x1xi32>
    %swap3A_152 = arith.constant 0 : index
    %swap3A_153 = arith.constant 0 : index
    %swap3A_154 = vector.load %arg6[%swap3A_152, %swap3A_153] : memref<12x1xi32, #tpu.memory_space<vmem>>, vector<12x1xi32>
    tpu.vector_store %arg6[%swap3A_152, %swap3A_153], %convert_element_type3A_151 {strides = array<i32>} : memref<12x1xi32, #tpu.memory_space<vmem>>, vector<12x1xi32>,
    %reduce_sum3A_155 = arith.constant dense<0.000000e+00> : vector<12xf32>
    %reduce_sum3A_156 = vector.multi_reduction <add>, %convert_element_type3A_144, %reduce_sum3A_155 [1] : vector<12x128xf32> to vector<12xf32>
    %broadcast_in_dim3A_157 = vector.shape_cast %reduce_sum3A_156 : vector<12xf32> to vector<12x1xf32>
    %convert_element_type3A_158 = arith.fptosi %broadcast_in_dim3A_157 : vector<12x1xf32> to vector<12x1xi32>
    %swap3A_159 = arith.constant 0 : index
    %swap3A_160 = arith.constant 0 : index
    %swap3A_161 = vector.load %arg7[%swap3A_159, %swap3A_160] : memref<12x1xi32, #tpu.memory_space<vmem>>, vector<12x1xi32>
    tpu.vector_store %arg7[%swap3A_159, %swap3A_160], %convert_element_type3A_158 {strides = array<i32>} : memref<12x1xi32, #tpu.memory_space<vmem>>, vector<12x1xi32>,
    return
  }
}

module attributes {stable_mosaic.version = 14 : i64} {
  func.func @_ffn_body(%arg0: i32, %arg1: i32, %arg2: memref<12xi32, #tpu.memory_space<smem>>, %arg3: memref<12xi32, #tpu.memory_space<smem>>, %arg4: memref<1024x1024xf32, #tpu.memory_space<vmem>>, %arg5: memref<1x1024x512xf32, #tpu.memory_space<vmem>>, %arg6: memref<1x1x512xf32, #tpu.memory_space<vmem>>, %arg7: memref<1x512x1024xf32, #tpu.memory_space<vmem>>, %arg8: memref<1x1x1024xf32, #tpu.memory_space<vmem>>, %arg9: memref<1024x1024xf32, #tpu.memory_space<vmem>>) attributes {dimension_semantics = [#tpu.dimension_semantics<arbitrary>, #tpu.dimension_semantics<arbitrary>], iteration_bounds = array<i64: 12, 8>, scalar_prefetch = 2 : i64, scratch_operands = 0 : i64, tpu.core_type = #tpu.core_type<tc>, window_params = [{transform_indices = @transform_0, window_bounds = array<i64: 1024, 1024>}, {transform_indices = @transform_1, window_bounds = array<i64: 1, 1024, 512>}, {transform_indices = @transform_2, window_bounds = array<i64: 1, 1, 512>}, {transform_indices = @transform_3, window_bounds = array<i64: 1, 512, 1024>}, {transform_indices = @transform_4, window_bounds = array<i64: 1, 1, 1024>}, {transform_indices = @transform_5, window_bounds = array<i64: 1024, 1024>}]} {
    %get3A = arith.index_cast %arg0 : i32 to index
    %get3A_0 = memref.load %arg3[%get3A] : memref<12xi32, #tpu.memory_space<smem>>
    %eq3A = arith.constant 1 : i32
    %eq3A_1 = arith.cmpi eq, %get3A_0, %eq3A : i32
    %convert_element_type3A = arith.extui %eq3A_1 : i1 to i32
    %cond3A = arith.constant 0 : i32
    %cond3A_2 = arith.cmpi ne, %convert_element_type3A, %cond3A : i32
    scf.if %cond3A_2 {
      %get3A_3 = arith.constant 0 : index
      %get3A_4 = arith.constant 0 : index
      %get3A_5 = vector.load %arg4[%get3A_3, %get3A_4] : memref<1024x1024xf32, #tpu.memory_space<vmem>>, vector<1024x1024xf32>
      %convert_element_type3A_6 = arith.truncf %get3A_5 : vector<1024x1024xf32> to vector<1024x1024xbf16>
      %get3A_7 = arith.constant 0 : index
      %get3A_8 = arith.constant 0 : index
      %get3A_9 = arith.constant 0 : index
      %get3A_10 = vector.load %arg5[%get3A_7, %get3A_8, %get3A_9] : memref<1x1024x512xf32, #tpu.memory_space<vmem>>, vector<1x1024x512xf32>
      %get3A_11 = vector.shape_cast %get3A_10 : vector<1x1024x512xf32> to vector<1024x512xf32>
      %convert_element_type3A_12 = arith.truncf %get3A_11 : vector<1024x512xf32> to vector<1024x512xbf16>
      %dot_general3A = arith.constant dense<0.000000e+00> : vector<1024x512xf32>
      %dot_general3A_13 = tpu.matmul %convert_element_type3A_6, %convert_element_type3A_12, %dot_general3A {dimension_numbers = #tpu.dot_dimension_numbers<[1], [0], [0], [1], [0, 0, 1, 1], [], []>, transpose_lhs_hint = false} : vector<1024x1024xbf16>, vector<1024x512xbf16>, vector<1024x512xf32> -> vector<1024x512xf32>
      %get3A_14 = arith.constant 0 : index
      %get3A_15 = arith.constant 0 : index
      %get3A_16 = arith.constant 0 : index
      %get3A_17 = vector.load %arg6[%get3A_14, %get3A_15, %get3A_16] : memref<1x1x512xf32, #tpu.memory_space<vmem>>, vector<1x1x512xf32>
      %get3A_18 = vector.shape_cast %get3A_17 : vector<1x1x512xf32> to vector<1x512xf32>
      %add3A = vector.broadcast %get3A_18 : vector<1x512xf32> to vector<1024x512xf32>
      %add3A_19 = arith.addf %dot_general3A_13, %add3A : vector<1024x512xf32>
      %max3A = arith.constant 0.000000e+00 : f32
      %max3A_20 = vector.broadcast %max3A : f32 to vector<1024x512xf32>
      %max3A_21 = arith.maximumf %add3A_19, %max3A_20 : vector<1024x512xf32>
      %get3A_22 = arith.constant 0 : index
      %get3A_23 = arith.constant 0 : index
      %get3A_24 = arith.constant 0 : index
      %get3A_25 = vector.load %arg7[%get3A_22, %get3A_23, %get3A_24] : memref<1x512x1024xf32, #tpu.memory_space<vmem>>, vector<1x512x1024xf32>
      %get3A_26 = vector.shape_cast %get3A_25 : vector<1x512x1024xf32> to vector<512x1024xf32>
      %convert_element_type3A_27 = arith.truncf %get3A_26 : vector<512x1024xf32> to vector<512x1024xbf16>
      %convert_element_type3A_28 = arith.truncf %max3A_21 : vector<1024x512xf32> to vector<1024x512xbf16>
      %dot_general3A_29 = arith.constant dense<0.000000e+00> : vector<1024x1024xf32>
      %dot_general3A_30 = tpu.matmul %convert_element_type3A_28, %convert_element_type3A_27, %dot_general3A_29 {dimension_numbers = #tpu.dot_dimension_numbers<[1], [0], [0], [1], [0, 0, 1, 1], [], []>, transpose_lhs_hint = false} : vector<1024x512xbf16>, vector<512x1024xbf16>, vector<1024x1024xf32> -> vector<1024x1024xf32>
      %eq3A_31 = arith.constant 0 : i32
      %eq3A_32 = arith.cmpi eq, %arg1, %eq3A_31 : i32
      %convert_element_type3A_33 = arith.extui %eq3A_32 : i1 to i32
      %cond3A_34 = arith.constant 0 : i32
      %cond3A_35 = arith.cmpi ne, %convert_element_type3A_33, %cond3A_34 : i32
      scf.if %cond3A_35 {
        %get3A_40 = arith.constant 0 : index
        %get3A_41 = arith.constant 0 : index
        %get3A_42 = arith.constant 0 : index
        %get3A_43 = vector.load %arg8[%get3A_40, %get3A_41, %get3A_42] : memref<1x1x1024xf32, #tpu.memory_space<vmem>>, vector<1x1x1024xf32>
        %get3A_44 = vector.shape_cast %get3A_43 : vector<1x1x1024xf32> to vector<1x1024xf32>
        %add3A_45 = vector.broadcast %get3A_44 : vector<1x1024xf32> to vector<1024x1024xf32>
        %add3A_46 = arith.addf %dot_general3A_30, %add3A_45 : vector<1024x1024xf32>
        %swap3A = arith.constant 0 : index
        %swap3A_47 = arith.constant 0 : index
        %swap3A_48 = vector.load %arg9[%swap3A, %swap3A_47] : memref<1024x1024xf32, #tpu.memory_space<vmem>>, vector<1024x1024xf32>
        tpu.vector_store %arg9[%swap3A, %swap3A_47], %add3A_46 {strides = array<i32>} : memref<1024x1024xf32, #tpu.memory_space<vmem>>, vector<1024x1024xf32>,
      } else {
      }
      %ne3A = arith.constant 0 : i32
      %ne3A_36 = arith.cmpi ne, %arg1, %ne3A : i32
      %convert_element_type3A_37 = arith.extui %ne3A_36 : i1 to i32
      %cond3A_38 = arith.constant 0 : i32
      %cond3A_39 = arith.cmpi ne, %convert_element_type3A_37, %cond3A_38 : i32
      scf.if %cond3A_39 {
        %get3A_40 = arith.constant 0 : index
        %get3A_41 = arith.constant 0 : index
        %get3A_42 = vector.load %arg9[%get3A_40, %get3A_41] : memref<1024x1024xf32, #tpu.memory_space<vmem>>, vector<1024x1024xf32>
        %add3A_43 = arith.addf %get3A_42, %dot_general3A_30 : vector<1024x1024xf32>
        %swap3A = arith.constant 0 : index
        %swap3A_44 = arith.constant 0 : index
        %swap3A_45 = vector.load %arg9[%swap3A, %swap3A_44] : memref<1024x1024xf32, #tpu.memory_space<vmem>>, vector<1024x1024xf32>
        tpu.vector_store %arg9[%swap3A, %swap3A_44], %add3A_43 {strides = array<i32>} : memref<1024x1024xf32, #tpu.memory_space<vmem>>, vector<1024x1024xf32>,
      } else {
      }
    } else {
    }
    return
  }
  func.func @transform_0(%arg0: i32, %arg1: i32, %arg2: memref<12xi32, #tpu.memory_space<smem>>, %arg3: memref<12xi32, #tpu.memory_space<smem>>) -> (i32, i32) {
    %c0_i32 = arith.constant 0 : i32
    %c0_i32_0 = arith.constant 0 : i32
    return %arg0, %c0_i32 : i32, i32
  }
  func.func @transform_1(%arg0: i32, %arg1: i32, %arg2: memref<12xi32, #tpu.memory_space<smem>>, %arg3: memref<12xi32, #tpu.memory_space<smem>>) -> (i32, i32, i32) {
    %get3A = arith.index_cast %arg0 : i32 to index
    %get3A_0 = memref.load %arg2[%get3A] : memref<12xi32, #tpu.memory_space<smem>>
    %c0_i32 = arith.constant 0 : i32
    %c0_i32_1 = arith.constant 0 : i32
    return %get3A_0, %c0_i32, %arg1 : i32, i32, i32
  }
  func.func @transform_2(%arg0: i32, %arg1: i32, %arg2: memref<12xi32, #tpu.memory_space<smem>>, %arg3: memref<12xi32, #tpu.memory_space<smem>>) -> (i32, i32, i32) {
    %get3A = arith.index_cast %arg0 : i32 to index
    %get3A_0 = memref.load %arg2[%get3A] : memref<12xi32, #tpu.memory_space<smem>>
    %c0_i32 = arith.constant 0 : i32
    %c0_i32_1 = arith.constant 0 : i32
    return %get3A_0, %c0_i32, %arg1 : i32, i32, i32
  }
  func.func @transform_3(%arg0: i32, %arg1: i32, %arg2: memref<12xi32, #tpu.memory_space<smem>>, %arg3: memref<12xi32, #tpu.memory_space<smem>>) -> (i32, i32, i32) {
    %get3A = arith.index_cast %arg0 : i32 to index
    %get3A_0 = memref.load %arg2[%get3A] : memref<12xi32, #tpu.memory_space<smem>>
    %c0_i32 = arith.constant 0 : i32
    %c0_i32_1 = arith.constant 0 : i32
    return %get3A_0, %arg1, %c0_i32 : i32, i32, i32
  }
  func.func @transform_4(%arg0: i32, %arg1: i32, %arg2: memref<12xi32, #tpu.memory_space<smem>>, %arg3: memref<12xi32, #tpu.memory_space<smem>>) -> (i32, i32, i32) {
    %get3A = arith.index_cast %arg0 : i32 to index
    %get3A_0 = memref.load %arg2[%get3A] : memref<12xi32, #tpu.memory_space<smem>>
    %c0_i32 = arith.constant 0 : i32
    %c0_i32_1 = arith.constant 0 : i32
    %c0_i32_2 = arith.constant 0 : i32
    return %get3A_0, %c0_i32, %c0_i32_1 : i32, i32, i32
  }
  func.func @transform_5(%arg0: i32, %arg1: i32, %arg2: memref<12xi32, #tpu.memory_space<smem>>, %arg3: memref<12xi32, #tpu.memory_space<smem>>) -> (i32, i32) {
    %c0_i32 = arith.constant 0 : i32
    %c0_i32_0 = arith.constant 0 : i32
    return %arg0, %c0_i32 : i32, i32
  }
}

</mosaic_0001>

<sc_bundles>
// kernel: kernel.6.cloned.1.call-start
scs
__scs_entry_jumppad:
0x0: {  	(pc) =	sbr.rel $0x88, $3  }
0x1: {  	(tag) =	ssettag $0x0;
	lr =	simm.s32 $0x1  }
0x2: {  	[smem:$0x3F9A] =	sst lr;
	_ =	strace $0xD0000000  }
0x3: {  	_ = 	snop  }
0x4: {  	_ = 	snop  }
0x5: {  	_ = 	snop  }
0x6: {  	_ = 	snop  }
0x7: {  	_ = 	snop  }
__scs_overlays_trampoline_lowered:
0x8: {  	[smem:$0x3FA9] =	sst s0  }
0x9: {  	[smem:$0x3FAA] =	sst s1  }
0xa: {  	[smem:$0x3FAB] =	sst s2  }
0xb: {  	[smem:$0x3FAC] =	sst s3  }
0xc: {  	[smem:$0x3FAD] =	sst s4  }
0xd: {  	[smem:$0x3FAE] =	sst s5  }
0xe: {  	[smem:$0x3FAF] =	sst s6  }
0xf: {  	[smem:$0x3FB0] =	sst s7  }
0x10: {  	[smem:$0x3FB1] =	sst s8  }
0x11: {  	[smem:$0x3FB2] =	sst s9;
	s0 =	simm.s32 @!p0 $0x0  }
0x12: {  	s1 =	sld [smem:$0x3F98];
	s0 =	simm.s32 @p0 $0x1  }
0x13: {  	[smem:$0x3FB3] =	sst s0;
	s0 =	simm.s32 @!p1 $0x0  }
0x14: {  	s2 =	sld [smem:$0x3F97];
	s0 =	simm.s32 @p1 $0x1  }
0x15: {  	[smem:$0x3FB4] =	sst s0;
	s0 =	simm.s32 @!p2 $0x0  }
0x16: {  	s3 =	sld [smem:$0x3FDB];
	s0 =	simm.s32 @p2 $0x1  }
0x17: {  	s4 =	simm.s32 $0x1BF5;
	[smem:$0x3FB6] =	sst s0  }
0x18: {  	s0 =	sld [smem:$0x3F99];
	_ =	swait.ge [sflag:s4], $0x0  }
0x19: {  	s7 =	sld [smem:$0x3F9A]  }
0x1a: {  	s8 =	sadd.s32 $0xFFFFE003, lr  }
0x1b: {  	s9 =	sadd.s32 $0xFFFFFEF7, lr;
	s5 =	simm.s32 $0xFFFFFFFF;
	p2 =	slt.u32 s8, $0xFFFFF086  }
0x1c: {  	p1 =	slt.u32 s9, $0xF7A;
	s5 =	simm.s32 @!p2 $0x0  }
0x1d: {  	s5 =	simm.s32 @p1 $0x1;
	p0 =	seq.s32 s7, s2  }
0x1e: {  	s7 =	smul.u32 @!p0 $0xF7A, s2;
	p2 =	seq.s32 @!p0 s5, $0x0  }
0x1f: {  	s9 =	smul.u32 $0xF7A, s1;
	s8 =	simm.s32 @!p0 $0x1BF5;
	p2 =	por !p2, p0  }
0x20: {  	[sflag:s8] =	ssyncset.s32 @!p0 $0xFFFFF086;
	s6 =	sadd.s32 @!p0 s3, s7;
	s7 =	simm.s32 @!p0 $0x108  }
0x21: {  	s3 =	sadd.s32 s3, s9;
	s6 =	sadd.s32 @!p0 $0x88, s6;
	s7 =	simm.s32 @p2 $0x1082  }
0x22: {  	[simem:s7], [sflag:s8] =	dma.local @!p0 [hbm:s6], $0xF7A  }
0x23: {  	s9 =	sor.u32 $0xD0000000, s2;
	s6 =	simm.s32 $0x108;
	_ =	swait.ge @!p0 [sflag:s8], $0x0  }
0x24: {  	s3 =	sadd.s32 $0x88, s3;
	s6 =	simm.s32 @!p1 $0x1082;
	[sflag:s4] =	ssyncset.s32 $0xFFFFF086  }
0x25: {  	[simem:s6], [sflag:s4] =	dma.local [hbm:s3], $0xF7A  }
0x26: {  	[smem:$0x3F9A] =	sst s1;
	(tag) =	ssettag s2;
	_ =	strace s9  }
0x27: {  	s1 =	sld [smem:$0x3FAA]  }
0x28: {  	s2 =	sld [smem:$0x3FAB]  }
0x29: {  	s4 =	sld [smem:$0x3FAD]  }
0x2a: {  	p0 =	seq.s32 s5, $0x0;
	s5 =	sld [smem:$0x3FAE]  }
0x2b: {  	s6 =	sld [smem:$0x3FAF]  }
0x2c: {  	s7 =	sld [smem:$0x3FB0]  }
0x2d: {  	s3 =	simm.s32 $0x108;
	s8 =	sld [smem:$0x3FB1]  }
0x2e: {  	s3 =	simm.s32 @!p0 $0x1082;
	s9 =	sld [smem:$0x3FB2]  }
0x2f: {  	lr =	sadd.s32 s0, s3;
	s0 =	sld [smem:$0x3FA9]  }
0x30: {  	s3 =	sld [smem:$0x3FAC]  }
0x31: {  	[smem:$0x3FB5] =	sst s10  }
0x32: {  	s10 =	sld [smem:$0x3FB3];
	_ =	sdelay $0x3  }
0x33: {  	p0 =	seq.s32 s10, $0x1;
	s10 =	sld [smem:$0x3FB5];
	_ =	sdelay $0x3  }
0x34: {  	[smem:$0x3FB5] =	sst s10  }
0x35: {  	s10 =	sld [smem:$0x3FB4];
	_ =	sdelay $0x3  }
0x36: {  	p1 =	seq.s32 s10, $0x1;
	s10 =	sld [smem:$0x3FB5];
	_ =	sdelay $0x3  }
0x37: {  	[smem:$0x3FB5] =	sst s10  }
0x38: {  	s10 =	sld [smem:$0x3FB6]  }
0x39: {  	_ = 	snop;
	(pc) =	sbr.ind lr, $3  }
0x3a: {  	_ = 	snop  }
0x3b: {  	_ = 	snop  }
0x3c: {  	p2 =	seq.s32 s10, $0x1;
	s10 =	sld [smem:$0x3FB5]  }
0x3d: {  	_ =	shalt  }
0x3e: {  	_ =	shalt  }
0x3f: {  	_ =	shalt  }
0x40: {  	_ =	shalt  }
0x41: {  	_ =	shalt  }
0x42: {  	_ =	shalt  }
0x43: {  	_ =	shalt  }
0x44: {  	_ =	shalt  }
0x45: {  	_ =	shalt  }
0x46: {  	_ =	shalt  }
0x47: {  	_ =	shalt  }
0x48: {  	_ =	shalt  }
0x49: {  	_ =	shalt  }
0x4a: {  	_ =	shalt  }
0x4b: {  	_ =	shalt  }
0x4c: {  	_ =	shalt  }
0x4d: {  	_ =	shalt  }
0x4e: {  	_ =	shalt  }
0x4f: {  	_ =	shalt  }
0x50: {  	_ =	shalt  }
0x51: {  	_ =	shalt  }
0x52: {  	_ =	shalt  }
0x53: {  	_ =	shalt  }
0x54: {  	_ =	shalt  }
0x55: {  	_ =	shalt  }
0x56: {  	_ =	shalt  }
0x57: {  	_ =	shalt  }
0x58: {  	_ =	shalt  }
0x59: {  	_ =	shalt  }
0x5a: {  	_ =	shalt  }
0x5b: {  	_ =	shalt  }
0x5c: {  	_ =	shalt  }
0x5d: {  	_ =	shalt  }
0x5e: {  	_ =	shalt  }
0x5f: {  	_ =	shalt  }
0x60: {  	_ =	shalt  }
0x61: {  	_ =	shalt  }
0x62: {  	_ =	shalt  }
0x63: {  	_ =	shalt  }
0x64: {  	_ =	shalt  }
0x65: {  	_ =	shalt  }
0x66: {  	_ =	shalt  }
0x67: {  	_ =	shalt  }
0x68: {  	_ =	shalt  }
0x69: {  	_ =	shalt  }
0x6a: {  	_ =	shalt  }
0x6b: {  	_ =	shalt  }
0x6c: {  	_ =	shalt  }
0x6d: {  	_ =	shalt  }
0x6e: {  	_ =	shalt  }
0x6f: {  	_ =	shalt  }
0x70: {  	_ =	shalt  }
0x71: {  	_ =	shalt  }
0x72: {  	_ =	shalt  }
0x73: {  	_ =	shalt  }
0x74: {  	_ =	shalt  }
0x75: {  	_ =	shalt  }
0x76: {  	_ =	shalt  }
0x77: {  	_ =	shalt  }
0x78: {  	_ =	shalt  }
0x79: {  	_ =	shalt  }
0x7a: {  	_ =	shalt  }
0x7b: {  	_ =	shalt  }
0x7c: {  	_ =	shalt  }
0x7d: {  	_ =	shalt  }
0x7e: {  	_ =	shalt  }
0x7f: {  	_ =	shalt  }
0x80: {  	_ =	shalt  }
0x81: {  	_ =	shalt  }
0x82: {  	_ =	shalt  }
0x83: {  	_ =	shalt  }
0x84: {  	_ =	shalt  }
0x85: {  	_ =	shalt  }
0x86: {  	_ =	shalt  }
0x87: {  	_ =	shalt  }
.Lfunc_end0:
.L_simem_size_0:
called_computation_lowered:
.L_overlay_start_0:
0x88: {  	s2 =	sld [smem:$0x3FD9]  }
0x89: {  	s3 =	sld [smem:$0x3FFE];
	_ =	sdelay $0x1  }
0x8a: {  	s1 =	srdreg.scid  }
0x8b: {  	s0 =	sand.u32 $0x1, s1  }
0x8c: {  	s17 =	sshll.u32 s0, $0xA;
	s2 =	sadd.s32 s3, s2  }
0x8d: {  	s2 =	sadd.s32 s2, s17  }
0x8e: {  	[smem:$0x3FC1] =	sst s2  }
0x8f: {  	_ = 	snop  }
0x90: {  	s2 =	sld [smem:$0x3FC9];
	(tm) =	ssettm $0x1  }
0x91: {  	s18 =	sld [smem:$0x3FFB];
	_ =	sdelay $0x3  }
0x92: {  	_ =	strace s18  }
0x93: {  	s3 =	sld [smem:$0x3FFC];
	_ =	sdelay $0x3  }
0x94: {  	_ =	strace s3  }
0x95: {  	s3 =	sld [smem:$0x3FFD];
	_ =	sdelay $0x3  }
0x96: {  	_ =	strace s3  }
0x97: {  	_ =	strace $0x8FFFFFFF  }
0x98: {  	s19 =	sld [smem:$0x3FDB];
	_ =	sdelay $0x1  }
0x99: {  	s4 =	simm.s32 $_scs_section_size  }
0x9a: {  	s5 =	simm.s32 $_size__tile_overlayer_lowered;
	s6 =	simm.s32 $_tile_overlayer_lowered  }
0x9b: {  	s22 =	simm.s32 $0x1BFF;
	s21 =	sshll.u32 s6, $0x1;
	s3 =	sadd.s32 s4, s19  }
0x9c: {  	s7 =	simm.s32 $0x0;
	s20 =	sshll.u32 s5, $0x1;
	s5 =	sadd.s32 s21, s3  }
0x9d: {  	[timem:s7], [sflag:s22] =	dma.local [hbm:s5], s20  }
0x9e: {  	_ =	swait.ge [sflag:s22], s20  }
0x9f: {  	s4 =	ssub.s32 $0x0, s20;
	[sflag:s22] =	ssyncset.done $0x0  }
0xa0: {  	[sflag:s22] =	ssyncadd.s32 s4;
	_ =	sdelay $0x1  }
0xa1: {  	s23 =	simm.s32 $0x1B8B  }
0xa2: {  	_ =	swait.ge [sflag:s23], $0x1  }
0xa3: {  	[sflag:s23] =	ssyncset.done $0x0  }
0xa4: {  	s25 =	simm.s32 $0x1B8E;
	s24 =	sld [smem:$0x3FFE];
	[sflag:s23] =	ssyncadd.s32 $0xFFFFFFFF  }
0xa5: {  	s26 =	simm.s32 $execute0_lowered;
	[smem:$0x3FD2] =	sst s25  }
0xa6: {  	s5 =	sshll.u32 s26, $0x1;
	_ =	strace $0x80000046;
	[dreg:$0x1] =	wrdreg $0xFFFFFFFF  }
0xa7: {  	s28 =	simm.s32 $_size_execute0_lowered;
	s3 =	sadd.s32 s3, s5;
	[dreg:$0x0] =	wrdreg $0x0  }
0xa8: {  	s5 =	sshll.u32 s28, $0x1;
	[dreg:$0x2] =	wrdreg s3  }
0xa9: {  	[dreg:$0x3] =	wrdreg s5  }
0xaa: {  	[dreg:$0x4] =	wrdreg $0xC0  }
0xab: {  	_ =	task [dreg:s7], $0x5FFFF  }
0xac: {  	[dreg:$0x1] =	wrdreg $0xFFFFFFFF  }
0xad: {  	[dreg:$0x0] =	wrdreg $0x60  }
0xae: {  	[dreg:$0x2] =	wrdreg s2  }
0xaf: {  	[dreg:$0x3] =	wrdreg s24  }
0xb0: {  	[dreg:$0x4] =	wrdreg $0x9  }
0xb1: {  	_ =	task.clear_ibuf [dreg:s7], $0x5FFFF;
	_ =	strace $0x90000046  }
0xb2: {  	s29 =	simm.s32 $0x9;
	_ =	strace $0x80000048  }
0xb3: {  	_ =	swait.ge [sflag:s29], $0x1  }
0xb4: {  	[sflag:s29] =	ssyncadd.s32 $0xFFFFFFFF  }
0xb5: {  	_ =	strace $0x90000048  }
0xb6: {  	_ =	sfence  }
0xb7: {  	s30 =	sld [smem:$0x0];
	_ =	sdelay $0x2  }
0xb8: {  	s31 =	sshll.u32 s1, $0xD;
	s1 =	sshrl.u32 s1, $0x2  }
0xb9: {  	s3 =	sand.u32 $0x4000, s31;
	s1 =	sadd.s32 s1, s30  }
0xba: {  	s0 =	sor.u32 s3, s0;
	s1 =	sshll.u32 s1, $0x11  }
0xbb: {  	s0 =	sor.u32 s1, s0  }
0xbc: {  	s0 =	sadd.s32 $0x8F2B, s0  }
0xbd: {  	[sflag:s0] =	ssyncadd.remote.s32 $0x1  }
0xbe: {  	_ =	sfence.sel $0xFFFF  }
0xbf: {  	[dreg:$0x0] =	wrdreg $0xFFFFFFFF;
	(pc) =	sbr.abs _section_cstart, $3  }
0xc0: {  	[dreg:$0x1] =	wrdreg $0xFFFFFFFF  }
0xc1: {  	_ =	task.clear_ibuf [dreg:s7], $0x2FFFF;
	_ =	strace $0x9FFFFFFF  }
0xc2: {  	(tm) =	ssettm $0x7FFFFFFF  }
0xc3: {  	_ =	shalt  }
tec
execute0_lowered:
.L_overlay_start_1:
0x0: {  	(tag) =	ssettag $0x1  }
0x1: {  	s0 =	srdreg.scid  }
0x2: {  	s1 =	rddreg [dreg:$0x0];
	s2 =	stileid.u32  }
0x3: {  	s6 =	rddreg [dreg:$0x1];
	s26 =	simm.s32 $0x80;
	s18 =	simm.s32 $0x100  }
0x4: {  	s22 =	simm.s32 $0x1900;
	s23 =	simm.s32 $0x2100;
	s24 =	simm.s32 $0x2900  }
0x5: {  	s25 =	simm.s32 $0x3100;
	s28 =	simm.s32 $0x4100;
	s29 =	simm.s32 $0x4900  }
0x6: {  	s30 =	simm.s32 $0x5100;
	s31 =	simm.s32 $0x5900;
	s10 =	simm.s32 $0x7100  }
0x7: {  	s11 =	simm.s32 $0x7900;
	s12 =	simm.s32 $0x8100;
	s13 =	simm.s32 $0x8900  }
0x8: {  	s14 =	simm.s32 $0x9100;
	s15 =	simm.s32 $0x9900;
	s16 =	simm.s32 $0xA100  }
0x9: {  	s17 =	simm.s32 $0xA900;
	s9 =	simm.s32 $0xB100;
	s19 =	simm.s32 $0xB900  }
0xa: {  	s0 =	sand.u32 $0x1, s0;
	s3 =	sshll.u32 s2, $0x7;
	s2 =	simm.s32 $0x0  }
0xb: {  	s4 =	sshll.u32 s0, $0x6;
	[smem:$0x7FF] =	sst s2;
	s0 =	ssub.s32 $0x2, s0  }
0xc: {  	s4 =	sor.u32 s4, s3;
	_ =	strace $0x80000047;
	s7 =	sshrl.u32 s0, $0x1  }
0xd: {  	[dreg:$0x6] =	wrdreg s26;
	s3 =	sshrl.u32 s4, $0x3;
	s4 =	sshll.u32 s4, $0x7  }
0xe: {  	s26 =	simm.s32 $0x3900;
	s5 =	sadd.s32 s3, s6;
	s1 =	sadd.s32 s1, s4  }
0xf: {  	s0 =	ssub.s32 s0, s7;
	s8 =	sadd.s32 $0x10200, s5;
	[dreg:$0x5] =	wrdreg s1  }
0x10: {  	v2 =	vlaneseq.u32;
	s3 =	sadd.s32 $0x10400, s6;
	s5 =	sadd.s32 $0x10300, s5;
	[dreg:$0x3] =	wrdreg s8  }
0x11: {  	vm0 =	vmmov $0xffff;
	v1 =	vshrl.u32 v2, $0x3;
	s4 =	sadd.s32 $0x10500, s6;
	s7 =	smax.u32 s0, $0x1;
	[dreg:$0x4] =	wrdreg s5  }
0x12: {  	v0 =	vand.u32 $0x7, v2;
	v2 =	vor.u32 $0x8, v2;
	v1 =	vmul.u32 $0x8, v1;
	s5 =	sadd.s32 $0x10600, s6;
	s6 =	sadd.s32 $0x10700, s6;
	s8 =	simm.s32 $0x3  }
.LBB2_1:
0x13: {  	s20 =	rddreg [dreg:$0x3]  }
0x14: {  	[tilespmem:s2], [sflag:$0x3] =	stream.linear.gather [hbm4b:s20+s2], $0x40, $0x38;
	[tilespmem:$0x10100] =	vst v63  }
0x15: {  	_ =	swait.ge [sflag:s8], $0x40  }
0x16: {  	s0 =	rddreg [dreg:$0x4];
	[sflag:s8] =	ssyncset.done $0x0  }
0x17: {  	s21 =	rddreg [dreg:$0x6];
	[sflag:s8] =	ssyncadd.s32 $0xFFFFFFC0  }
0x18: {  	[tilespmem:s21], [sflag:$0x3] =	stream.linear.gather [hbm4b:s0+s2], $0x40, $0x38;
	[tilespmem:$0x10100] =	vst v63  }
0x19: {  	_ =	swait.ge [sflag:s8], $0x40  }
0x1a: {  	[sflag:s8] =	ssyncset.done $0x0  }
0x1b: {  	s1 =	rddreg [dreg:$0x5];
	[sflag:s8] =	ssyncadd.s32 $0xFFFFFFC0  }
0x1c: {  	[tilespmem:s18], [sflag:$0x3] =	stream.linear.gather [hbm4b:s1+s2], $0x10000, $0x38;
	[tilespmem:$0x10100] =	vst v63  }
0x1d: {  	_ =	swait.ge [sflag:s8], $0x10000  }
0x1e: {  	[sflag:s8] =	ssyncset.done $0x0  }
0x1f: {  	[sflag:s8] =	ssyncadd.s32 $0xFFFF0000  }
0x20: {  	v3 =	vld [tilespmem:$0x0];
	_ =	sdelay $0x4  }
0x21: {  	v4 =	vshll.u32 v3, $0x3  }
0x22: {  	v3 =	vand.u32 $0x7, v3;
	v4 =	vand.u32 $0xFFFFFFC0, v4  }
0x23: {  	v3 =	vor.u32 v3, v4  }
0x24: {  	v4 =	vperm.xlane v3, v0;
	_ =	sdelay $0x1  }
0x25: {  	v4 =	vadd.s32 v1, v4;
	_ =	sdelay $0x4  }
0x26: {  	[hbm4b:s3+s2] =	stream.indirect_vreg.scatter [tilespmem:s18], [sflag:$0x1], $0x80, v4, vm0, $0xb8;
	[tilespmem:$0x10100] =	vst v63  }
0x27: {  	s20 =	simm.s32 $0x900;
	v3 =	vperm.xlane v3, v2  }
0x28: {  	[hbm4b:s4+s2] =	stream.indirect_vreg.scatter [tilespmem:s20], [sflag:$0x1], $0x80, v4, vm0, $0xb8;
	[tilespmem:$0x10100] =	vst v63  }
0x29: {  	s21 =	simm.s32 $0x1100;
	v3 =	vadd.s32 v1, v3  }
0x2a: {  	[hbm4b:s5+s2] =	stream.indirect_vreg.scatter [tilespmem:s21], [sflag:$0x1], $0x80, v4, vm0, $0xb8;
	[tilespmem:$0x10100] =	vst v63  }
0x2b: {  	_ = 	snop  }
0x2c: {  	[hbm4b:s6+s2] =	stream.indirect_vreg.scatter [tilespmem:s22], [sflag:$0x1], $0x80, v4, vm0, $0xb8;
	[tilespmem:$0x10100] =	vst v63  }
0x2d: {  	_ = 	snop  }
0x2e: {  	[hbm4b:s3+s2] =	stream.indirect_vreg.scatter [tilespmem:s23], [sflag:$0x1], $0x80, v3, vm0, $0xb8;
	[tilespmem:$0x10100] =	vst v63  }
0x2f: {  	_ = 	snop  }
0x30: {  	[hbm4b:s4+s2] =	stream.indirect_vreg.scatter [tilespmem:s24], [sflag:$0x1], $0x80, v3, vm0, $0xb8;
	[tilespmem:$0x10100] =	vst v63  }
0x31: {  	_ = 	snop  }
0x32: {  	[hbm4b:s5+s2] =	stream.indirect_vreg.scatter [tilespmem:s25], [sflag:$0x1], $0x80, v3, vm0, $0xb8;
	[tilespmem:$0x10100] =	vst v63  }
0x33: {  	_ = 	snop  }
0x34: {  	[hbm4b:s6+s2] =	stream.indirect_vreg.scatter [tilespmem:s26], [sflag:$0x1], $0x80, v3, vm0, $0xb8;
	[tilespmem:$0x10100] =	vst v63  }
0x35: {  	v3 =	vld [tilespmem:$0x10];
	_ =	sdelay $0x4  }
0x36: {  	v57 =	vshll.u32 v3, $0x3  }
0x37: {  	v3 =	vand.u32 $0x7, v3;
	v4 =	vand.u32 $0xFFFFFFC0, v57  }
0x38: {  	v3 =	vor.u32 v3, v4  }
0x39: {  	v4 =	vperm.xlane v3, v0;
	_ =	sdelay $0x1  }
0x3a: {  	v4 =	vadd.s32 v1, v4;
	_ =	sdelay $0x4  }
0x3b: {  	[hbm4b:s3+s2] =	stream.indirect_vreg.scatter [tilespmem:s28], [sflag:$0x1], $0x80, v4, vm0, $0xb8;
	[tilespmem:$0x10100] =	vst v63  }
0x3c: {  	v3 =	vperm.xlane v3, v2  }
0x3d: {  	[hbm4b:s4+s2] =	stream.indirect_vreg.scatter [tilespmem:s29], [sflag:$0x1], $0x80, v4, vm0, $0xb8;
	[tilespmem:$0x10100] =	vst v63  }
0x3e: {  	v3 =	vadd.s32 v1, v3  }
0x3f: {  	[hbm4b:s5+s2] =	stream.indirect_vreg.scatter [tilespmem:s30], [sflag:$0x1], $0x80, v4, vm0, $0xb8;
	[tilespmem:$0x10100] =	vst v63  }
0x40: {  	_ = 	snop  }
0x41: {  	[hbm4b:s6+s2] =	stream.indirect_vreg.scatter [tilespmem:s31], [sflag:$0x1], $0x80, v4, vm0, $0xb8;
	[tilespmem:$0x10100] =	vst v63  }
0x42: {  	s1 =	simm.s32 $0x6100  }
0x43: {  	[hbm4b:s3+s2] =	stream.indirect_vreg.scatter [tilespmem:s1], [sflag:$0x1], $0x80, v3, vm0, $0xb8;
	[tilespmem:$0x10100] =	vst v63  }
0x44: {  	s0 =	simm.s32 $0x6900  }
0x45: {  	[hbm4b:s4+s2] =	stream.indirect_vreg.scatter [tilespmem:s0], [sflag:$0x1], $0x80, v3, vm0, $0xb8;
	[tilespmem:$0x10100] =	vst v63  }
0x46: {  	_ = 	snop  }
0x47: {  	[hbm4b:s5+s2] =	stream.indirect_vreg.scatter [tilespmem:s10], [sflag:$0x1], $0x80, v3, vm0, $0xb8;
	[tilespmem:$0x10100] =	vst v63  }
0x48: {  	_ = 	snop  }
0x49: {  	[hbm4b:s6+s2] =	stream.indirect_vreg.scatter [tilespmem:s11], [sflag:$0x1], $0x80, v3, vm0, $0xb8;
	[tilespmem:$0x10100] =	vst v63  }
0x4a: {  	v3 =	vld [tilespmem:$0x20];
	_ =	sdelay $0x4  }
0x4b: {  	v58 =	vshll.u32 v3, $0x3  }
0x4c: {  	v3 =	vand.u32 $0x7, v3;
	v4 =	vand.u32 $0xFFFFFFC0, v58  }
0x4d: {  	v3 =	vor.u32 v3, v4  }
0x4e: {  	v4 =	vperm.xlane v3, v0;
	_ =	sdelay $0x1  }
0x4f: {  	v4 =	vadd.s32 v1, v4;
	_ =	sdelay $0x4  }
0x50: {  	[hbm4b:s3+s2] =	stream.indirect_vreg.scatter [tilespmem:s12], [sflag:$0x1], $0x80, v4, vm0, $0xb8;
	[tilespmem:$0x10100] =	vst v63  }
0x51: {  	v3 =	vperm.xlane v3, v2  }
0x52: {  	[hbm4b:s4+s2] =	stream.indirect_vreg.scatter [tilespmem:s13], [sflag:$0x1], $0x80, v4, vm0, $0xb8;
	[tilespmem:$0x10100] =	vst v63  }
0x53: {  	v3 =	vadd.s32 v1, v3  }
0x54: {  	[hbm4b:s5+s2] =	stream.indirect_vreg.scatter [tilespmem:s14], [sflag:$0x1], $0x80, v4, vm0, $0xb8;
	[tilespmem:$0x10100] =	vst v63  }
0x55: {  	_ = 	snop  }
0x56: {  	[hbm4b:s6+s2] =	stream.indirect_vreg.scatter [tilespmem:s15], [sflag:$0x1], $0x80, v4, vm0, $0xb8;
	[tilespmem:$0x10100] =	vst v63  }
0x57: {  	_ = 	snop  }
0x58: {  	[hbm4b:s3+s2] =	stream.indirect_vreg.scatter [tilespmem:s16], [sflag:$0x1], $0x80, v3, vm0, $0xb8;
	[tilespmem:$0x10100] =	vst v63  }
0x59: {  	_ = 	snop  }
0x5a: {  	[hbm4b:s4+s2] =	stream.indirect_vreg.scatter [tilespmem:s17], [sflag:$0x1], $0x80, v3, vm0, $0xb8;
	[tilespmem:$0x10100] =	vst v63  }
0x5b: {  	_ = 	snop  }
0x5c: {  	[hbm4b:s5+s2] =	stream.indirect_vreg.scatter [tilespmem:s9], [sflag:$0x1], $0x80, v3, vm0, $0xb8;
	[tilespmem:$0x10100] =	vst v63  }
0x5d: {  	_ = 	snop  }
0x5e: {  	[hbm4b:s6+s2] =	stream.indirect_vreg.scatter [tilespmem:s19], [sflag:$0x1], $0x80, v3, vm0, $0xb8;
	[tilespmem:$0x10100] =	vst v63  }
0x5f: {  	v3 =	vld [tilespmem:$0x30];
	_ =	sdelay $0x4  }
0x60: {  	v59 =	vshll.u32 v3, $0x3  }
0x61: {  	v3 =	vand.u32 $0x7, v3;
	v4 =	vand.u32 $0xFFFFFFC0, v59  }
0x62: {  	v3 =	vor.u32 v3, v4  }
0x63: {  	v4 =	vperm.xlane v3, v0;
	_ =	sdelay $0x1  }
0x64: {  	v4 =	vadd.s32 v1, v4;
	_ =	sdelay $0x3  }
0x65: {  	s0 =	simm.s32 $0xC100  }
0x66: {  	[hbm4b:s3+s2] =	stream.indirect_vreg.scatter [tilespmem:s0], [sflag:$0x1], $0x80, v4, vm0, $0xb8;
	[tilespmem:$0x10100] =	vst v63  }
0x67: {  	v3 =	vperm.xlane v3, v2;
	s0 =	simm.s32 $0xC900  }
0x68: {  	[hbm4b:s4+s2] =	stream.indirect_vreg.scatter [tilespmem:s0], [sflag:$0x1], $0x80, v4, vm0, $0xb8;
	[tilespmem:$0x10100] =	vst v63  }
0x69: {  	v3 =	vadd.s32 v1, v3;
	s0 =	simm.s32 $0xD100  }
0x6a: {  	[hbm4b:s5+s2] =	stream.indirect_vreg.scatter [tilespmem:s0], [sflag:$0x1], $0x80, v4, vm0, $0xb8;
	[tilespmem:$0x10100] =	vst v63  }
0x6b: {  	s0 =	simm.s32 $0xD900  }
0x6c: {  	[hbm4b:s6+s2] =	stream.indirect_vreg.scatter [tilespmem:s0], [sflag:$0x1], $0x80, v4, vm0, $0xb8;
	[tilespmem:$0x10100] =	vst v63  }
0x6d: {  	s0 =	simm.s32 $0xE100  }
0x6e: {  	[hbm4b:s3+s2] =	stream.indirect_vreg.scatter [tilespmem:s0], [sflag:$0x1], $0x80, v3, vm0, $0xb8;
	[tilespmem:$0x10100] =	vst v63  }
0x6f: {  	s0 =	simm.s32 $0xE900  }
0x70: {  	[hbm4b:s4+s2] =	stream.indirect_vreg.scatter [tilespmem:s0], [sflag:$0x1], $0x80, v3, vm0, $0xb8;
	[tilespmem:$0x10100] =	vst v63  }
0x71: {  	s0 =	simm.s32 $0xF100  }
0x72: {  	[hbm4b:s5+s2] =	stream.indirect_vreg.scatter [tilespmem:s0], [sflag:$0x1], $0x80, v3, vm0, $0xb8;
	[tilespmem:$0x10100] =	vst v63  }
0x73: {  	s0 =	simm.s32 $0xF900  }
0x74: {  	[hbm4b:s6+s2] =	stream.indirect_vreg.scatter [tilespmem:s0], [sflag:$0x1], $0x80, v3, vm0, $0xb8;
	[tilespmem:$0x10100] =	vst v63  }
0x75: {  	v3 =	vld [tilespmem:$0x80];
	_ =	sdelay $0x4  }
0x76: {  	v60 =	vshll.u32 v3, $0x3  }
0x77: {  	v3 =	vand.u32 $0x7, v3;
	v4 =	vand.u32 $0xFFFFFFC0, v60  }
0x78: {  	v3 =	vor.u32 v3, v4  }
0x79: {  	v4 =	vperm.xlane v3, v0;
	_ =	sdelay $0x1  }
0x7a: {  	v4 =	vadd.s32 v1, v4;
	_ =	sdelay $0x4  }
0x7b: {  	[hbm4b:s3+s2] =	stream.indirect_vreg.scatter [tilespmem:s18], [sflag:$0x2], $0x80, v4, vm0, $0xb8;
	[tilespmem:$0x10100] =	vst v63  }
0x7c: {  	v3 =	vperm.xlane v3, v2  }
0x7d: {  	[hbm4b:s4+s2] =	stream.indirect_vreg.scatter [tilespmem:s20], [sflag:$0x2], $0x80, v4, vm0, $0xb8;
	[tilespmem:$0x10100] =	vst v63  }
0x7e: {  	v3 =	vadd.s32 v1, v3  }
0x7f: {  	[hbm4b:s5+s2] =	stream.indirect_vreg.scatter [tilespmem:s21], [sflag:$0x2], $0x80, v4, vm0, $0xb8;
	[tilespmem:$0x10100] =	vst v63  }
0x80: {  	_ = 	snop  }
0x81: {  	[hbm4b:s6+s2] =	stream.indirect_vreg.scatter [tilespmem:s22], [sflag:$0x2], $0x80, v4, vm0, $0xb8;
	[tilespmem:$0x10100] =	vst v63  }
0x82: {  	_ = 	snop  }
0x83: {  	[hbm4b:s3+s2] =	stream.indirect_vreg.scatter [tilespmem:s23], [sflag:$0x2], $0x80, v3, vm0, $0xb8;
	[tilespmem:$0x10100] =	vst v63  }
0x84: {  	_ = 	snop  }
0x85: {  	[hbm4b:s4+s2] =	stream.indirect_vreg.scatter [tilespmem:s24], [sflag:$0x2], $0x80, v3, vm0, $0xb8;
	[tilespmem:$0x10100] =	vst v63  }
0x86: {  	_ = 	snop  }
0x87: {  	[hbm4b:s5+s2] =	stream.indirect_vreg.scatter [tilespmem:s25], [sflag:$0x2], $0x80, v3, vm0, $0xb8;
	[tilespmem:$0x10100] =	vst v63  }
0x88: {  	_ = 	snop  }
0x89: {  	[hbm4b:s6+s2] =	stream.indirect_vreg.scatter [tilespmem:s26], [sflag:$0x2], $0x80, v3, vm0, $0xb8;
	[tilespmem:$0x10100] =	vst v63  }
0x8a: {  	v3 =	vld [tilespmem:$0x90];
	_ =	sdelay $0x4  }
0x8b: {  	v61 =	vshll.u32 v3, $0x3  }
0x8c: {  	v3 =	vand.u32 $0x7, v3;
	v4 =	vand.u32 $0xFFFFFFC0, v61  }
0x8d: {  	v3 =	vor.u32 v3, v4  }
0x8e: {  	v4 =	vperm.xlane v3, v0;
	_ =	sdelay $0x1  }
0x8f: {  	v4 =	vadd.s32 v1, v4;
	_ =	sdelay $0x4  }
0x90: {  	[hbm4b:s3+s2] =	stream.indirect_vreg.scatter [tilespmem:s28], [sflag:$0x2], $0x80, v4, vm0, $0xb8;
	[tilespmem:$0x10100] =	vst v63  }
0x91: {  	v3 =	vperm.xlane v3, v2  }
0x92: {  	[hbm4b:s4+s2] =	stream.indirect_vreg.scatter [tilespmem:s29], [sflag:$0x2], $0x80, v4, vm0, $0xb8;
	[tilespmem:$0x10100] =	vst v63  }
0x93: {  	v3 =	vadd.s32 v1, v3  }
0x94: {  	[hbm4b:s5+s2] =	stream.indirect_vreg.scatter [tilespmem:s30], [sflag:$0x2], $0x80, v4, vm0, $0xb8;
	[tilespmem:$0x10100] =	vst v63  }
0x95: {  	_ = 	snop  }
0x96: {  	[hbm4b:s6+s2] =	stream.indirect_vreg.scatter [tilespmem:s31], [sflag:$0x2], $0x80, v4, vm0, $0xb8;
	[tilespmem:$0x10100] =	vst v63  }
0x97: {  	_ = 	snop  }
0x98: {  	[hbm4b:s3+s2] =	stream.indirect_vreg.scatter [tilespmem:s1], [sflag:$0x2], $0x80, v3, vm0, $0xb8;
	[tilespmem:$0x10100] =	vst v63  }
0x99: {  	s20 =	simm.s32 $0x6900  }
0x9a: {  	[hbm4b:s4+s2] =	stream.indirect_vreg.scatter [tilespmem:s20], [sflag:$0x2], $0x80, v3, vm0, $0xb8;
	[tilespmem:$0x10100] =	vst v63  }
0x9b: {  	_ = 	snop  }
0x9c: {  	[hbm4b:s5+s2] =	stream.indirect_vreg.scatter [tilespmem:s10], [sflag:$0x2], $0x80, v3, vm0, $0xb8;
	[tilespmem:$0x10100] =	vst v63  }
0x9d: {  	_ = 	snop  }
0x9e: {  	[hbm4b:s6+s2] =	stream.indirect_vreg.scatter [tilespmem:s11], [sflag:$0x2], $0x80, v3, vm0, $0xb8;
	[tilespmem:$0x10100] =	vst v63  }
0x9f: {  	v3 =	vld [tilespmem:$0xA0];
	_ =	sdelay $0x4  }
0xa0: {  	v62 =	vshll.u32 v3, $0x3  }
0xa1: {  	v3 =	vand.u32 $0x7, v3;
	v4 =	vand.u32 $0xFFFFFFC0, v62  }
0xa2: {  	v3 =	vor.u32 v3, v4  }
0xa3: {  	v4 =	vperm.xlane v3, v0;
	_ =	sdelay $0x1  }
0xa4: {  	v4 =	vadd.s32 v1, v4;
	_ =	sdelay $0x4  }
0xa5: {  	[hbm4b:s3+s2] =	stream.indirect_vreg.scatter [tilespmem:s12], [sflag:$0x2], $0x80, v4, vm0, $0xb8;
	[tilespmem:$0x10100] =	vst v63  }
0xa6: {  	v3 =	vperm.xlane v3, v2  }
0xa7: {  	[hbm4b:s4+s2] =	stream.indirect_vreg.scatter [tilespmem:s13], [sflag:$0x2], $0x80, v4, vm0, $0xb8;
	[tilespmem:$0x10100] =	vst v63  }
0xa8: {  	v3 =	vadd.s32 v1, v3  }
0xa9: {  	[hbm4b:s5+s2] =	stream.indirect_vreg.scatter [tilespmem:s14], [sflag:$0x2], $0x80, v4, vm0, $0xb8;
	[tilespmem:$0x10100] =	vst v63  }
0xaa: {  	_ = 	snop  }
0xab: {  	[hbm4b:s6+s2] =	stream.indirect_vreg.scatter [tilespmem:s15], [sflag:$0x2], $0x80, v4, vm0, $0xb8;
	[tilespmem:$0x10100] =	vst v63  }
0xac: {  	_ = 	snop  }
0xad: {  	[hbm4b:s3+s2] =	stream.indirect_vreg.scatter [tilespmem:s16], [sflag:$0x2], $0x80, v3, vm0, $0xb8;
	[tilespmem:$0x10100] =	vst v63  }
0xae: {  	_ = 	snop  }
0xaf: {  	[hbm4b:s4+s2] =	stream.indirect_vreg.scatter [tilespmem:s17], [sflag:$0x2], $0x80, v3, vm0, $0xb8;
	[tilespmem:$0x10100] =	vst v63  }
0xb0: {  	_ = 	snop  }
0xb1: {  	[hbm4b:s5+s2] =	stream.indirect_vreg.scatter [tilespmem:s9], [sflag:$0x2], $0x80, v3, vm0, $0xb8;
	[tilespmem:$0x10100] =	vst v63  }
0xb2: {  	_ = 	snop  }
0xb3: {  	[hbm4b:s6+s2] =	stream.indirect_vreg.scatter [tilespmem:s19], [sflag:$0x2], $0x80, v3, vm0, $0xb8;
	[tilespmem:$0x10100] =	vst v63  }
0xb4: {  	v3 =	vld [tilespmem:$0xB0];
	_ =	sdelay $0x4  }
0xb5: {  	v63 =	vshll.u32 v3, $0x3  }
0xb6: {  	v3 =	vand.u32 $0x7, v3;
	v4 =	vand.u32 $0xFFFFFFC0, v63  }
0xb7: {  	v3 =	vor.u32 v3, v4  }
0xb8: {  	v4 =	vperm.xlane v3, v0;
	_ =	sdelay $0x1  }
0xb9: {  	v4 =	vadd.s32 v1, v4;
	_ =	sdelay $0x3  }
0xba: {  	s21 =	simm.s32 $0xC100  }
0xbb: {  	[hbm4b:s3+s2] =	stream.indirect_vreg.scatter [tilespmem:s21], [sflag:$0x2], $0x80, v4, vm0, $0xb8;
	[tilespmem:$0x10100] =	vst v63  }
0xbc: {  	s20 =	simm.s32 $0xC900;
	v3 =	vperm.xlane v3, v2  }
0xbd: {  	[hbm4b:s4+s2] =	stream.indirect_vreg.scatter [tilespmem:s20], [sflag:$0x2], $0x80, v4, vm0, $0xb8;
	[tilespmem:$0x10100] =	vst v63  }
0xbe: {  	v3 =	vadd.s32 v1, v3;
	s21 =	simm.s32 $0xD100  }
0xbf: {  	[hbm4b:s5+s2] =	stream.indirect_vreg.scatter [tilespmem:s21], [sflag:$0x2], $0x80, v4, vm0, $0xb8;
	[tilespmem:$0x10100] =	vst v63  }
0xc0: {  	s20 =	simm.s32 $0xD900  }
0xc1: {  	[hbm4b:s6+s2] =	stream.indirect_vreg.scatter [tilespmem:s20], [sflag:$0x2], $0x80, v4, vm0, $0xb8;
	[tilespmem:$0x10100] =	vst v63  }
0xc2: {  	s21 =	simm.s32 $0xE100  }
0xc3: {  	[hbm4b:s3+s2] =	stream.indirect_vreg.scatter [tilespmem:s21], [sflag:$0x2], $0x80, v3, vm0, $0xb8;
	[tilespmem:$0x10100] =	vst v63  }
0xc4: {  	s20 =	simm.s32 $0xE900  }
0xc5: {  	[hbm4b:s4+s2] =	stream.indirect_vreg.scatter [tilespmem:s20], [sflag:$0x2], $0x80, v3, vm0, $0xb8;
	[tilespmem:$0x10100] =	vst v63  }
0xc6: {  	s21 =	simm.s32 $0xF100  }
0xc7: {  	[hbm4b:s5+s2] =	stream.indirect_vreg.scatter [tilespmem:s21], [sflag:$0x2], $0x80, v3, vm0, $0xb8;
	[tilespmem:$0x10100] =	vst v63  }
0xc8: {  	s20 =	simm.s32 $0x1  }
0xc9: {  	[hbm4b:s6+s2] =	stream.indirect_vreg.scatter [tilespmem:s0], [sflag:$0x2], $0x80, v3, vm0, $0xb8;
	[tilespmem:$0x10100] =	vst v63  }
0xca: {  	p0 =	sne.s32 s7, $0x1;
	_ =	swait.ge [sflag:s20], $0x10000  }
.Ltmp0:
0xcb: {  	[sflag:s20] =	ssyncset.done $0x0;
	(pc) =	sbr.rel @p0 .LBB2_1-.Ltmp0, $4  }
0xcc: {  	s21 =	simm.s32 $0x2;
	[sflag:s20] =	ssyncadd.s32 $0xFFFF0000  }
0xcd: {  	_ =	swait.ge [sflag:s21], $0x10000  }
0xce: {  	[sflag:s21] =	ssyncset.done $0x0  }
0xcf: {  	s7 =	sadd.s32 $0xFFFFFFFF, s7;
	[sflag:s21] =	ssyncadd.s32 $0xFFFF0000  }
0xd0: {  	_ =	sfence.sel $0x180000  }
0xd1: {  	[bflag:$0x0] =	sbarrier.arrive $0xFFFF  }
0xd2: {  	_ =	strace $0x90000047  }
0xd3: {  	s0 =	stileid.u32;
	[bflag:$0x2] =	sbarrier.arrive $0xFFFF  }
0xd4: {  	p0 =	sne.s32 s0, $0x0;
	s0 =	rddreg [dreg:$0x2]  }
0xd5: {  	s0 =	sadd.s32 @!p0 $0x100000, s0  }
0xd6: {  	[sflag:s0] =	ssyncadd.tile.s32 @!p0 $0x1;
	_ =	shalt  }
.Lfunc_end2:
_tile_overlayer_lowered:
.L_overlay_start_2:
0xd7: {  	(tag) =	ssettag $0x2  }
0xd8: {  	s0 =	rddreg [dreg:$0x0];
	s2 =	stileid.u32  }
0xd9: {  	s1 =	rddreg [dreg:$0x1];
	p0 =	sne.s32 s2, $0x0  }
0xda: {  	s3 =	rddreg [dreg:$0x2];
	[bflag:$0x3] =	sbarrier.arrive $0xFFFF;
	s2 =	simm.s32 @!p0 $0x1C03  }
0xdb: {  	[timem:s3], [sflag:s2] =	dma.local @!p0 [hbm:s0], s1  }
0xdc: {  	s0 =	simm.s32 @!p0 $0x3  }
0xdd: {  	_ =	swait.ge @!p0 [sflag:s0], s1  }
0xde: {  	s1 =	ssub.s32 @!p0 $0x0, s1;
	[sflag:s0] =	ssyncset.done @!p0 $0x0  }
0xdf: {  	[sflag:s0] =	ssyncadd.s32 @!p0 s1  }
0xe0: {  	[bflag:$0x3] =	sbarrier.arrive $0xFFFF  }
0xe1: {  	_ =	shalt  }

// kernel: kernel.9.cloned.1.call-start
scs
__scs_entry_jumppad:
0x0: {  	(pc) =	sbr.rel $0x88, $3  }
0x1: {  	(tag) =	ssettag $0x0;
	lr =	simm.s32 $0x1  }
0x2: {  	[smem:$0x3F9A] =	sst lr;
	_ =	strace $0xD0000000  }
0x3: {  	_ = 	snop  }
0x4: {  	_ = 	snop  }
0x5: {  	_ = 	snop  }
0x6: {  	_ = 	snop  }
0x7: {  	_ = 	snop  }
__scs_overlays_trampoline_lowered:
0x8: {  	[smem:$0x3FA9] =	sst s0  }
0x9: {  	[smem:$0x3FAA] =	sst s1  }
0xa: {  	[smem:$0x3FAB] =	sst s2  }
0xb: {  	[smem:$0x3FAC] =	sst s3  }
0xc: {  	[smem:$0x3FAD] =	sst s4  }
0xd: {  	[smem:$0x3FAE] =	sst s5  }
0xe: {  	[smem:$0x3FAF] =	sst s6  }
0xf: {  	[smem:$0x3FB0] =	sst s7  }
0x10: {  	[smem:$0x3FB1] =	sst s8  }
0x11: {  	[smem:$0x3FB2] =	sst s9;
	s0 =	simm.s32 @!p0 $0x0  }
0x12: {  	s1 =	sld [smem:$0x3F98];
	s0 =	simm.s32 @p0 $0x1  }
0x13: {  	[smem:$0x3FB3] =	sst s0;
	s0 =	simm.s32 @!p1 $0x0  }
0x14: {  	s2 =	sld [smem:$0x3F97];
	s0 =	simm.s32 @p1 $0x1  }
0x15: {  	[smem:$0x3FB4] =	sst s0;
	s0 =	simm.s32 @!p2 $0x0  }
0x16: {  	s3 =	sld [smem:$0x3FDB];
	s0 =	simm.s32 @p2 $0x1  }
0x17: {  	s4 =	simm.s32 $0x1BF5;
	[smem:$0x3FB6] =	sst s0  }
0x18: {  	s0 =	sld [smem:$0x3F99];
	_ =	swait.ge [sflag:s4], $0x0  }
0x19: {  	s7 =	sld [smem:$0x3F9A]  }
0x1a: {  	s8 =	sadd.s32 $0xFFFFE003, lr  }
0x1b: {  	s9 =	sadd.s32 $0xFFFFFEF7, lr;
	s5 =	simm.s32 $0xFFFFFFFF;
	p2 =	slt.u32 s8, $0xFFFFF086  }
0x1c: {  	p1 =	slt.u32 s9, $0xF7A;
	s5 =	simm.s32 @!p2 $0x0  }
0x1d: {  	s5 =	simm.s32 @p1 $0x1;
	p0 =	seq.s32 s7, s2  }
0x1e: {  	s7 =	smul.u32 @!p0 $0xF7A, s2;
	p2 =	seq.s32 @!p0 s5, $0x0  }
0x1f: {  	s9 =	smul.u32 $0xF7A, s1;
	s8 =	simm.s32 @!p0 $0x1BF5;
	p2 =	por !p2, p0  }
0x20: {  	[sflag:s8] =	ssyncset.s32 @!p0 $0xFFFFF086;
	s6 =	sadd.s32 @!p0 s3, s7;
	s7 =	simm.s32 @!p0 $0x108  }
0x21: {  	s3 =	sadd.s32 s3, s9;
	s6 =	sadd.s32 @!p0 $0x88, s6;
	s7 =	simm.s32 @p2 $0x1082  }
0x22: {  	[simem:s7], [sflag:s8] =	dma.local @!p0 [hbm:s6], $0xF7A  }
0x23: {  	s9 =	sor.u32 $0xD0000000, s2;
	s6 =	simm.s32 $0x108;
	_ =	swait.ge @!p0 [sflag:s8], $0x0  }
0x24: {  	s3 =	sadd.s32 $0x88, s3;
	s6 =	simm.s32 @!p1 $0x1082;
	[sflag:s4] =	ssyncset.s32 $0xFFFFF086  }
0x25: {  	[simem:s6], [sflag:s4] =	dma.local [hbm:s3], $0xF7A  }
0x26: {  	[smem:$0x3F9A] =	sst s1;
	(tag) =	ssettag s2;
	_ =	strace s9  }
0x27: {  	s1 =	sld [smem:$0x3FAA]  }
0x28: {  	s2 =	sld [smem:$0x3FAB]  }
0x29: {  	s4 =	sld [smem:$0x3FAD]  }
0x2a: {  	p0 =	seq.s32 s5, $0x0;
	s5 =	sld [smem:$0x3FAE]  }
0x2b: {  	s6 =	sld [smem:$0x3FAF]  }
0x2c: {  	s7 =	sld [smem:$0x3FB0]  }
0x2d: {  	s3 =	simm.s32 $0x108;
	s8 =	sld [smem:$0x3FB1]  }
0x2e: {  	s3 =	simm.s32 @!p0 $0x1082;
	s9 =	sld [smem:$0x3FB2]  }
0x2f: {  	lr =	sadd.s32 s0, s3;
	s0 =	sld [smem:$0x3FA9]  }
0x30: {  	s3 =	sld [smem:$0x3FAC]  }
0x31: {  	[smem:$0x3FB5] =	sst s10  }
0x32: {  	s10 =	sld [smem:$0x3FB3];
	_ =	sdelay $0x3  }
0x33: {  	p0 =	seq.s32 s10, $0x1;
	s10 =	sld [smem:$0x3FB5];
	_ =	sdelay $0x3  }
0x34: {  	[smem:$0x3FB5] =	sst s10  }
0x35: {  	s10 =	sld [smem:$0x3FB4];
	_ =	sdelay $0x3  }
0x36: {  	p1 =	seq.s32 s10, $0x1;
	s10 =	sld [smem:$0x3FB5];
	_ =	sdelay $0x3  }
0x37: {  	[smem:$0x3FB5] =	sst s10  }
0x38: {  	s10 =	sld [smem:$0x3FB6]  }
0x39: {  	_ = 	snop;
	(pc) =	sbr.ind lr, $3  }
0x3a: {  	_ = 	snop  }
0x3b: {  	_ = 	snop  }
0x3c: {  	p2 =	seq.s32 s10, $0x1;
	s10 =	sld [smem:$0x3FB5]  }
0x3d: {  	_ =	shalt  }
0x3e: {  	_ =	shalt  }
0x3f: {  	_ =	shalt  }
0x40: {  	_ =	shalt  }
0x41: {  	_ =	shalt  }
0x42: {  	_ =	shalt  }
0x43: {  	_ =	shalt  }
0x44: {  	_ =	shalt  }
0x45: {  	_ =	shalt  }
0x46: {  	_ =	shalt  }
0x47: {  	_ =	shalt  }
0x48: {  	_ =	shalt  }
0x49: {  	_ =	shalt  }
0x4a: {  	_ =	shalt  }
0x4b: {  	_ =	shalt  }
0x4c: {  	_ =	shalt  }
0x4d: {  	_ =	shalt  }
0x4e: {  	_ =	shalt  }
0x4f: {  	_ =	shalt  }
0x50: {  	_ =	shalt  }
0x51: {  	_ =	shalt  }
0x52: {  	_ =	shalt  }
0x53: {  	_ =	shalt  }
0x54: {  	_ =	shalt  }
0x55: {  	_ =	shalt  }
0x56: {  	_ =	shalt  }
0x57: {  	_ =	shalt  }
0x58: {  	_ =	shalt  }
0x59: {  	_ =	shalt  }
0x5a: {  	_ =	shalt  }
0x5b: {  	_ =	shalt  }
0x5c: {  	_ =	shalt  }
0x5d: {  	_ =	shalt  }
0x5e: {  	_ =	shalt  }
0x5f: {  	_ =	shalt  }
0x60: {  	_ =	shalt  }
0x61: {  	_ =	shalt  }
0x62: {  	_ =	shalt  }
0x63: {  	_ =	shalt  }
0x64: {  	_ =	shalt  }
0x65: {  	_ =	shalt  }
0x66: {  	_ =	shalt  }
0x67: {  	_ =	shalt  }
0x68: {  	_ =	shalt  }
0x69: {  	_ =	shalt  }
0x6a: {  	_ =	shalt  }
0x6b: {  	_ =	shalt  }
0x6c: {  	_ =	shalt  }
0x6d: {  	_ =	shalt  }
0x6e: {  	_ =	shalt  }
0x6f: {  	_ =	shalt  }
0x70: {  	_ =	shalt  }
0x71: {  	_ =	shalt  }
0x72: {  	_ =	shalt  }
0x73: {  	_ =	shalt  }
0x74: {  	_ =	shalt  }
0x75: {  	_ =	shalt  }
0x76: {  	_ =	shalt  }
0x77: {  	_ =	shalt  }
0x78: {  	_ =	shalt  }
0x79: {  	_ =	shalt  }
0x7a: {  	_ =	shalt  }
0x7b: {  	_ =	shalt  }
0x7c: {  	_ =	shalt  }
0x7d: {  	_ =	shalt  }
0x7e: {  	_ =	shalt  }
0x7f: {  	_ =	shalt  }
0x80: {  	_ =	shalt  }
0x81: {  	_ =	shalt  }
0x82: {  	_ =	shalt  }
0x83: {  	_ =	shalt  }
0x84: {  	_ =	shalt  }
0x85: {  	_ =	shalt  }
0x86: {  	_ =	shalt  }
0x87: {  	_ =	shalt  }
.Lfunc_end0:
.L_simem_size_0:
called_computation.1_lowered:
.L_overlay_start_0:
0x88: {  	s2 =	sld [smem:$0x3FD9]  }
0x89: {  	s3 =	sld [smem:$0x3FFE];
	_ =	sdelay $0x1  }
0x8a: {  	s1 =	srdreg.scid  }
0x8b: {  	s0 =	sand.u32 $0x1, s1  }
0x8c: {  	s14 =	sshll.u32 s0, $0xA;
	s2 =	sadd.s32 s3, s2  }
0x8d: {  	s2 =	sadd.s32 s2, s14  }
0x8e: {  	[smem:$0x3FC1] =	sst s2  }
0x8f: {  	_ = 	snop  }
0x90: {  	s2 =	sld [smem:$0x3FD0];
	_ =	sdelay $0x2  }
0x91: {  	s15 =	simm.s32 $0xA;
	s4 =	simm.s32 $0x10  }
0x92: {  	[smem:s4], [sflag:s15] =	dma.local [hbm:s2], $0x1  }
0x93: {  	_ =	swait.eq [sflag:s15], $0x1  }
0x94: {  	[sflag:s15] =	ssyncset.done $0x0  }
0x95: {  	[sflag:s15] =	ssyncadd.s32 $0xFFFFFFFF  }
0x96: {  	s16 =	sld [smem:$0x10];
	(tm) =	ssettm $0x1  }
0x97: {  	s17 =	sld [smem:$0x3FFB];
	_ =	sdelay $0x3  }
0x98: {  	_ =	strace s17  }
0x99: {  	s3 =	sld [smem:$0x3FFC];
	_ =	sdelay $0x3  }
0x9a: {  	_ =	strace s3  }
0x9b: {  	s3 =	sld [smem:$0x3FFD];
	_ =	sdelay $0x3  }
0x9c: {  	_ =	strace s3  }
0x9d: {  	_ =	strace $0x8FFFFFFF  }
0x9e: {  	s18 =	sld [smem:$0x3FDB];
	_ =	sdelay $0x1  }
0x9f: {  	s19 =	simm.s32 $_scs_section_size  }
0xa0: {  	s5 =	simm.s32 $_size__tile_overlayer_lowered;
	s6 =	simm.s32 $_tile_overlayer_lowered  }
0xa1: {  	s22 =	simm.s32 $0x1BFF;
	s21 =	sshll.u32 s6, $0x1;
	s3 =	sadd.s32 s19, s18  }
0xa2: {  	s7 =	simm.s32 $0x0;
	s20 =	sshll.u32 s5, $0x1;
	s5 =	sadd.s32 s21, s3  }
0xa3: {  	[timem:s7], [sflag:s22] =	dma.local [hbm:s5], s20  }
0xa4: {  	_ =	swait.ge [sflag:s22], s20  }
0xa5: {  	s4 =	ssub.s32 $0x0, s20;
	[sflag:s22] =	ssyncset.done $0x0  }
0xa6: {  	[sflag:s22] =	ssyncadd.s32 s4;
	_ =	sdelay $0x1  }
0xa7: {  	s23 =	simm.s32 $0x1B8B  }
0xa8: {  	_ =	swait.ge [sflag:s23], $0x1  }
0xa9: {  	[sflag:s23] =	ssyncset.done $0x0  }
0xaa: {  	s25 =	simm.s32 $0x1B8E;
	s24 =	sld [smem:$0x3FFE];
	[sflag:s23] =	ssyncadd.s32 $0xFFFFFFFF  }
0xab: {  	s26 =	simm.s32 $execute0_lowered;
	[smem:$0x3FD2] =	sst s25  }
0xac: {  	s5 =	sshll.u32 s26, $0x1;
	_ =	strace $0x80000049;
	[dreg:$0x1] =	wrdreg $0xFFFFFFFF  }
0xad: {  	s28 =	simm.s32 $_size_execute0_lowered;
	s3 =	sadd.s32 s3, s5;
	[dreg:$0x0] =	wrdreg $0x0  }
0xae: {  	s5 =	sshll.u32 s28, $0x1;
	[dreg:$0x2] =	wrdreg s3  }
0xaf: {  	[dreg:$0x3] =	wrdreg s5  }
0xb0: {  	[dreg:$0x4] =	wrdreg $0xC0  }
0xb1: {  	_ =	task [dreg:s7], $0x5FFFF  }
0xb2: {  	[dreg:$0x1] =	wrdreg $0xFFFFFFFF  }
0xb3: {  	[dreg:$0x0] =	wrdreg $0x60  }
0xb4: {  	[dreg:$0x2] =	wrdreg s24  }
0xb5: {  	[dreg:$0x3] =	wrdreg s16  }
0xb6: {  	[dreg:$0x4] =	wrdreg $0x9  }
0xb7: {  	_ =	task.clear_ibuf [dreg:s7], $0x5FFFF;
	_ =	strace $0x90000049  }
0xb8: {  	s29 =	simm.s32 $0x9;
	_ =	strace $0x8000004B  }
0xb9: {  	_ =	swait.ge [sflag:s29], $0x1  }
0xba: {  	[sflag:s29] =	ssyncadd.s32 $0xFFFFFFFF  }
0xbb: {  	_ =	strace $0x9000004B  }
0xbc: {  	_ =	sfence  }
0xbd: {  	s30 =	sld [smem:$0x0];
	_ =	sdelay $0x2  }
0xbe: {  	s31 =	sshll.u32 s1, $0xD;
	s1 =	sshrl.u32 s1, $0x2  }
0xbf: {  	s3 =	sand.u32 $0x4000, s31;
	s1 =	sadd.s32 s1, s30  }
0xc0: {  	s0 =	sor.u32 s3, s0;
	s1 =	sshll.u32 s1, $0x11  }
0xc1: {  	s0 =	sor.u32 s1, s0  }
0xc2: {  	s0 =	sadd.s32 $0x8F2B, s0  }
0xc3: {  	[sflag:s0] =	ssyncadd.remote.s32 $0x1  }
0xc4: {  	_ =	sfence.sel $0xFFFF  }
0xc5: {  	[dreg:$0x0] =	wrdreg $0xFFFFFFFF;
	(pc) =	sbr.abs _section_cstart, $3  }
0xc6: {  	[dreg:$0x1] =	wrdreg $0xFFFFFFFF  }
0xc7: {  	_ =	task.clear_ibuf [dreg:s7], $0x2FFFF;
	_ =	strace $0x9FFFFFFF  }
0xc8: {  	(tm) =	ssettm $0x7FFFFFFF  }
0xc9: {  	_ =	shalt  }
tec
execute0_lowered:
.L_overlay_start_1:
0x0: {  	(tag) =	ssettag $0x1  }
0x1: {  	s0 =	rddreg [dreg:$0x0]  }
0x2: {  	s1 =	simm.s32 $0x0;
	s24 =	srdreg.scid;
	s7 =	stileid.u32  }
0x3: {  	s12 =	simm.s32 $0x3;
	s19 =	simm.s32 $0x3900;
	s20 =	simm.s32 $0x4100  }
0x4: {  	s21 =	simm.s32 $0x4900;
	s22 =	simm.s32 $0x5100;
	s23 =	simm.s32 $0x5900  }
0x5: {  	s28 =	simm.s32 $0x7900;
	s29 =	simm.s32 $0x8100;
	s30 =	simm.s32 $0x8900  }
0x6: {  	s31 =	simm.s32 $0x1;
	[smem:$0x7FF] =	sst s1;
	s1 =	sand.u32 $0x1, s24  }
0x7: {  	s4 =	sadd.s32 $0x190400, s0;
	s5 =	sadd.s32 $0x10200, s0;
	s6 =	sadd.s32 $0x200, s0  }
0x8: {  	s25 =	sshll.u32 s7, $0x7;
	s8 =	sadd.s32 $0x190500, s0;
	s9 =	sadd.s32 $0x190600, s0  }
0x9: {  	v2 =	vlaneseq.u32;
	s10 =	sadd.s32 $0x190700, s0;
	s24 =	simm.s32 $0x6100;
	s2 =	ssub.s32 $0x2, s1  }
0xa: {  	v0 =	vand.u32 $0x7, v2;
	v1 =	vshrl.u32 v2, $0x3;
	s0 =	simm.s32 $0x2;
	s1 =	sshll.u32 s1, $0x6;
	s3 =	sshrl.u32 s2, $0x1  }
0xb: {  	v63 =	vor.u32 $0x8, v2;
	_ =	strace $0x8000004A;
	[tilespmem:$0x1FFD0] =	vst v0;
	v62 =	vmul.u32 $0x8, v1;
	s7 =	sor.u32 s1, s25;
	s2 =	ssub.s32 s2, s3  }
0xc: {  	[tilespmem:$0x1FFF0] =	vst v63;
	s25 =	simm.s32 $0x6900;
	s3 =	simm.s32 $0x9100;
	s26 =	smax.u32 s2, $0x1  }
0xd: {  	vm0 =	vmmov $0xffff;
	[tilespmem:$0x1FFE0] =	vst v62;
	s2 =	simm.s32 $0x0;
	[dreg:$0x3] =	wrdreg s26;
	s26 =	simm.s32 $0x7100  }
.LBB2_1:
0xe: {  	[dreg:$0x4] =	wrdreg s2;
	s11 =	simm.s32 $0x0  }
.LBB2_2:
0xf: {  	s1 =	sshll.u32 s11, $0x4  }
0x10: {  	s1 =	sadd.s32 s7, s1  }
0x11: {  	s2 =	sshrl.u32 s1, $0x3  }
0x12: {  	s13 =	sadd.s32 s5, s2;
	s2 =	simm.s32 $0x0  }
0x13: {  	[tilespmem:s2], [sflag:$0x3] =	stream.linear.gather [hbm4b:s13+s2], $0x10, $0x38;
	[tilespmem:$0xD100] =	vst v63  }
0x14: {  	s14 =	sor.u32 $0x800, s1;
	_ =	swait.ge [sflag:s12], $0x10  }
0x15: {  	s16 =	sshrl.u32 s14, $0x3;
	[sflag:s12] =	ssyncset.done $0x0  }
0x16: {  	s15 =	simm.s32 $0x80;
	s13 =	sadd.s32 s5, s16;
	[sflag:s12] =	ssyncadd.s32 $0xFFFFFFF0  }
0x17: {  	[tilespmem:s15], [sflag:$0x3] =	stream.linear.gather [hbm4b:s13+s2], $0x10, $0x38;
	[tilespmem:$0xD100] =	vst v63  }
0x18: {  	_ =	swait.ge [sflag:s12], $0x10  }
0x19: {  	s17 =	sshll.u32 s1, $0x4;
	[sflag:s12] =	ssyncset.done $0x0  }
0x1a: {  	s18 =	sadd.s32 s6, s17;
	s13 =	simm.s32 $0x100;
	[sflag:s12] =	ssyncadd.s32 $0xFFFFFFF0  }
0x1b: {  	[tilespmem:s13], [sflag:$0x3] =	stream.linear.gather [hbm4b:s18+s2], $0x800, $0x38;
	[tilespmem:$0xD100] =	vst v63  }
0x1c: {  	_ =	swait.ge [sflag:s12], $0x800  }
0x1d: {  	s14 =	sshll.u32 s14, $0x4;
	[sflag:s12] =	ssyncset.done $0x0  }
0x1e: {  	s16 =	sadd.s32 s6, s14;
	s14 =	simm.s32 $0x900;
	[sflag:s12] =	ssyncadd.s32 $0xFFFFF800  }
0x1f: {  	[tilespmem:s14], [sflag:$0x3] =	stream.linear.gather [hbm4b:s16+s2], $0x800, $0x38;
	[tilespmem:$0xD100] =	vst v63  }
0x20: {  	_ =	swait.ge [sflag:s12], $0x800  }
0x21: {  	[sflag:s12] =	ssyncset.done $0x0  }
0x22: {  	[sflag:s12] =	ssyncadd.s32 $0xFFFFF800  }
0x23: {  	v3 =	vld [tilespmem:$0x0];
	_ =	sdelay $0x2  }
0x24: {  	v0 =	vld [tilespmem:$0x1FFD0];
	_ =	sdelay $0x1  }
0x25: {  	v1 =	vld [tilespmem:$0x1FFE0];
	v4 =	vshll.u32 v3, $0x3  }
0x26: {  	v3 =	vand.u32 $0x7, v3;
	v4 =	vand.u32 $0xFFFFFFC0, v4  }
0x27: {  	v3 =	vor.u32 v3, v4  }
0x28: {  	v4 =	vperm.xlane v3, v0;
	_ =	sdelay $0x1  }
0x29: {  	v4 =	vadd.s32 v1, v4  }
0x2a: {  	v2 =	vld [tilespmem:$0x1FFF0];
	_ =	sdelay $0x2  }
0x2b: {  	s17 =	simm.s32 $0x1100  }
0x2c: {  	[tilespmem:s17], [sflag:$0x1] =	stream.indirect_vreg.gather [hbm4b:s4+s2], $0x80, v4, vm0, $0xb8;
	[tilespmem:$0xD100] =	vst v63  }
0x2d: {  	s18 =	simm.s32 $0x1900;
	v3 =	vperm.xlane v3, v2  }
0x2e: {  	[tilespmem:s18], [sflag:$0x1] =	stream.indirect_vreg.gather [hbm4b:s8+s2], $0x80, v4, vm0, $0xb8;
	[tilespmem:$0xD100] =	vst v63  }
0x2f: {  	s16 =	simm.s32 $0x2100;
	v3 =	vadd.s32 v1, v3  }
0x30: {  	[tilespmem:s16], [sflag:$0x1] =	stream.indirect_vreg.gather [hbm4b:s9+s2], $0x80, v4, vm0, $0xb8;
	[tilespmem:$0xD100] =	vst v63  }
0x31: {  	s17 =	simm.s32 $0x2900  }
0x32: {  	[tilespmem:s17], [sflag:$0x1] =	stream.indirect_vreg.gather [hbm4b:s10+s2], $0x80, v4, vm0, $0xb8;
	[tilespmem:$0xD100] =	vst v63  }
0x33: {  	s18 =	simm.s32 $0x3100  }
0x34: {  	[tilespmem:s18], [sflag:$0x1] =	stream.indirect_vreg.gather [hbm4b:s4+s2], $0x80, v3, vm0, $0xb8;
	[tilespmem:$0xD100] =	vst v63  }
0x35: {  	_ = 	snop  }
0x36: {  	[tilespmem:s19], [sflag:$0x1] =	stream.indirect_vreg.gather [hbm4b:s8+s2], $0x80, v3, vm0, $0xb8;
	[tilespmem:$0xD100] =	vst v63  }
0x37: {  	_ = 	snop  }
0x38: {  	[tilespmem:s20], [sflag:$0x1] =	stream.indirect_vreg.gather [hbm4b:s9+s2], $0x80, v3, vm0, $0xb8;
	[tilespmem:$0xD100] =	vst v63  }
0x39: {  	_ = 	snop  }
0x3a: {  	[tilespmem:s21], [sflag:$0x1] =	stream.indirect_vreg.gather [hbm4b:s10+s2], $0x80, v3, vm0, $0xb8;
	[tilespmem:$0xD100] =	vst v63  }
0x3b: {  	v3 =	vld [tilespmem:$0x80];
	_ =	sdelay $0x4  }
0x3c: {  	v63 =	vshll.u32 v3, $0x3  }
0x3d: {  	v3 =	vand.u32 $0x7, v3;
	v4 =	vand.u32 $0xFFFFFFC0, v63  }
0x3e: {  	v3 =	vor.u32 v3, v4  }
0x3f: {  	v4 =	vperm.xlane v3, v0;
	_ =	sdelay $0x1  }
0x40: {  	v4 =	vadd.s32 v1, v4;
	_ =	sdelay $0x4  }
0x41: {  	[tilespmem:s22], [sflag:$0x2] =	stream.indirect_vreg.gather [hbm4b:s4+s2], $0x80, v4, vm0, $0xb8;
	[tilespmem:$0xD100] =	vst v63  }
0x42: {  	v3 =	vperm.xlane v3, v2  }
0x43: {  	[tilespmem:s23], [sflag:$0x2] =	stream.indirect_vreg.gather [hbm4b:s8+s2], $0x80, v4, vm0, $0xb8;
	[tilespmem:$0xD100] =	vst v63  }
0x44: {  	v3 =	vadd.s32 v1, v3  }
0x45: {  	[tilespmem:s24], [sflag:$0x2] =	stream.indirect_vreg.gather [hbm4b:s9+s2], $0x80, v4, vm0, $0xb8;
	[tilespmem:$0xD100] =	vst v63  }
0x46: {  	_ = 	snop  }
0x47: {  	[tilespmem:s25], [sflag:$0x2] =	stream.indirect_vreg.gather [hbm4b:s10+s2], $0x80, v4, vm0, $0xb8;
	[tilespmem:$0xD100] =	vst v63  }
0x48: {  	_ = 	snop  }
0x49: {  	[tilespmem:s26], [sflag:$0x2] =	stream.indirect_vreg.gather [hbm4b:s4+s2], $0x80, v3, vm0, $0xb8;
	[tilespmem:$0xD100] =	vst v63  }
0x4a: {  	_ = 	snop  }
0x4b: {  	[tilespmem:s28], [sflag:$0x2] =	stream.indirect_vreg.gather [hbm4b:s8+s2], $0x80, v3, vm0, $0xb8;
	[tilespmem:$0xD100] =	vst v63  }
0x4c: {  	_ = 	snop  }
0x4d: {  	[tilespmem:s29], [sflag:$0x2] =	stream.indirect_vreg.gather [hbm4b:s9+s2], $0x80, v3, vm0, $0xb8;
	[tilespmem:$0xD100] =	vst v63  }
0x4e: {  	_ = 	snop  }
0x4f: {  	[tilespmem:s30], [sflag:$0x2] =	stream.indirect_vreg.gather [hbm4b:s10+s2], $0x80, v3, vm0, $0xb8;
	[tilespmem:$0xD100] =	vst v63  }
0x50: {  	_ =	swait.ge [sflag:s31], $0x4000  }
0x51: {  	[sflag:s31] =	ssyncset.done $0x0  }
0x52: {  	[sflag:s31] =	ssyncadd.s32 $0xFFFFC000  }
0x53: {  	_ =	swait.ge [sflag:s0], $0x4000  }
0x54: {  	[sflag:s0] =	ssyncset.done $0x0  }
0x55: {  	s15 =	simm.s32 $0x0;
	s16 =	simm.s32 $0x0;
	[sflag:s0] =	ssyncadd.s32 $0xFFFFC000  }
.LBB2_3:
0x56: {  	v3 =	vld [tilespmem:s13+$0x0];
	s17 =	sand.u32 $0x2000, s15;
	s18 =	sand.u32 $0x380, s16  }
0x57: {  	v4 =	vld [tilespmem:s14+$0x0];
	s17 =	sor.u32 s18, s17  }
0x58: {  	v6 =	vld [tilespmem:s17+$0x1100]  }
0x59: {  	v7 =	vld [tilespmem:s17+$0x5100]  }
0x5a: {  	v10 =	vld [tilespmem:s17+$0x1110]  }
0x5b: {  	v11 =	vld [tilespmem:s17+$0x5110]  }
0x5c: {  	v14 =	vld [tilespmem:s17+$0x1120]  }
0x5d: {  	v17 =	vld [tilespmem:s17+$0x5120]  }
0x5e: {  	v20 =	vld [tilespmem:s17+$0x1130]  }
0x5f: {  	v21 =	vld [tilespmem:s17+$0x5130]  }
0x60: {  	v26 =	vld [tilespmem:s17+$0x1140]  }
0x61: {  	v27 =	vld [tilespmem:s17+$0x5140]  }
0x62: {  	v28 =	vld [tilespmem:s17+$0x1150]  }
0x63: {  	v29 =	vld [tilespmem:s17+$0x5150]  }
0x64: {  	v30 =	vld [tilespmem:s17+$0x1160]  }
0x65: {  	v31 =	vld [tilespmem:s17+$0x5160]  }
0x66: {  	v32 =	vld [tilespmem:s17+$0x1170]  }
0x67: {  	v33 =	vld [tilespmem:s17+$0x5170]  }
0x68: {  	v34 =	vld [tilespmem:s17+$0x1500]  }
0x69: {  	v35 =	vld [tilespmem:s17+$0x5500]  }
0x6a: {  	v36 =	vld [tilespmem:s17+$0x1510]  }
0x6b: {  	v37 =	vld [tilespmem:s17+$0x5510]  }
0x6c: {  	v38 =	vld [tilespmem:s17+$0x1520]  }
0x6d: {  	v39 =	vld [tilespmem:s17+$0x5520]  }
0x6e: {  	v40 =	vld [tilespmem:s17+$0x1530]  }
0x6f: {  	v41 =	vld [tilespmem:s17+$0x5530]  }
0x70: {  	v42 =	vld [tilespmem:s17+$0x1540]  }
0x71: {  	v43 =	vld [tilespmem:s17+$0x5540]  }
0x72: {  	v44 =	vld [tilespmem:s17+$0x1550]  }
0x73: {  	v45 =	vld [tilespmem:s17+$0x5550]  }
0x74: {  	v46 =	vld [tilespmem:s17+$0x1560]  }
0x75: {  	v47 =	vld [tilespmem:s17+$0x5560]  }
0x76: {  	v48 =	vld [tilespmem:s17+$0x1570]  }
0x77: {  	v49 =	vld [tilespmem:s17+$0x5570]  }
0x78: {  	v50 =	vld [tilespmem:s17+$0x1900]  }
0x79: {  	v51 =	vld [tilespmem:s17+$0x5900]  }
0x7a: {  	v52 =	vld [tilespmem:s17+$0x1910]  }
0x7b: {  	v53 =	vld [tilespmem:s17+$0x5910]  }
0x7c: {  	v54 =	vld [tilespmem:s17+$0x1920]  }
0x7d: {  	v55 =	vld [tilespmem:s17+$0x5920]  }
0x7e: {  	v56 =	vld [tilespmem:s17+$0x1930]  }
0x7f: {  	v57 =	vld [tilespmem:s17+$0x5930]  }
0x80: {  	v58 =	vld [tilespmem:s17+$0x1940]  }
0x81: {  	v59 =	vld [tilespmem:s17+$0x5940]  }
0x82: {  	v60 =	vld [tilespmem:s17+$0x1950]  }
0x83: {  	v61 =	vld [tilespmem:s17+$0x5950]  }
0x84: {  	v62 =	vld [tilespmem:s17+$0x1960]  }
0x85: {  	v63 =	vld [tilespmem:s17+$0x5960]  }
0x86: {  	v5 =	vld [tilespmem:s17+$0x1970]  }
0x87: {  	v2 =	vld [tilespmem:s17+$0x5970]  }
0x88: {  	v24 =	vld [tilespmem:s17+$0x1D00]  }
0x89: {  	v25 =	vld [tilespmem:s17+$0x5D00]  }
0x8a: {  	v22 =	vld [tilespmem:s17+$0x1D10]  }
0x8b: {  	v23 =	vld [tilespmem:s17+$0x5D10]  }
0x8c: {  	v18 =	vld [tilespmem:s17+$0x1D20]  }
0x8d: {  	v19 =	vld [tilespmem:s17+$0x5D20]  }
0x8e: {  	v15 =	vld [tilespmem:s17+$0x1D30]  }
0x8f: {  	v0 =	vld [tilespmem:s17+$0x1D60]  }
0x90: {  	v16 =	vld [tilespmem:s17+$0x5D30]  }
0x91: {  	v12 =	vld [tilespmem:s17+$0x1D40]  }
0x92: {  	v13 =	vld [tilespmem:s17+$0x5D40]  }
0x93: {  	v8 =	vld [tilespmem:s17+$0x1D50];
	v1 =	vmul.f32 v6, v3  }
0x94: {  	v9 =	vld [tilespmem:s17+$0x5D50];
	[tilespmem:$0x1FFC0] =	vst v0;
	v0 =	vmul.f32 v7, v4;
	v10 =	vmul.f32 v10, v3  }
0x95: {  	v7 =	vld [tilespmem:s17+$0x5D60];
	v11 =	vmul.f32 v11, v4;
	v14 =	vmul.f32 v14, v3  }
0x96: {  	v6 =	vld [tilespmem:s17+$0x1D70];
	v17 =	vmul.f32 v17, v4;
	v20 =	vmul.f32 v20, v3  }
0x97: {  	v21 =	vmul.f32 v21, v4;
	v26 =	vmul.f32 v26, v3;
	v1 =	vadd.f32 v0, v1;
	v0 =	vld [tilespmem:s17+$0x5D70]  }
0x98: {  	v5 =	vmul.f32 v5, v3;
	v2 =	vmul.f32 v2, v4;
	v10 =	vadd.f32 v11, v10;
	v11 =	vld [tilespmem:s17+$0x2100]  }
0x99: {  	v24 =	vmul.f32 v24, v3;
	v25 =	vmul.f32 v25, v4;
	[tilespmem:s17+$0x9100] =	vst v1;
	v1 =	vadd.f32 v17, v14;
	v14 =	vld [tilespmem:s17+$0x6100]  }
0x9a: {  	[tilespmem:s17+$0x9110] =	vst v10;
	v10 =	vadd.f32 v21, v20;
	v21 =	vmul.f32 v28, v3;
	v28 =	vmul.f32 v29, v4;
	v17 =	vld [tilespmem:s17+$0x2110]  }
0x9b: {  	v27 =	vmul.f32 v27, v4;
	v34 =	vmul.f32 v34, v3;
	v2 =	vadd.f32 v2, v5;
	v20 =	vld [tilespmem:s17+$0x6110]  }
0x9c: {  	v35 =	vmul.f32 v35, v4;
	v25 =	vadd.f32 v25, v24;
	[tilespmem:s17+$0x9130] =	vst v10;
	v10 =	vadd.f32 v28, v21;
	v21 =	vld [tilespmem:s17+$0x2120]  }
0x9d: {  	v29 =	vmul.f32 v33, v4;
	[tilespmem:s17+$0x9120] =	vst v1;
	v1 =	vadd.f32 v27, v26;
	v27 =	vmul.f32 v31, v4;
	v31 =	vld [tilespmem:s17+$0x2130]  }
0x9e: {  	[tilespmem:s17+$0x9970] =	vst v2;
	v26 =	vmul.f32 v30, v3;
	v28 =	vmul.f32 v32, v3;
	v32 =	vld [tilespmem:s17+$0x6130]  }
0x9f: {  	v38 =	vmul.f32 v38, v3;
	[tilespmem:s17+$0x9D00] =	vst v25;
	v30 =	vmul.f32 v15, v3;
	v15 =	vld [tilespmem:s17+$0x2540]  }
0xa0: {  	v39 =	vmul.f32 v39, v4;
	v33 =	vadd.f32 v27, v26;
	v26 =	vld [tilespmem:s17+$0x6120];
	[tilespmem:s17+$0x9150] =	vst v10;
	v10 =	vadd.f32 v29, v28  }
0xa1: {  	[tilespmem:s17+$0x9140] =	vst v1;
	v28 =	vmul.f32 v36, v3;
	v36 =	vmul.f32 v37, v4;
	v37 =	vadd.f32 v35, v34;
	v34 =	vld [tilespmem:s17+$0x6140]  }
0xa2: {  	v40 =	vmul.f32 v40, v3;
	v52 =	vmul.f32 v52, v3;
	v35 =	vld [tilespmem:s17+$0x2150];
	[tilespmem:s17+$0x9160] =	vst v33  }
0xa3: {  	v18 =	vmul.f32 v18, v3;
	v27 =	vld [tilespmem:s17+$0x6520];
	[tilespmem:s17+$0x9170] =	vst v10;
	v10 =	vadd.f32 v36, v28;
	v36 =	vmul.f32 v41, v4  }
0xa4: {  	v33 =	vld [tilespmem:s17+$0x2140];
	[tilespmem:s17+$0x9500] =	vst v37;
	v37 =	vadd.f32 v39, v38;
	v38 =	vmul.f32 v42, v3;
	v39 =	vmul.f32 v43, v4  }
0xa5: {  	v41 =	vmul.f32 v45, v4;
	v28 =	vld [tilespmem:s17+$0x2520];
	[tilespmem:s17+$0x9510] =	vst v10;
	v10 =	vadd.f32 v36, v40;
	v40 =	vmul.f32 v44, v3  }
0xa6: {  	v43 =	vmul.f32 v46, v3;
	[tilespmem:s17+$0x9520] =	vst v37;
	v42 =	vadd.f32 v39, v38;
	v44 =	vmul.f32 v47, v4;
	v36 =	vld [tilespmem:s17+$0x6150]  }
0xa7: {  	v46 =	vmul.f32 v48, v3;
	v47 =	vmul.f32 v49, v4;
	v37 =	vld [tilespmem:s17+$0x2160];
	[tilespmem:s17+$0x9530] =	vst v10;
	v45 =	vadd.f32 v41, v40  }
0xa8: {  	v49 =	vmul.f32 v50, v3;
	v50 =	vmul.f32 v51, v4;
	v38 =	vld [tilespmem:s17+$0x6160];
	[tilespmem:s17+$0x9540] =	vst v42;
	v48 =	vadd.f32 v44, v43  }
0xa9: {  	v19 =	vmul.f32 v19, v4;
	v39 =	vld [tilespmem:s17+$0x2170];
	v51 =	vadd.f32 v47, v46;
	v44 =	vmul.f32 v53, v4;
	[tilespmem:s17+$0x9550] =	vst v45  }
0xaa: {  	v46 =	vmul.f32 v54, v3;
	v47 =	vmul.f32 v55, v4;
	v40 =	vld [tilespmem:s17+$0x6170];
	[tilespmem:s17+$0x9560] =	vst v48;
	v45 =	vadd.f32 v50, v49  }
0xab: {  	v41 =	vld [tilespmem:s17+$0x2500];
	v53 =	vmul.f32 v59, v4;
	v55 =	vmul.f32 v60, v3;
	[tilespmem:s17+$0x9570] =	vst v51;
	v48 =	vadd.f32 v44, v52  }
0xac: {  	v42 =	vld [tilespmem:s17+$0x6500];
	v49 =	vmul.f32 v56, v3;
	v50 =	vmul.f32 v57, v4;
	v51 =	vadd.f32 v47, v46;
	[tilespmem:s17+$0x9900] =	vst v45  }
0xad: {  	v43 =	vld [tilespmem:s17+$0x2510];
	v59 =	vmul.f32 v63, v4;
	v52 =	vmul.f32 v58, v3;
	v46 =	vadd.f32 v19, v18;
	[tilespmem:s17+$0x9910] =	vst v48  }
0xae: {  	v63 =	vmul.f32 v23, v4;
	v23 =	vld [tilespmem:s17+$0x6530];
	v56 =	vmul.f32 v61, v4;
	v54 =	vadd.f32 v50, v49;
	[tilespmem:s17+$0x9920] =	vst v51  }
0xaf: {  	v58 =	vmul.f32 v62, v3;
	v44 =	vld [tilespmem:s17+$0x6510];
	v57 =	vadd.f32 v53, v52;
	[tilespmem:s17+$0x9D20] =	vst v46  }
0xb0: {  	v62 =	vmul.f32 v22, v3;
	v22 =	vld [tilespmem:s17+$0x2530];
	v60 =	vadd.f32 v56, v55;
	[tilespmem:s17+$0x9930] =	vst v54  }
0xb1: {  	v12 =	vmul.f32 v12, v3;
	v13 =	vmul.f32 v13, v4;
	v18 =	vld [tilespmem:s17+$0x2910];
	v61 =	vadd.f32 v59, v58;
	[tilespmem:s17+$0x9940] =	vst v57  }
0xb2: {  	v25 =	vmul.f32 v34, v4;
	v24 =	vmul.f32 v33, v3;
	v19 =	vld [tilespmem:s17+$0x6910];
	v29 =	vadd.f32 v63, v62;
	[tilespmem:s17+$0x9950] =	vst v60  }
0xb3: {  	v45 =	vmul.f32 v16, v4;
	v16 =	vld [tilespmem:s17+$0x6540];
	v48 =	vmul.f32 v8, v3;
	v50 =	vadd.f32 v13, v12;
	[tilespmem:s17+$0x9960] =	vst v61  }
0xb4: {  	v49 =	vmul.f32 v9, v4;
	v9 =	vld [tilespmem:s17+$0x2550];
	v63 =	vmul.f32 v31, v3;
	v31 =	vadd.f32 v25, v24;
	[tilespmem:s17+$0x9D10] =	vst v29  }
0xb5: {  	v0 =	vmul.f32 v0, v4;
	v51 =	vld [tilespmem:$0x1FFC0];
	v53 =	vmul.f32 v6, v3;
	v47 =	vadd.f32 v45, v30;
	[tilespmem:s17+$0x9D40] =	vst v50  }
0xb6: {  	v12 =	vld [tilespmem:s17+$0x6550];
	v55 =	vmul.f32 v11, v3;
	v56 =	vmul.f32 v14, v4;
	v52 =	vadd.f32 v49, v48;
	[tilespmem:s17+$0xA140] =	vst v31  }
0xb7: {  	v6 =	vld [tilespmem:s17+$0x2560];
	v58 =	vmul.f32 v20, v4;
	v20 =	vmul.f32 v32, v4;
	v0 =	vadd.f32 v0, v53;
	[tilespmem:s17+$0x9D30] =	vst v47  }
0xb8: {  	v33 =	vmul.f32 v38, v4;
	v11 =	vld [tilespmem:s17+$0x2570];
	v32 =	vmul.f32 v37, v3;
	v59 =	vadd.f32 v56, v55;
	[tilespmem:s17+$0x9D50] =	vst v52  }
0xb9: {  	v13 =	vld [tilespmem:s17+$0x6570];
	v57 =	vmul.f32 v17, v3;
	v61 =	vmul.f32 v26, v4;
	v26 =	vadd.f32 v20, v63;
	[tilespmem:s17+$0x9D70] =	vst v0  }
0xba: {  	v7 =	vmul.f32 v7, v4;
	v14 =	vld [tilespmem:s17+$0x2900];
	v60 =	vmul.f32 v21, v3;
	v37 =	vadd.f32 v33, v32;
	[tilespmem:s17+$0xA100] =	vst v59  }
0xbb: {  	v17 =	vld [tilespmem:s17+$0x6900];
	v29 =	vmul.f32 v35, v3;
	v30 =	vmul.f32 v36, v4;
	v62 =	vadd.f32 v58, v57;
	[tilespmem:s17+$0xA130] =	vst v26  }
0xbc: {  	v35 =	vmul.f32 v39, v3;
	v36 =	vmul.f32 v40, v4;
	v20 =	vld [tilespmem:s17+$0x2920];
	v21 =	vadd.f32 v61, v60;
	[tilespmem:s17+$0xA160] =	vst v37  }
0xbd: {  	v38 =	vmul.f32 v41, v3;
	v39 =	vmul.f32 v42, v4;
	v40 =	vld [tilespmem:s17+$0x6920];
	v34 =	vadd.f32 v30, v29;
	[tilespmem:s17+$0xA110] =	vst v62  }
0xbe: {  	v42 =	vmul.f32 v43, v3;
	v48 =	vld [tilespmem:s17+$0x6930];
	v43 =	vmul.f32 v44, v4;
	v41 =	vadd.f32 v36, v35;
	[tilespmem:s17+$0xA120] =	vst v21  }
0xbf: {  	v46 =	vmul.f32 v28, v3;
	v56 =	vld [tilespmem:s17+$0x6940];
	v45 =	vadd.f32 v39, v38;
	v47 =	vmul.f32 v27, v4;
	[tilespmem:s17+$0xA150] =	vst v34  }
0xc0: {  	v63 =	vld [tilespmem:s17+$0x6950];
	v50 =	vmul.f32 v22, v3;
	v10 =	vmul.f32 v51, v3;
	v49 =	vadd.f32 v43, v42;
	[tilespmem:s17+$0xA170] =	vst v41  }
0xc1: {  	v31 =	vld [tilespmem:s17+$0x6960];
	v33 =	vmul.f32 v18, v3;
	v51 =	vmul.f32 v23, v4;
	[tilespmem:s17+$0xA500] =	vst v45;
	v53 =	vadd.f32 v47, v46  }
0xc2: {  	v44 =	vld [tilespmem:s17+$0x2930];
	v58 =	vmul.f32 v9, v3;
	v59 =	vmul.f32 v12, v4;
	v54 =	vadd.f32 v7, v10;
	[tilespmem:s17+$0xA510] =	vst v49  }
0xc3: {  	v52 =	vld [tilespmem:s17+$0x2940];
	v23 =	vmul.f32 v11, v3;
	v26 =	vmul.f32 v13, v4;
	v57 =	vadd.f32 v51, v50;
	[tilespmem:s17+$0xA520] =	vst v53  }
0xc4: {  	v60 =	vld [tilespmem:s17+$0x2950];
	v55 =	vmul.f32 v16, v4;
	v34 =	vmul.f32 v19, v4;
	v16 =	vadd.f32 v59, v58;
	[tilespmem:s17+$0x9D60] =	vst v54  }
0xc5: {  	v27 =	vld [tilespmem:s17+$0x2960];
	v29 =	vmul.f32 v14, v3;
	v30 =	vmul.f32 v17, v4;
	v32 =	vadd.f32 v26, v23;
	[tilespmem:s17+$0xA530] =	vst v57  }
0xc6: {  	v35 =	vld [tilespmem:s17+$0x2970];
	v37 =	vmul.f32 v20, v3;
	v38 =	vmul.f32 v40, v4;
	v40 =	vadd.f32 v34, v33;
	[tilespmem:s17+$0xA550] =	vst v16  }
0xc7: {  	v39 =	vld [tilespmem:s17+$0x6970];
	v42 =	vmul.f32 v48, v4;
	v41 =	vmul.f32 v44, v3;
	v36 =	vadd.f32 v30, v29;
	[tilespmem:s17+$0xA570] =	vst v32  }
0xc8: {  	v10 =	vld [tilespmem:s17+$0x6560];
	v54 =	vmul.f32 v15, v3;
	v43 =	vadd.f32 v38, v37;
	[tilespmem:s17+$0xA910] =	vst v40  }
0xc9: {  	v45 =	vmul.f32 v56, v4;
	v44 =	vmul.f32 v52, v3;
	v46 =	vadd.f32 v42, v41;
	[tilespmem:s17+$0xA900] =	vst v36  }
0xca: {  	v48 =	vmul.f32 v63, v4;
	v47 =	vmul.f32 v60, v3;
	v61 =	vadd.f32 v55, v54;
	[tilespmem:s17+$0xA920] =	vst v43  }
0xcb: {  	v51 =	vmul.f32 v31, v4;
	v50 =	vmul.f32 v27, v3;
	v49 =	vadd.f32 v45, v44;
	[tilespmem:s17+$0xA930] =	vst v46  }
0xcc: {  	v53 =	vmul.f32 v35, v3;
	v52 =	vadd.f32 v48, v47;
	v54 =	vmul.f32 v39, v4;
	[tilespmem:s17+$0xA540] =	vst v61  }
0xcd: {  	v6 =	vmul.f32 v6, v3;
	v55 =	vadd.f32 v51, v50;
	v62 =	vmul.f32 v10, v4;
	[tilespmem:s17+$0xA940] =	vst v49  }
0xce: {  	s18 =	sand.u32 $0x7, s2;
	[tilespmem:s17+$0xA950] =	vst v52;
	v56 =	vadd.f32 v54, v53  }
0xcf: {  	s18 =	sshll.u32 s18, $0x7;
	[tilespmem:s17+$0xA960] =	vst v55;
	v28 =	vadd.f32 v62, v6  }
0xd0: {  	s18 =	sadd.s32 s18, s15;
	[tilespmem:s17+$0xA970] =	vst v56  }
0xd1: {  	[tilespmem:s17+$0xA560] =	vst v28;
	s17 =	sor.u32 $0x1C00, s18  }
0xd2: {  	v0 =	vld [tilespmem:s17+$0x1100]  }
0xd3: {  	v1 =	vld [tilespmem:s17+$0x5100];
	_ =	sdelay $0x4  }
0xd4: {  	v0 =	vmul.f32 v0, v3;
	v1 =	vmul.f32 v1, v4;
	_ =	sdelay $0x1  }
0xd5: {  	v0 =	vadd.f32 v1, v0;
	_ =	sdelay $0x1  }
0xd6: {  	[tilespmem:s17+$0x9100] =	vst v0;
	s17 =	sor.u32 $0x1C10, s18  }
0xd7: {  	v0 =	vld [tilespmem:s17+$0x1100]  }
0xd8: {  	v57 =	vld [tilespmem:s17+$0x5100];
	_ =	sdelay $0x4  }
0xd9: {  	v0 =	vmul.f32 v0, v3;
	v1 =	vmul.f32 v57, v4;
	_ =	sdelay $0x1  }
0xda: {  	v0 =	vadd.f32 v1, v0;
	_ =	sdelay $0x1  }
0xdb: {  	[tilespmem:s17+$0x9100] =	vst v0;
	s17 =	sor.u32 $0x1C20, s18  }
0xdc: {  	v0 =	vld [tilespmem:s17+$0x1100]  }
0xdd: {  	v58 =	vld [tilespmem:s17+$0x5100];
	_ =	sdelay $0x4  }
0xde: {  	v0 =	vmul.f32 v0, v3;
	v1 =	vmul.f32 v58, v4;
	_ =	sdelay $0x1  }
0xdf: {  	v0 =	vadd.f32 v1, v0;
	_ =	sdelay $0x1  }
0xe0: {  	[tilespmem:s17+$0x9100] =	vst v0;
	s17 =	sor.u32 $0x1C30, s18  }
0xe1: {  	v0 =	vld [tilespmem:s17+$0x1100]  }
0xe2: {  	v59 =	vld [tilespmem:s17+$0x5100];
	_ =	sdelay $0x4  }
0xe3: {  	v0 =	vmul.f32 v0, v3;
	v1 =	vmul.f32 v59, v4;
	_ =	sdelay $0x1  }
0xe4: {  	v0 =	vadd.f32 v1, v0;
	_ =	sdelay $0x1  }
0xe5: {  	[tilespmem:s17+$0x9100] =	vst v0;
	s17 =	sor.u32 $0x1C40, s18  }
0xe6: {  	v0 =	vld [tilespmem:s17+$0x1100]  }
0xe7: {  	v60 =	vld [tilespmem:s17+$0x5100];
	_ =	sdelay $0x4  }
0xe8: {  	v0 =	vmul.f32 v0, v3;
	v1 =	vmul.f32 v60, v4;
	_ =	sdelay $0x1  }
0xe9: {  	v0 =	vadd.f32 v1, v0;
	_ =	sdelay $0x1  }
0xea: {  	[tilespmem:s17+$0x9100] =	vst v0;
	s17 =	sor.u32 $0x1C50, s18  }
0xeb: {  	v0 =	vld [tilespmem:s17+$0x1100]  }
0xec: {  	v61 =	vld [tilespmem:s17+$0x5100];
	_ =	sdelay $0x4  }
0xed: {  	v0 =	vmul.f32 v0, v3;
	v1 =	vmul.f32 v61, v4;
	_ =	sdelay $0x1  }
0xee: {  	v0 =	vadd.f32 v1, v0;
	_ =	sdelay $0x1  }
0xef: {  	[tilespmem:s17+$0x9100] =	vst v0;
	s17 =	sor.u32 $0x1C60, s18  }
0xf0: {  	v0 =	vld [tilespmem:s17+$0x1100]  }
0xf1: {  	v62 =	vld [tilespmem:s17+$0x5100];
	_ =	sdelay $0x4  }
0xf2: {  	v0 =	vmul.f32 v0, v3;
	v1 =	vmul.f32 v62, v4;
	_ =	sdelay $0x1  }
0xf3: {  	v0 =	vadd.f32 v1, v0;
	_ =	sdelay $0x1  }
0xf4: {  	s18 =	sor.u32 $0x1C70, s18;
	[tilespmem:s17+$0x9100] =	vst v0  }
0xf5: {  	v0 =	vld [tilespmem:s18+$0x1100]  }
0xf6: {  	v63 =	vld [tilespmem:s18+$0x5100];
	_ =	sdelay $0x3  }
0xf7: {  	p0 =	sne.s32 s16, $0x780  }
.Ltmp0:
0xf8: {  	v0 =	vmul.f32 v0, v3;
	v1 =	vmul.f32 v63, v4;
	(pc) =	sbr.rel @p0 .LBB2_3-.Ltmp0, $4  }
0xf9: {  	_ = 	snop  }
0xfa: {  	v0 =	vadd.f32 v1, v0  }
0xfb: {  	s13 =	sadd.s32 $0x80, s13;
	s14 =	sadd.s32 $0x80, s14  }
0xfc: {  	s16 =	sadd.s32 $0x80, s16;
	s2 =	sadd.s32 $0x1, s2;
	s15 =	sadd.s32 $0x400, s15;
	[tilespmem:s18+$0x9100] =	vst v0  }
0xfd: {  	s11 =	sadd.s32 $0x1, s11  }
0xfe: {  	s1 =	sshll.u32 s1, $0x7;
	s2 =	rddreg [dreg:$0x1];
	p0 =	sne.s32 s11, $0x4  }
.Ltmp1:
0xff: {  	s18 =	simm.s32 $0x0;
	s1 =	sadd.s32 s2, s1;
	(pc) =	sbr.rel @p0 .LBB2_2-.Ltmp1, $4  }
0x100: {  	[hbm4b:s1+s18] =	stream.linear.scatter [tilespmem:s3], [sflag:$0x3], $0x4000, $0x38;
	[tilespmem:$0xD100] =	vst v63  }
0x101: {  	_ =	swait.ge [sflag:s12], $0x4000  }
0x102: {  	[sflag:s12] =	ssyncset.done $0x0  }
0x103: {  	[sflag:s12] =	ssyncadd.s32 $0xFFFFC000  }
0x104: {  	s2 =	rddreg [dreg:$0x4]  }
0x105: {  	s1 =	rddreg [dreg:$0x3];
	s2 =	sadd.s32 $0x1, s2  }
0x106: {  	p0 =	sne.s32 s2, s1  }
.Ltmp2:
0x107: {  	_ = 	snop;
	(pc) =	sbr.rel @p0 .LBB2_1-.Ltmp2, $1  }
0x108: {  	_ =	sdelay $0x3  }
0x109: {  	_ =	sfence.sel $0x180000  }
0x10a: {  	[bflag:$0x0] =	sbarrier.arrive $0xFFFF  }
0x10b: {  	_ =	strace $0x9000004A  }
0x10c: {  	s0 =	stileid.u32;
	[bflag:$0x2] =	sbarrier.arrive $0xFFFF  }
0x10d: {  	p0 =	sne.s32 s0, $0x0;
	s0 =	rddreg [dreg:$0x2]  }
0x10e: {  	s0 =	sadd.s32 @!p0 $0x100000, s0  }
0x10f: {  	[sflag:s0] =	ssyncadd.tile.s32 @!p0 $0x1;
	_ =	shalt  }
.Lfunc_end2:
_tile_overlayer_lowered:
.L_overlay_start_2:
0x110: {  	(tag) =	ssettag $0x2  }
0x111: {  	s0 =	rddreg [dreg:$0x0];
	s2 =	stileid.u32  }
0x112: {  	s1 =	rddreg [dreg:$0x1];
	p0 =	sne.s32 s2, $0x0  }
0x113: {  	s3 =	rddreg [dreg:$0x2];
	[bflag:$0x3] =	sbarrier.arrive $0xFFFF;
	s2 =	simm.s32 @!p0 $0x1C03  }
0x114: {  	[timem:s3], [sflag:s2] =	dma.local @!p0 [hbm:s0], s1  }
0x115: {  	s0 =	simm.s32 @!p0 $0x3  }
0x116: {  	_ =	swait.ge @!p0 [sflag:s0], s1  }
0x117: {  	s1 =	ssub.s32 @!p0 $0x0, s1;
	[sflag:s0] =	ssyncset.done @!p0 $0x0  }
0x118: {  	[sflag:s0] =	ssyncadd.s32 @!p0 s1  }
0x119: {  	[bflag:$0x3] =	sbarrier.arrive $0xFFFF  }
0x11a: {  	_ =	shalt  }

</sc_bundles>
